<compile_context>
chip_gen: v7x
topology: tpu7x:2x2x1
jax: 0.10.2.dev20260603
libtpu: 0.0.44.dev20260713+nightly
codegen_flags: <defaults>
</compile_context>

<pallas_src>
import functools

import jax
import jax.numpy as jnp
from jax import lax
from jax.experimental import pallas as pl
from jax.experimental.pallas import tpu as pltpu
from jax.experimental.pallas import tpu_sc as plsc

V = 100000
E = 200
EP = 256
H = 128
B = 4096
L = 50

_NW = 32
_CHUNK = 128


def _sc_gather(seq_flat, table_p):
    n = seq_flat.shape[0]
    per_w = n // _NW
    chunks = per_w // _CHUNK
    mesh = plsc.VectorSubcoreMesh(core_axis_name="c", subcore_axis_name="s")

    @functools.partial(
        pl.kernel,
        out_type=jax.ShapeDtypeStruct((n, 128), jnp.float32),
        mesh=mesh,
        scratch_types=[
            pltpu.VMEM((_CHUNK,), jnp.int32),
            pltpu.VMEM((_CHUNK, 128), jnp.float32),
            pltpu.SemaphoreType.DMA,
        ],
    )
    def gather_kernel(seq_hbm, table_hbm, out_hbm, idx_v, rows_v, sem):
        wid = lax.axis_index("s") * 2 + lax.axis_index("c")
        base = wid * per_w

        def body(g, carry):
            off = base + g * _CHUNK
            pltpu.sync_copy(seq_hbm.at[pl.ds(off, _CHUNK)], idx_v)
            pltpu.async_copy(table_hbm.at[idx_v], rows_v, sem).wait()
            pltpu.sync_copy(rows_v, out_hbm.at[pl.ds(off, _CHUNK)])
            return carry

        lax.fori_loop(0, chunks, body, 0)

    return gather_kernel(seq_flat, table_p)


_PAD_BV = 5000


def _rne16(f):
    u = lax.bitcast_convert_type(f, jnp.uint32)
    return (u + jnp.uint32(0x7FFF) + ((u >> 16) & jnp.uint32(1))) >> 16


def _pad_body(t_ref, o_ref):
    x = t_ref[...]
    lo = x[:, :128]
    hi = jnp.concatenate(
        [x[:, 128:E], jnp.zeros((_PAD_BV, EP - E), jnp.float32)], axis=1
    )
    w = _rne16(lo) | (_rne16(hi) << 16)
    o_ref[...] = lax.bitcast_convert_type(w, jnp.float32)


def _pad_table(table):
    return pl.pallas_call(
        _pad_body,
        grid=(V // _PAD_BV,),
        in_specs=[pl.BlockSpec((_PAD_BV, E), lambda i: (i, 0))],
        out_specs=pl.BlockSpec((_PAD_BV, 128), lambda i: (i, 0)),
        out_shape=jax.ShapeDtypeStruct((V, 128), jnp.float32),
        compiler_params=pltpu.CompilerParams(
            dimension_semantics=("arbitrary",),
        ),
    )(table)


def _unpack_x(x_ref):
    xw = lax.bitcast_convert_type(x_ref[0], jnp.uint32)
    return jnp.concatenate(
        [
            lax.bitcast_convert_type(xw << 16, jnp.float32),
            lax.bitcast_convert_type(xw & jnp.uint32(0xFFFF0000), jnp.float32),
        ],
        axis=1,
    ).astype(jnp.bfloat16)


def _sigmoid_t(z):
    return 0.5 * jnp.tanh(0.5 * z) + 0.5


_UNROLL = 10


def _lstm_body(x_ref, wx_ref, wh_ref, b_ref, hin_ref, cin_ref,
               h_out, c_out, h_s, c_s):
    t = pl.program_id(1)
    nt = pl.num_programs(1)

    @pl.when(t == 0)
    def _init():
        h_s[...] = hin_ref[...]
        c_s[...] = cin_ref[...]

    h = h_s[...]
    c = c_s[...]
    bias = b_ref[...]
    for tt in range(_UNROLL):
        xw = lax.bitcast_convert_type(x_ref[tt], jnp.uint32)
        x = jnp.concatenate(
            [
                lax.bitcast_convert_type(xw << 16, jnp.float32),
                lax.bitcast_convert_type(xw & jnp.uint32(0xFFFF0000),
                                         jnp.float32),
            ],
            axis=1,
        ).astype(jnp.bfloat16)
        gates = (
            jnp.dot(x, wx_ref[...], preferred_element_type=jnp.float32)
            + jnp.dot(h.astype(jnp.bfloat16), wh_ref[...],
                      preferred_element_type=jnp.float32)
            + bias
        )
        i = _sigmoid_t(gates[:, 0 * H:1 * H])
        f = _sigmoid_t(gates[:, 1 * H:2 * H])
        g = jnp.tanh(gates[:, 2 * H:3 * H])
        o = _sigmoid_t(gates[:, 3 * H:4 * H])
        c = f * c + i * g
        h = o * jnp.tanh(c)
    h_s[...] = h
    c_s[...] = c

    @pl.when(t == nt - 1)
    def _emit():
        h_out[...] = h
        c_out[...] = c


def _lstm(xs, wx, wh, bias, h_in, c_in, block_b):
    nb = B // block_b
    lc = xs.shape[0]
    nt = lc // _UNROLL
    return pl.pallas_call(
        _lstm_body,
        grid=(nb, nt),
        in_specs=[
            pl.BlockSpec((_UNROLL, block_b, 128), lambda b, t: (t, b, 0)),
            pl.BlockSpec((EP, 4 * H), lambda b, t: (0, 0)),
            pl.BlockSpec((H, 4 * H), lambda b, t: (0, 0)),
            pl.BlockSpec((1, 4 * H), lambda b, t: (0, 0)),
            pl.BlockSpec((block_b, H), lambda b, t: (b, 0)),
            pl.BlockSpec((block_b, H), lambda b, t: (b, 0)),
        ],
        out_specs=[
            pl.BlockSpec((block_b, H), lambda b, t: (b, 0)),
            pl.BlockSpec((block_b, H), lambda b, t: (b, 0)),
        ],
        out_shape=[
            jax.ShapeDtypeStruct((B, H), jnp.float32),
            jax.ShapeDtypeStruct((B, H), jnp.float32),
        ],
        scratch_shapes=[
            pltpu.VMEM((block_b, H), jnp.float32),
            pltpu.VMEM((block_b, H), jnp.float32),
        ],
        compiler_params=pltpu.CompilerParams(
            dimension_semantics=("arbitrary", "arbitrary"),
        ),
    )(xs, wx, wh, bias, h_in, c_in)


_NCH = 5
_LC = L // _NCH


def kernel(sequence, table, W_ih, W_hh, b_ih, b_hh):
    seq_t = jnp.transpose(sequence, (1, 0)).reshape(-1).astype(jnp.int32)
    table_p = _pad_table(table)
    wx = jnp.pad(jnp.transpose(W_ih, (1, 0)), ((0, EP - E), (0, 0))).astype(jnp.bfloat16)
    wh = jnp.transpose(W_hh, (1, 0)).astype(jnp.bfloat16)
    bias = (b_ih + b_hh).reshape(1, 4 * H)
    h = jnp.zeros((B, H), jnp.float32)
    c = jnp.zeros((B, H), jnp.float32)
    nseg = _LC * B
    xs_prev = _sc_gather(seq_t[:nseg], table_p).reshape(_LC, B, 128)
    for k in range(_NCH):
        if k + 1 < _NCH:
            xs_next = _sc_gather(
                seq_t[(k + 1) * nseg:(k + 2) * nseg], table_p
            ).reshape(_LC, B, 128)
        h, c = _lstm(xs_prev, wx, wh, bias, h, c, block_b=1024)
        if k + 1 < _NCH:
            xs_prev = xs_next
    return (h[None], c[None])

# --- scband reference (transcript-rebuilt; emitter-appended) ---
"""Pipeline reference for scband-encoder-33517924778406 (READ-ONLY COPY).

The authoritative reference and input builder live on the scoring server;
editing this copy changes nothing except your own understanding.
"""

import jax, jax.numpy as jnp
import numpy as np

V = 100000
E = 200
H = 128
B = 4096
L = 50


def setup_inputs(seed: int = 0) -> dict:
    key = jax.random.key(seed)
    ks = jax.random.split(key, 6)
    sequence = jax.random.randint(ks[0], (B, L), 0, V)
    table = jax.random.normal(ks[1], (V, E), dtype=jnp.float32)
    # padding_idx = char2idx[' '] = 0 -> padding row is zeros
    table = table.at[0].set(0.0)
    s = 1.0 / np.sqrt(H)
    W_ih = jax.random.uniform(ks[2], (4 * H, E), dtype=jnp.float32, minval=-s, maxval=s)
    W_hh = jax.random.uniform(ks[3], (4 * H, H), dtype=jnp.float32, minval=-s, maxval=s)
    b_ih = jax.random.uniform(ks[4], (4 * H,), dtype=jnp.float32, minval=-s, maxval=s)
    b_hh = jax.random.uniform(ks[5], (4 * H,), dtype=jnp.float32, minval=-s, maxval=s)
    return {"sequence": sequence, "table": table, "W_ih": W_ih, "W_hh": W_hh, "b_ih": b_ih, "b_hh": b_hh}


def reference(sequence, table, W_ih, W_hh, b_ih, b_hh):
    # Embedding lookup with padding_idx=0 (row forced to zero)
    tbl = table.at[0].set(0.0)
    emb = jnp.take(tbl, sequence, axis=0)  # [B, L, E]
    xs = jnp.transpose(emb, (1, 0, 2))     # [L, B, E] time-major for scan
    Bn = sequence.shape[0]
    h0 = jnp.zeros((Bn, H), dtype=jnp.float32)
    c0 = jnp.zeros((Bn, H), dtype=jnp.float32)

    def step(carry, x_t):
        h, c = carry
        gates = x_t @ W_ih.T + b_ih + h @ W_hh.T + b_hh
        i, f, g, o = jnp.split(gates, 4, axis=-1)  # PyTorch gate order: i, f, g, o
        i = jax.nn.sigmoid(i)
        f = jax.nn.sigmoid(f)
        g = jnp.tanh(g)
        o = jax.nn.sigmoid(o)
        c_new = f * c + i * g
        h_new = o * jnp.tanh(c_new)
        return (h_new, c_new), None

    (hT, cT), _ = jax.lax.scan(step, (h0, c0), xs)
    # nn.LSTM returns state = (h_n, c_n), each [num_layers=1, B, H]
    return (hT[None, :, :], cT[None, :, :])

if __name__ == "__main__":
    import jax
    _d = setup_inputs()
    print(jax.jit(kernel)(*tuple(_d.values())))

</pallas_src>

<mosaic_0001>
#map = affine_map<(d0, d1) -> (0)>
#map1 = affine_map<(d0, d1) -> (0, 0)>
module attributes {stable_mosaic.version = 14 : i64} {
  func.func @gather_kernel(%arg0: i32, %arg1: i32, %arg2: memref<40960xi32, #tpu.memory_space<hbm>>, %arg3: memref<100000x128xf32, #tpu.memory_space<hbm>>, %arg4: memref<40960x128xf32, #tpu.memory_space<hbm>>, %arg5: memref<128xi32, #tpu.memory_space<vmem>>, %arg6: memref<128x128xf32, #tpu.memory_space<vmem>>, %arg7: memref<!tpu.dma_semaphore, #tpu.memory_space<semaphore_mem>>) attributes {dimension_semantics = [#tpu.dimension_semantics<core_parallel>, #tpu.dimension_semantics<subcore_parallel>], iteration_bounds = array<i64: 2, 16>, scalar_prefetch = 0 : i64, scratch_operands = 3 : i64, tpu.core_type = #tpu.core_type<sc_vector_subcore>, window_params = [{transform_indices = #map}, {transform_indices = #map1}, {transform_indices = #map1}]} {
    %mul3A = arith.constant 2 : i32
    %mul3A_0 = arith.muli %arg1, %mul3A : i32
    %add3A = arith.addi %mul3A_0, %arg0 : i32
    %mul3A_1 = arith.constant 1280 : i32
    %mul3A_2 = arith.muli %add3A, %mul3A_1 : i32
    %scan3A = arith.constant 0 : i32
    %scan3A_3 = arith.constant 0 : i32
    %scan3A_4 = arith.constant 10 : i32
    %scan3A_5 = arith.addi %scan3A_3, %scan3A_4 : i32
    %scan3A_6 = arith.constant 1 : i32
    scf.for %scan3A_8 = %scan3A_3 to %scan3A_5 step %scan3A_6  : i32 {
      %mul3A_9 = arith.constant 128 : i32
      %mul3A_10 = arith.muli %scan3A_8, %mul3A_9 : i32
      %add3A_11 = arith.addi %mul3A_2, %mul3A_10 : i32
      "tpu.region"() ({
        %run_scoped3A = tpu.sem_alloc : memref<!tpu.dma_semaphore, #tpu.memory_space<semaphore_mem>>
        %dma_start3A_16 = tpu.memref_slice %arg2[%add3A_11] : memref<40960xi32, #tpu.memory_space<hbm>> -> memref<128xi32, #tpu.memory_space<hbm>>
        %dma_start3A_17 = tpu.memref_slice %arg2[%add3A_11] : memref<40960xi32, #tpu.memory_space<hbm>> -> memref<128xi32, #tpu.memory_space<hbm>>
        tpu.enqueue_dma source(%dma_start3A_17 : memref<128xi32, #tpu.memory_space<hbm>>) target(%arg5 : memref<128xi32, #tpu.memory_space<vmem>>) target_semaphore(%run_scoped3A : memref<!tpu.dma_semaphore, #tpu.memory_space<semaphore_mem>>)
        %dma_wait3A_18 = tpu.memref_slice %arg2[%add3A_11] : memref<40960xi32, #tpu.memory_space<hbm>> -> memref<128xi32, #tpu.memory_space<hbm>>
        %dma_wait3A_19 = tpu.memref_slice %arg2[%add3A_11] : memref<40960xi32, #tpu.memory_space<hbm>> -> memref<128xi32, #tpu.memory_space<hbm>>
        tpu.wait_dma2 semaphore(%run_scoped3A : memref<!tpu.dma_semaphore, #tpu.memory_space<semaphore_mem>>) src(%dma_wait3A_19 : memref<128xi32, #tpu.memory_space<hbm>>) dst(%arg5 : memref<128xi32, #tpu.memory_space<vmem>>)
        tpu.yield
      }) : () -> ()
      %dma_start3A = arith.constant 0 : i32
      %dma_start3A_12 = arith.constant 0 : i32
      %dma_start3A_13 = tpu.memref_slice %arg3[%dma_start3A, %dma_start3A_12] : memref<100000x128xf32, #tpu.memory_space<hbm>> -> memref<100000x128xf32, #tpu.memory_space<hbm>>
      tpu.enqueue_indirect_dma source(%dma_start3A_13 : memref<100000x128xf32, #tpu.memory_space<hbm>>) target(%arg6 : memref<128x128xf32, #tpu.memory_space<vmem>>) offsets(%arg5 : memref<128xi32, #tpu.memory_space<vmem>>) semaphore(%arg7 : memref<!tpu.dma_semaphore, #tpu.memory_space<semaphore_mem>>)
      %dma_wait3A = arith.constant 0 : i32
      %dma_wait3A_14 = arith.constant 0 : i32
      %dma_wait3A_15 = tpu.memref_slice %arg3[%dma_wait3A, %dma_wait3A_14] : memref<100000x128xf32, #tpu.memory_space<hbm>> -> memref<100000x128xf32, #tpu.memory_space<hbm>>
      tpu.wait_indirect_dma semaphore(%arg7 : memref<!tpu.dma_semaphore, #tpu.memory_space<semaphore_mem>>) src(%dma_wait3A_15 : memref<100000x128xf32, #tpu.memory_space<hbm>>) dst(%arg6 : memref<128x128xf32, #tpu.memory_space<vmem>>)
      "tpu.region"() ({
        %run_scoped3A = tpu.sem_alloc : memref<!tpu.dma_semaphore, #tpu.memory_space<semaphore_mem>>
        %dma_start3A_16 = arith.constant 0 : i32
        %dma_start3A_17 = tpu.memref_slice %arg4[%add3A_11, %dma_start3A_16] : memref<40960x128xf32, #tpu.memory_space<hbm>> -> memref<128x128xf32, #tpu.memory_space<hbm>>
        %dma_start3A_18 = arith.constant 0 : i32
        %dma_start3A_19 = tpu.memref_slice %arg4[%add3A_11, %dma_start3A_18] : memref<40960x128xf32, #tpu.memory_space<hbm>> -> memref<128x128xf32, #tpu.memory_space<hbm>>
        tpu.enqueue_dma source(%arg6 : memref<128x128xf32, #tpu.memory_space<vmem>>) target(%dma_start3A_19 : memref<128x128xf32, #tpu.memory_space<hbm>>) target_semaphore(%run_scoped3A : memref<!tpu.dma_semaphore, #tpu.memory_space<semaphore_mem>>)
        %dma_wait3A_20 = arith.constant 0 : i32
        %dma_wait3A_21 = tpu.memref_slice %arg4[%add3A_11, %dma_wait3A_20] : memref<40960x128xf32, #tpu.memory_space<hbm>> -> memref<128x128xf32, #tpu.memory_space<hbm>>
        %dma_wait3A_22 = arith.constant 0 : i32
        %dma_wait3A_23 = tpu.memref_slice %arg4[%add3A_11, %dma_wait3A_22] : memref<40960x128xf32, #tpu.memory_space<hbm>> -> memref<128x128xf32, #tpu.memory_space<hbm>>
        tpu.wait_dma2 semaphore(%run_scoped3A : memref<!tpu.dma_semaphore, #tpu.memory_space<semaphore_mem>>) src(%arg6 : memref<128x128xf32, #tpu.memory_space<vmem>>) dst(%dma_wait3A_23 : memref<128x128xf32, #tpu.memory_space<hbm>>)
        tpu.yield
      }) : () -> ()
    }
    %scan3A_7 = arith.constant 10 : i32
    return
  }
}

#map = affine_map<(d0, d1) -> (0)>
#map1 = affine_map<(d0, d1) -> (0, 0)>
module attributes {stable_mosaic.version = 14 : i64} {
  func.func @gather_kernel(%arg0: i32, %arg1: i32, %arg2: memref<40960xi32, #tpu.memory_space<hbm>>, %arg3: memref<100000x128xf32, #tpu.memory_space<hbm>>, %arg4: memref<40960x128xf32, #tpu.memory_space<hbm>>, %arg5: memref<128xi32, #tpu.memory_space<vmem>>, %arg6: memref<128x128xf32, #tpu.memory_space<vmem>>, %arg7: memref<!tpu.dma_semaphore, #tpu.memory_space<semaphore_mem>>) attributes {dimension_semantics = [#tpu.dimension_semantics<core_parallel>, #tpu.dimension_semantics<subcore_parallel>], iteration_bounds = array<i64: 2, 16>, scalar_prefetch = 0 : i64, scratch_operands = 3 : i64, tpu.core_type = #tpu.core_type<sc_vector_subcore>, window_params = [{transform_indices = #map}, {transform_indices = #map1}, {transform_indices = #map1}]} {
    %mul3A = arith.constant 2 : i32
    %mul3A_0 = arith.muli %arg1, %mul3A : i32
    %add3A = arith.addi %mul3A_0, %arg0 : i32
    %mul3A_1 = arith.constant 1280 : i32
    %mul3A_2 = arith.muli %add3A, %mul3A_1 : i32
    %scan3A = arith.constant 0 : i32
    %scan3A_3 = arith.constant 0 : i32
    %scan3A_4 = arith.constant 10 : i32
    %scan3A_5 = arith.addi %scan3A_3, %scan3A_4 : i32
    %scan3A_6 = arith.constant 1 : i32
    scf.for %scan3A_8 = %scan3A_3 to %scan3A_5 step %scan3A_6  : i32 {
      %mul3A_9 = arith.constant 128 : i32
      %mul3A_10 = arith.muli %scan3A_8, %mul3A_9 : i32
      %add3A_11 = arith.addi %mul3A_2, %mul3A_10 : i32
      "tpu.region"() ({
        %run_scoped3A = tpu.sem_alloc : memref<!tpu.dma_semaphore, #tpu.memory_space<semaphore_mem>>
        %dma_start3A_16 = tpu.memref_slice %arg2[%add3A_11] : memref<40960xi32, #tpu.memory_space<hbm>> -> memref<128xi32, #tpu.memory_space<hbm>>
        %dma_start3A_17 = tpu.memref_slice %arg2[%add3A_11] : memref<40960xi32, #tpu.memory_space<hbm>> -> memref<128xi32, #tpu.memory_space<hbm>>
        tpu.enqueue_dma source(%dma_start3A_17 : memref<128xi32, #tpu.memory_space<hbm>>) target(%arg5 : memref<128xi32, #tpu.memory_space<vmem>>) target_semaphore(%run_scoped3A : memref<!tpu.dma_semaphore, #tpu.memory_space<semaphore_mem>>)
        %dma_wait3A_18 = tpu.memref_slice %arg2[%add3A_11] : memref<40960xi32, #tpu.memory_space<hbm>> -> memref<128xi32, #tpu.memory_space<hbm>>
        %dma_wait3A_19 = tpu.memref_slice %arg2[%add3A_11] : memref<40960xi32, #tpu.memory_space<hbm>> -> memref<128xi32, #tpu.memory_space<hbm>>
        tpu.wait_dma2 semaphore(%run_scoped3A : memref<!tpu.dma_semaphore, #tpu.memory_space<semaphore_mem>>) src(%dma_wait3A_19 : memref<128xi32, #tpu.memory_space<hbm>>) dst(%arg5 : memref<128xi32, #tpu.memory_space<vmem>>)
        tpu.yield
      }) : () -> ()
      %dma_start3A = arith.constant 0 : i32
      %dma_start3A_12 = arith.constant 0 : i32
      %dma_start3A_13 = tpu.memref_slice %arg3[%dma_start3A, %dma_start3A_12] : memref<100000x128xf32, #tpu.memory_space<hbm>> -> memref<100000x128xf32, #tpu.memory_space<hbm>>
      tpu.enqueue_indirect_dma source(%dma_start3A_13 : memref<100000x128xf32, #tpu.memory_space<hbm>>) target(%arg6 : memref<128x128xf32, #tpu.memory_space<vmem>>) offsets(%arg5 : memref<128xi32, #tpu.memory_space<vmem>>) semaphore(%arg7 : memref<!tpu.dma_semaphore, #tpu.memory_space<semaphore_mem>>)
      %dma_wait3A = arith.constant 0 : i32
      %dma_wait3A_14 = arith.constant 0 : i32
      %dma_wait3A_15 = tpu.memref_slice %arg3[%dma_wait3A, %dma_wait3A_14] : memref<100000x128xf32, #tpu.memory_space<hbm>> -> memref<100000x128xf32, #tpu.memory_space<hbm>>
      tpu.wait_indirect_dma semaphore(%arg7 : memref<!tpu.dma_semaphore, #tpu.memory_space<semaphore_mem>>) src(%dma_wait3A_15 : memref<100000x128xf32, #tpu.memory_space<hbm>>) dst(%arg6 : memref<128x128xf32, #tpu.memory_space<vmem>>)
      "tpu.region"() ({
        %run_scoped3A = tpu.sem_alloc : memref<!tpu.dma_semaphore, #tpu.memory_space<semaphore_mem>>
        %dma_start3A_16 = arith.constant 0 : i32
        %dma_start3A_17 = tpu.memref_slice %arg4[%add3A_11, %dma_start3A_16] : memref<40960x128xf32, #tpu.memory_space<hbm>> -> memref<128x128xf32, #tpu.memory_space<hbm>>
        %dma_start3A_18 = arith.constant 0 : i32
        %dma_start3A_19 = tpu.memref_slice %arg4[%add3A_11, %dma_start3A_18] : memref<40960x128xf32, #tpu.memory_space<hbm>> -> memref<128x128xf32, #tpu.memory_space<hbm>>
        tpu.enqueue_dma source(%arg6 : memref<128x128xf32, #tpu.memory_space<vmem>>) target(%dma_start3A_19 : memref<128x128xf32, #tpu.memory_space<hbm>>) target_semaphore(%run_scoped3A : memref<!tpu.dma_semaphore, #tpu.memory_space<semaphore_mem>>)
        %dma_wait3A_20 = arith.constant 0 : i32
        %dma_wait3A_21 = tpu.memref_slice %arg4[%add3A_11, %dma_wait3A_20] : memref<40960x128xf32, #tpu.memory_space<hbm>> -> memref<128x128xf32, #tpu.memory_space<hbm>>
        %dma_wait3A_22 = arith.constant 0 : i32
        %dma_wait3A_23 = tpu.memref_slice %arg4[%add3A_11, %dma_wait3A_22] : memref<40960x128xf32, #tpu.memory_space<hbm>> -> memref<128x128xf32, #tpu.memory_space<hbm>>
        tpu.wait_dma2 semaphore(%run_scoped3A : memref<!tpu.dma_semaphore, #tpu.memory_space<semaphore_mem>>) src(%arg6 : memref<128x128xf32, #tpu.memory_space<vmem>>) dst(%dma_wait3A_23 : memref<128x128xf32, #tpu.memory_space<hbm>>)
        tpu.yield
      }) : () -> ()
    }
    %scan3A_7 = arith.constant 10 : i32
    return
  }
}

#map = affine_map<(d0, d1) -> (0)>
#map1 = affine_map<(d0, d1) -> (0, 0)>
module attributes {stable_mosaic.version = 14 : i64} {
  func.func @gather_kernel(%arg0: i32, %arg1: i32, %arg2: memref<40960xi32, #tpu.memory_space<hbm>>, %arg3: memref<100000x128xf32, #tpu.memory_space<hbm>>, %arg4: memref<40960x128xf32, #tpu.memory_space<hbm>>, %arg5: memref<128xi32, #tpu.memory_space<vmem>>, %arg6: memref<128x128xf32, #tpu.memory_space<vmem>>, %arg7: memref<!tpu.dma_semaphore, #tpu.memory_space<semaphore_mem>>) attributes {dimension_semantics = [#tpu.dimension_semantics<core_parallel>, #tpu.dimension_semantics<subcore_parallel>], iteration_bounds = array<i64: 2, 16>, scalar_prefetch = 0 : i64, scratch_operands = 3 : i64, tpu.core_type = #tpu.core_type<sc_vector_subcore>, window_params = [{transform_indices = #map}, {transform_indices = #map1}, {transform_indices = #map1}]} {
    %mul3A = arith.constant 2 : i32
    %mul3A_0 = arith.muli %arg1, %mul3A : i32
    %add3A = arith.addi %mul3A_0, %arg0 : i32
    %mul3A_1 = arith.constant 1280 : i32
    %mul3A_2 = arith.muli %add3A, %mul3A_1 : i32
    %scan3A = arith.constant 0 : i32
    %scan3A_3 = arith.constant 0 : i32
    %scan3A_4 = arith.constant 10 : i32
    %scan3A_5 = arith.addi %scan3A_3, %scan3A_4 : i32
    %scan3A_6 = arith.constant 1 : i32
    scf.for %scan3A_8 = %scan3A_3 to %scan3A_5 step %scan3A_6  : i32 {
      %mul3A_9 = arith.constant 128 : i32
      %mul3A_10 = arith.muli %scan3A_8, %mul3A_9 : i32
      %add3A_11 = arith.addi %mul3A_2, %mul3A_10 : i32
      "tpu.region"() ({
        %run_scoped3A = tpu.sem_alloc : memref<!tpu.dma_semaphore, #tpu.memory_space<semaphore_mem>>
        %dma_start3A_16 = tpu.memref_slice %arg2[%add3A_11] : memref<40960xi32, #tpu.memory_space<hbm>> -> memref<128xi32, #tpu.memory_space<hbm>>
        %dma_start3A_17 = tpu.memref_slice %arg2[%add3A_11] : memref<40960xi32, #tpu.memory_space<hbm>> -> memref<128xi32, #tpu.memory_space<hbm>>
        tpu.enqueue_dma source(%dma_start3A_17 : memref<128xi32, #tpu.memory_space<hbm>>) target(%arg5 : memref<128xi32, #tpu.memory_space<vmem>>) target_semaphore(%run_scoped3A : memref<!tpu.dma_semaphore, #tpu.memory_space<semaphore_mem>>)
        %dma_wait3A_18 = tpu.memref_slice %arg2[%add3A_11] : memref<40960xi32, #tpu.memory_space<hbm>> -> memref<128xi32, #tpu.memory_space<hbm>>
        %dma_wait3A_19 = tpu.memref_slice %arg2[%add3A_11] : memref<40960xi32, #tpu.memory_space<hbm>> -> memref<128xi32, #tpu.memory_space<hbm>>
        tpu.wait_dma2 semaphore(%run_scoped3A : memref<!tpu.dma_semaphore, #tpu.memory_space<semaphore_mem>>) src(%dma_wait3A_19 : memref<128xi32, #tpu.memory_space<hbm>>) dst(%arg5 : memref<128xi32, #tpu.memory_space<vmem>>)
        tpu.yield
      }) : () -> ()
      %dma_start3A = arith.constant 0 : i32
      %dma_start3A_12 = arith.constant 0 : i32
      %dma_start3A_13 = tpu.memref_slice %arg3[%dma_start3A, %dma_start3A_12] : memref<100000x128xf32, #tpu.memory_space<hbm>> -> memref<100000x128xf32, #tpu.memory_space<hbm>>
      tpu.enqueue_indirect_dma source(%dma_start3A_13 : memref<100000x128xf32, #tpu.memory_space<hbm>>) target(%arg6 : memref<128x128xf32, #tpu.memory_space<vmem>>) offsets(%arg5 : memref<128xi32, #tpu.memory_space<vmem>>) semaphore(%arg7 : memref<!tpu.dma_semaphore, #tpu.memory_space<semaphore_mem>>)
      %dma_wait3A = arith.constant 0 : i32
      %dma_wait3A_14 = arith.constant 0 : i32
      %dma_wait3A_15 = tpu.memref_slice %arg3[%dma_wait3A, %dma_wait3A_14] : memref<100000x128xf32, #tpu.memory_space<hbm>> -> memref<100000x128xf32, #tpu.memory_space<hbm>>
      tpu.wait_indirect_dma semaphore(%arg7 : memref<!tpu.dma_semaphore, #tpu.memory_space<semaphore_mem>>) src(%dma_wait3A_15 : memref<100000x128xf32, #tpu.memory_space<hbm>>) dst(%arg6 : memref<128x128xf32, #tpu.memory_space<vmem>>)
      "tpu.region"() ({
        %run_scoped3A = tpu.sem_alloc : memref<!tpu.dma_semaphore, #tpu.memory_space<semaphore_mem>>
        %dma_start3A_16 = arith.constant 0 : i32
        %dma_start3A_17 = tpu.memref_slice %arg4[%add3A_11, %dma_start3A_16] : memref<40960x128xf32, #tpu.memory_space<hbm>> -> memref<128x128xf32, #tpu.memory_space<hbm>>
        %dma_start3A_18 = arith.constant 0 : i32
        %dma_start3A_19 = tpu.memref_slice %arg4[%add3A_11, %dma_start3A_18] : memref<40960x128xf32, #tpu.memory_space<hbm>> -> memref<128x128xf32, #tpu.memory_space<hbm>>
        tpu.enqueue_dma source(%arg6 : memref<128x128xf32, #tpu.memory_space<vmem>>) target(%dma_start3A_19 : memref<128x128xf32, #tpu.memory_space<hbm>>) target_semaphore(%run_scoped3A : memref<!tpu.dma_semaphore, #tpu.memory_space<semaphore_mem>>)
        %dma_wait3A_20 = arith.constant 0 : i32
        %dma_wait3A_21 = tpu.memref_slice %arg4[%add3A_11, %dma_wait3A_20] : memref<40960x128xf32, #tpu.memory_space<hbm>> -> memref<128x128xf32, #tpu.memory_space<hbm>>
        %dma_wait3A_22 = arith.constant 0 : i32
        %dma_wait3A_23 = tpu.memref_slice %arg4[%add3A_11, %dma_wait3A_22] : memref<40960x128xf32, #tpu.memory_space<hbm>> -> memref<128x128xf32, #tpu.memory_space<hbm>>
        tpu.wait_dma2 semaphore(%run_scoped3A : memref<!tpu.dma_semaphore, #tpu.memory_space<semaphore_mem>>) src(%arg6 : memref<128x128xf32, #tpu.memory_space<vmem>>) dst(%dma_wait3A_23 : memref<128x128xf32, #tpu.memory_space<hbm>>)
        tpu.yield
      }) : () -> ()
    }
    %scan3A_7 = arith.constant 10 : i32
    return
  }
}

#map = affine_map<(d0, d1) -> (0)>
#map1 = affine_map<(d0, d1) -> (0, 0)>
module attributes {stable_mosaic.version = 14 : i64} {
  func.func @gather_kernel(%arg0: i32, %arg1: i32, %arg2: memref<40960xi32, #tpu.memory_space<hbm>>, %arg3: memref<100000x128xf32, #tpu.memory_space<hbm>>, %arg4: memref<40960x128xf32, #tpu.memory_space<hbm>>, %arg5: memref<128xi32, #tpu.memory_space<vmem>>, %arg6: memref<128x128xf32, #tpu.memory_space<vmem>>, %arg7: memref<!tpu.dma_semaphore, #tpu.memory_space<semaphore_mem>>) attributes {dimension_semantics = [#tpu.dimension_semantics<core_parallel>, #tpu.dimension_semantics<subcore_parallel>], iteration_bounds = array<i64: 2, 16>, scalar_prefetch = 0 : i64, scratch_operands = 3 : i64, tpu.core_type = #tpu.core_type<sc_vector_subcore>, window_params = [{transform_indices = #map}, {transform_indices = #map1}, {transform_indices = #map1}]} {
    %mul3A = arith.constant 2 : i32
    %mul3A_0 = arith.muli %arg1, %mul3A : i32
    %add3A = arith.addi %mul3A_0, %arg0 : i32
    %mul3A_1 = arith.constant 1280 : i32
    %mul3A_2 = arith.muli %add3A, %mul3A_1 : i32
    %scan3A = arith.constant 0 : i32
    %scan3A_3 = arith.constant 0 : i32
    %scan3A_4 = arith.constant 10 : i32
    %scan3A_5 = arith.addi %scan3A_3, %scan3A_4 : i32
    %scan3A_6 = arith.constant 1 : i32
    scf.for %scan3A_8 = %scan3A_3 to %scan3A_5 step %scan3A_6  : i32 {
      %mul3A_9 = arith.constant 128 : i32
      %mul3A_10 = arith.muli %scan3A_8, %mul3A_9 : i32
      %add3A_11 = arith.addi %mul3A_2, %mul3A_10 : i32
      "tpu.region"() ({
        %run_scoped3A = tpu.sem_alloc : memref<!tpu.dma_semaphore, #tpu.memory_space<semaphore_mem>>
        %dma_start3A_16 = tpu.memref_slice %arg2[%add3A_11] : memref<40960xi32, #tpu.memory_space<hbm>> -> memref<128xi32, #tpu.memory_space<hbm>>
        %dma_start3A_17 = tpu.memref_slice %arg2[%add3A_11] : memref<40960xi32, #tpu.memory_space<hbm>> -> memref<128xi32, #tpu.memory_space<hbm>>
        tpu.enqueue_dma source(%dma_start3A_17 : memref<128xi32, #tpu.memory_space<hbm>>) target(%arg5 : memref<128xi32, #tpu.memory_space<vmem>>) target_semaphore(%run_scoped3A : memref<!tpu.dma_semaphore, #tpu.memory_space<semaphore_mem>>)
        %dma_wait3A_18 = tpu.memref_slice %arg2[%add3A_11] : memref<40960xi32, #tpu.memory_space<hbm>> -> memref<128xi32, #tpu.memory_space<hbm>>
        %dma_wait3A_19 = tpu.memref_slice %arg2[%add3A_11] : memref<40960xi32, #tpu.memory_space<hbm>> -> memref<128xi32, #tpu.memory_space<hbm>>
        tpu.wait_dma2 semaphore(%run_scoped3A : memref<!tpu.dma_semaphore, #tpu.memory_space<semaphore_mem>>) src(%dma_wait3A_19 : memref<128xi32, #tpu.memory_space<hbm>>) dst(%arg5 : memref<128xi32, #tpu.memory_space<vmem>>)
        tpu.yield
      }) : () -> ()
      %dma_start3A = arith.constant 0 : i32
      %dma_start3A_12 = arith.constant 0 : i32
      %dma_start3A_13 = tpu.memref_slice %arg3[%dma_start3A, %dma_start3A_12] : memref<100000x128xf32, #tpu.memory_space<hbm>> -> memref<100000x128xf32, #tpu.memory_space<hbm>>
      tpu.enqueue_indirect_dma source(%dma_start3A_13 : memref<100000x128xf32, #tpu.memory_space<hbm>>) target(%arg6 : memref<128x128xf32, #tpu.memory_space<vmem>>) offsets(%arg5 : memref<128xi32, #tpu.memory_space<vmem>>) semaphore(%arg7 : memref<!tpu.dma_semaphore, #tpu.memory_space<semaphore_mem>>)
      %dma_wait3A = arith.constant 0 : i32
      %dma_wait3A_14 = arith.constant 0 : i32
      %dma_wait3A_15 = tpu.memref_slice %arg3[%dma_wait3A, %dma_wait3A_14] : memref<100000x128xf32, #tpu.memory_space<hbm>> -> memref<100000x128xf32, #tpu.memory_space<hbm>>
      tpu.wait_indirect_dma semaphore(%arg7 : memref<!tpu.dma_semaphore, #tpu.memory_space<semaphore_mem>>) src(%dma_wait3A_15 : memref<100000x128xf32, #tpu.memory_space<hbm>>) dst(%arg6 : memref<128x128xf32, #tpu.memory_space<vmem>>)
      "tpu.region"() ({
        %run_scoped3A = tpu.sem_alloc : memref<!tpu.dma_semaphore, #tpu.memory_space<semaphore_mem>>
        %dma_start3A_16 = arith.constant 0 : i32
        %dma_start3A_17 = tpu.memref_slice %arg4[%add3A_11, %dma_start3A_16] : memref<40960x128xf32, #tpu.memory_space<hbm>> -> memref<128x128xf32, #tpu.memory_space<hbm>>
        %dma_start3A_18 = arith.constant 0 : i32
        %dma_start3A_19 = tpu.memref_slice %arg4[%add3A_11, %dma_start3A_18] : memref<40960x128xf32, #tpu.memory_space<hbm>> -> memref<128x128xf32, #tpu.memory_space<hbm>>
        tpu.enqueue_dma source(%arg6 : memref<128x128xf32, #tpu.memory_space<vmem>>) target(%dma_start3A_19 : memref<128x128xf32, #tpu.memory_space<hbm>>) target_semaphore(%run_scoped3A : memref<!tpu.dma_semaphore, #tpu.memory_space<semaphore_mem>>)
        %dma_wait3A_20 = arith.constant 0 : i32
        %dma_wait3A_21 = tpu.memref_slice %arg4[%add3A_11, %dma_wait3A_20] : memref<40960x128xf32, #tpu.memory_space<hbm>> -> memref<128x128xf32, #tpu.memory_space<hbm>>
        %dma_wait3A_22 = arith.constant 0 : i32
        %dma_wait3A_23 = tpu.memref_slice %arg4[%add3A_11, %dma_wait3A_22] : memref<40960x128xf32, #tpu.memory_space<hbm>> -> memref<128x128xf32, #tpu.memory_space<hbm>>
        tpu.wait_dma2 semaphore(%run_scoped3A : memref<!tpu.dma_semaphore, #tpu.memory_space<semaphore_mem>>) src(%arg6 : memref<128x128xf32, #tpu.memory_space<vmem>>) dst(%dma_wait3A_23 : memref<128x128xf32, #tpu.memory_space<hbm>>)
        tpu.yield
      }) : () -> ()
    }
    %scan3A_7 = arith.constant 10 : i32
    return
  }
}

#map = affine_map<(d0, d1) -> (0)>
#map1 = affine_map<(d0, d1) -> (0, 0)>
module attributes {stable_mosaic.version = 14 : i64} {
  func.func @gather_kernel(%arg0: i32, %arg1: i32, %arg2: memref<40960xi32, #tpu.memory_space<hbm>>, %arg3: memref<100000x128xf32, #tpu.memory_space<hbm>>, %arg4: memref<40960x128xf32, #tpu.memory_space<hbm>>, %arg5: memref<128xi32, #tpu.memory_space<vmem>>, %arg6: memref<128x128xf32, #tpu.memory_space<vmem>>, %arg7: memref<!tpu.dma_semaphore, #tpu.memory_space<semaphore_mem>>) attributes {dimension_semantics = [#tpu.dimension_semantics<core_parallel>, #tpu.dimension_semantics<subcore_parallel>], iteration_bounds = array<i64: 2, 16>, scalar_prefetch = 0 : i64, scratch_operands = 3 : i64, tpu.core_type = #tpu.core_type<sc_vector_subcore>, window_params = [{transform_indices = #map}, {transform_indices = #map1}, {transform_indices = #map1}]} {
    %mul3A = arith.constant 2 : i32
    %mul3A_0 = arith.muli %arg1, %mul3A : i32
    %add3A = arith.addi %mul3A_0, %arg0 : i32
    %mul3A_1 = arith.constant 1280 : i32
    %mul3A_2 = arith.muli %add3A, %mul3A_1 : i32
    %scan3A = arith.constant 0 : i32
    %scan3A_3 = arith.constant 0 : i32
    %scan3A_4 = arith.constant 10 : i32
    %scan3A_5 = arith.addi %scan3A_3, %scan3A_4 : i32
    %scan3A_6 = arith.constant 1 : i32
    scf.for %scan3A_8 = %scan3A_3 to %scan3A_5 step %scan3A_6  : i32 {
      %mul3A_9 = arith.constant 128 : i32
      %mul3A_10 = arith.muli %scan3A_8, %mul3A_9 : i32
      %add3A_11 = arith.addi %mul3A_2, %mul3A_10 : i32
      "tpu.region"() ({
        %run_scoped3A = tpu.sem_alloc : memref<!tpu.dma_semaphore, #tpu.memory_space<semaphore_mem>>
        %dma_start3A_16 = tpu.memref_slice %arg2[%add3A_11] : memref<40960xi32, #tpu.memory_space<hbm>> -> memref<128xi32, #tpu.memory_space<hbm>>
        %dma_start3A_17 = tpu.memref_slice %arg2[%add3A_11] : memref<40960xi32, #tpu.memory_space<hbm>> -> memref<128xi32, #tpu.memory_space<hbm>>
        tpu.enqueue_dma source(%dma_start3A_17 : memref<128xi32, #tpu.memory_space<hbm>>) target(%arg5 : memref<128xi32, #tpu.memory_space<vmem>>) target_semaphore(%run_scoped3A : memref<!tpu.dma_semaphore, #tpu.memory_space<semaphore_mem>>)
        %dma_wait3A_18 = tpu.memref_slice %arg2[%add3A_11] : memref<40960xi32, #tpu.memory_space<hbm>> -> memref<128xi32, #tpu.memory_space<hbm>>
        %dma_wait3A_19 = tpu.memref_slice %arg2[%add3A_11] : memref<40960xi32, #tpu.memory_space<hbm>> -> memref<128xi32, #tpu.memory_space<hbm>>
        tpu.wait_dma2 semaphore(%run_scoped3A : memref<!tpu.dma_semaphore, #tpu.memory_space<semaphore_mem>>) src(%dma_wait3A_19 : memref<128xi32, #tpu.memory_space<hbm>>) dst(%arg5 : memref<128xi32, #tpu.memory_space<vmem>>)
        tpu.yield
      }) : () -> ()
      %dma_start3A = arith.constant 0 : i32
      %dma_start3A_12 = arith.constant 0 : i32
      %dma_start3A_13 = tpu.memref_slice %arg3[%dma_start3A, %dma_start3A_12] : memref<100000x128xf32, #tpu.memory_space<hbm>> -> memref<100000x128xf32, #tpu.memory_space<hbm>>
      tpu.enqueue_indirect_dma source(%dma_start3A_13 : memref<100000x128xf32, #tpu.memory_space<hbm>>) target(%arg6 : memref<128x128xf32, #tpu.memory_space<vmem>>) offsets(%arg5 : memref<128xi32, #tpu.memory_space<vmem>>) semaphore(%arg7 : memref<!tpu.dma_semaphore, #tpu.memory_space<semaphore_mem>>)
      %dma_wait3A = arith.constant 0 : i32
      %dma_wait3A_14 = arith.constant 0 : i32
      %dma_wait3A_15 = tpu.memref_slice %arg3[%dma_wait3A, %dma_wait3A_14] : memref<100000x128xf32, #tpu.memory_space<hbm>> -> memref<100000x128xf32, #tpu.memory_space<hbm>>
      tpu.wait_indirect_dma semaphore(%arg7 : memref<!tpu.dma_semaphore, #tpu.memory_space<semaphore_mem>>) src(%dma_wait3A_15 : memref<100000x128xf32, #tpu.memory_space<hbm>>) dst(%arg6 : memref<128x128xf32, #tpu.memory_space<vmem>>)
      "tpu.region"() ({
        %run_scoped3A = tpu.sem_alloc : memref<!tpu.dma_semaphore, #tpu.memory_space<semaphore_mem>>
        %dma_start3A_16 = arith.constant 0 : i32
        %dma_start3A_17 = tpu.memref_slice %arg4[%add3A_11, %dma_start3A_16] : memref<40960x128xf32, #tpu.memory_space<hbm>> -> memref<128x128xf32, #tpu.memory_space<hbm>>
        %dma_start3A_18 = arith.constant 0 : i32
        %dma_start3A_19 = tpu.memref_slice %arg4[%add3A_11, %dma_start3A_18] : memref<40960x128xf32, #tpu.memory_space<hbm>> -> memref<128x128xf32, #tpu.memory_space<hbm>>
        tpu.enqueue_dma source(%arg6 : memref<128x128xf32, #tpu.memory_space<vmem>>) target(%dma_start3A_19 : memref<128x128xf32, #tpu.memory_space<hbm>>) target_semaphore(%run_scoped3A : memref<!tpu.dma_semaphore, #tpu.memory_space<semaphore_mem>>)
        %dma_wait3A_20 = arith.constant 0 : i32
        %dma_wait3A_21 = tpu.memref_slice %arg4[%add3A_11, %dma_wait3A_20] : memref<40960x128xf32, #tpu.memory_space<hbm>> -> memref<128x128xf32, #tpu.memory_space<hbm>>
        %dma_wait3A_22 = arith.constant 0 : i32
        %dma_wait3A_23 = tpu.memref_slice %arg4[%add3A_11, %dma_wait3A_22] : memref<40960x128xf32, #tpu.memory_space<hbm>> -> memref<128x128xf32, #tpu.memory_space<hbm>>
        tpu.wait_dma2 semaphore(%run_scoped3A : memref<!tpu.dma_semaphore, #tpu.memory_space<semaphore_mem>>) src(%arg6 : memref<128x128xf32, #tpu.memory_space<vmem>>) dst(%dma_wait3A_23 : memref<128x128xf32, #tpu.memory_space<hbm>>)
        tpu.yield
      }) : () -> ()
    }
    %scan3A_7 = arith.constant 10 : i32
    return
  }
}

module attributes {stable_mosaic.version = 14 : i64} {
  func.func @_pad_body(%arg0: i32, %arg1: memref<5000x200xf32, #tpu.memory_space<vmem>>, %arg2: memref<5000x128xf32, #tpu.memory_space<vmem>>) attributes {dimension_semantics = [#tpu.dimension_semantics<arbitrary>], iteration_bounds = array<i64: 20>, scalar_prefetch = 0 : i64, scratch_operands = 0 : i64, tpu.core_type = #tpu.core_type<tc>, window_params = [{transform_indices = @transform_0, window_bounds = array<i64: 5000, 200>}, {transform_indices = @transform_1, window_bounds = array<i64: 5000, 128>}]} {
    %get3A = arith.constant 0 : index
    %get3A_0 = arith.constant 0 : index
    %get3A_1 = vector.load %arg1[%get3A, %get3A_0] : memref<5000x200xf32, #tpu.memory_space<vmem>>, vector<5000x200xf32>
    %slice3A = vector.extract_strided_slice %get3A_1 {offsets = [0, 0], sizes = [5000, 128], strides = [1, 1]} : vector<5000x200xf32> to vector<5000x128xf32>
    %slice3A_2 = vector.extract_strided_slice %get3A_1 {offsets = [0, 128], sizes = [5000, 72], strides = [1, 1]} : vector<5000x200xf32> to vector<5000x72xf32>
    %broadcast_in_dim3A = arith.constant 0.000000e+00 : f32
    %broadcast_in_dim3A_3 = vector.broadcast %broadcast_in_dim3A : f32 to vector<5000x56xf32>
    %concatenate3A = tpu.concatenate %slice3A_2, %broadcast_in_dim3A_3 in 1 : vector<5000x72xf32>, vector<5000x56xf32> -> vector<5000x128xf32>
    %bitcast_convert_type3A = tpu.bitcast %slice3A : vector<5000x128xf32> -> vector<5000x128xi32>
    %add3A = arith.constant 32767 : i32
    %add3A_4 = vector.broadcast %add3A : i32 to vector<5000x128xi32>
    %add3A_5 = arith.addi %bitcast_convert_type3A, %add3A_4 : vector<5000x128xi32>
    %shift_right_logical3A = arith.constant 16 : i32
    %shift_right_logical3A_6 = vector.broadcast %shift_right_logical3A : i32 to vector<5000x128xi32>
    %shift_right_logical3A_7 = arith.shrui %bitcast_convert_type3A, %shift_right_logical3A_6 : vector<5000x128xi32>
    %and3A = arith.constant 1 : i32
    %and3A_8 = vector.broadcast %and3A : i32 to vector<5000x128xi32>
    %and3A_9 = arith.andi %shift_right_logical3A_7, %and3A_8 : vector<5000x128xi32>
    %add3A_10 = arith.addi %add3A_5, %and3A_9 : vector<5000x128xi32>
    %shift_right_logical3A_11 = arith.constant 16 : i32
    %shift_right_logical3A_12 = vector.broadcast %shift_right_logical3A_11 : i32 to vector<5000x128xi32>
    %shift_right_logical3A_13 = arith.shrui %add3A_10, %shift_right_logical3A_12 : vector<5000x128xi32>
    %bitcast_convert_type3A_14 = tpu.bitcast %concatenate3A : vector<5000x128xf32> -> vector<5000x128xi32>
    %add3A_15 = arith.constant 32767 : i32
    %add3A_16 = vector.broadcast %add3A_15 : i32 to vector<5000x128xi32>
    %add3A_17 = arith.addi %bitcast_convert_type3A_14, %add3A_16 : vector<5000x128xi32>
    %shift_right_logical3A_18 = arith.constant 16 : i32
    %shift_right_logical3A_19 = vector.broadcast %shift_right_logical3A_18 : i32 to vector<5000x128xi32>
    %shift_right_logical3A_20 = arith.shrui %bitcast_convert_type3A_14, %shift_right_logical3A_19 : vector<5000x128xi32>
    %and3A_21 = arith.constant 1 : i32
    %and3A_22 = vector.broadcast %and3A_21 : i32 to vector<5000x128xi32>
    %and3A_23 = arith.andi %shift_right_logical3A_20, %and3A_22 : vector<5000x128xi32>
    %add3A_24 = arith.addi %add3A_17, %and3A_23 : vector<5000x128xi32>
    %shift_right_logical3A_25 = arith.constant 16 : i32
    %shift_right_logical3A_26 = vector.broadcast %shift_right_logical3A_25 : i32 to vector<5000x128xi32>
    %shift_right_logical3A_27 = arith.shrui %add3A_24, %shift_right_logical3A_26 : vector<5000x128xi32>
    %shift_left3A = arith.constant 16 : i32
    %shift_left3A_28 = vector.broadcast %shift_left3A : i32 to vector<5000x128xi32>
    %shift_left3A_29 = arith.shli %shift_right_logical3A_27, %shift_left3A_28 : vector<5000x128xi32>
    %or3A = arith.ori %shift_right_logical3A_13, %shift_left3A_29 : vector<5000x128xi32>
    %bitcast_convert_type3A_30 = tpu.bitcast %or3A : vector<5000x128xi32> -> vector<5000x128xf32>
    %swap3A = arith.constant 0 : index
    %swap3A_31 = arith.constant 0 : index
    %swap3A_32 = vector.load %arg2[%swap3A, %swap3A_31] : memref<5000x128xf32, #tpu.memory_space<vmem>>, vector<5000x128xf32>
    tpu.vector_store %arg2[%swap3A, %swap3A_31], %bitcast_convert_type3A_30 {strides = array<i32>} : memref<5000x128xf32, #tpu.memory_space<vmem>>, vector<5000x128xf32>,
    return
  }
  func.func @transform_0(%arg0: i32) -> (i32, i32) {
    %c0_i32 = arith.constant 0 : i32
    %c0_i32_0 = arith.constant 0 : i32
    return %arg0, %c0_i32 : i32, i32
  }
  func.func @transform_1(%arg0: i32) -> (i32, i32) {
    %c0_i32 = arith.constant 0 : i32
    %c0_i32_0 = arith.constant 0 : i32
    return %arg0, %c0_i32 : i32, i32
  }
}

module attributes {stable_mosaic.version = 14 : i64} {
  func.func @_lstm_body(%arg0: i32, %arg1: i32, %arg2: memref<10x1024x128xf32, #tpu.memory_space<vmem>>, %arg3: memref<256x512xbf16, #tpu.memory_space<vmem>>, %arg4: memref<128x512xbf16, #tpu.memory_space<vmem>>, %arg5: memref<1x512xf32, #tpu.memory_space<vmem>>, %arg6: memref<1024x128xf32, #tpu.memory_space<vmem>>, %arg7: memref<1024x128xf32, #tpu.memory_space<vmem>>, %arg8: memref<1024x128xf32, #tpu.memory_space<vmem>>, %arg9: memref<1024x128xf32, #tpu.memory_space<vmem>>, %arg10: memref<1024x128xf32, #tpu.memory_space<vmem>>, %arg11: memref<1024x128xf32, #tpu.memory_space<vmem>>) attributes {dimension_semantics = [#tpu.dimension_semantics<arbitrary>, #tpu.dimension_semantics<arbitrary>], iteration_bounds = array<i64: 4, 1>, scalar_prefetch = 0 : i64, scratch_operands = 2 : i64, tpu.core_type = #tpu.core_type<tc>, window_params = [{transform_indices = @transform_0, window_bounds = array<i64: 10, 1024, 128>}, {pipeline_mode = #tpu.pipeline_mode<synchronous>, transform_indices = @transform_1, window_bounds = array<i64: 256, 512>}, {pipeline_mode = #tpu.pipeline_mode<synchronous>, transform_indices = @transform_2, window_bounds = array<i64: 128, 512>}, {pipeline_mode = #tpu.pipeline_mode<synchronous>, transform_indices = @transform_3, window_bounds = array<i64: 1, 512>}, {transform_indices = @transform_4, window_bounds = array<i64: 1024, 128>}, {transform_indices = @transform_5, window_bounds = array<i64: 1024, 128>}, {transform_indices = @transform_6, window_bounds = array<i64: 1024, 128>}, {transform_indices = @transform_7, window_bounds = array<i64: 1024, 128>}]} {
    %eq3A = arith.constant 0 : i32
    %eq3A_0 = arith.cmpi eq, %arg1, %eq3A : i32
    %convert_element_type3A = arith.extui %eq3A_0 : i1 to i32
    %cond3A = arith.constant 0 : i32
    %cond3A_1 = arith.cmpi ne, %convert_element_type3A, %cond3A : i32
    scf.if %cond3A_1 {
      %get3A_711 = arith.constant 0 : index
      %get3A_712 = arith.constant 0 : index
      %get3A_713 = vector.load %arg6[%get3A_711, %get3A_712] : memref<1024x128xf32, #tpu.memory_space<vmem>>, vector<1024x128xf32>
      %swap3A_714 = arith.constant 0 : index
      %swap3A_715 = arith.constant 0 : index
      %swap3A_716 = vector.load %arg10[%swap3A_714, %swap3A_715] : memref<1024x128xf32, #tpu.memory_space<vmem>>, vector<1024x128xf32>
      tpu.vector_store %arg10[%swap3A_714, %swap3A_715], %get3A_713 {strides = array<i32>} : memref<1024x128xf32, #tpu.memory_space<vmem>>, vector<1024x128xf32>,
      %get3A_717 = arith.constant 0 : index
      %get3A_718 = arith.constant 0 : index
      %get3A_719 = vector.load %arg7[%get3A_717, %get3A_718] : memref<1024x128xf32, #tpu.memory_space<vmem>>, vector<1024x128xf32>
      %swap3A_720 = arith.constant 0 : index
      %swap3A_721 = arith.constant 0 : index
      %swap3A_722 = vector.load %arg11[%swap3A_720, %swap3A_721] : memref<1024x128xf32, #tpu.memory_space<vmem>>, vector<1024x128xf32>
      tpu.vector_store %arg11[%swap3A_720, %swap3A_721], %get3A_719 {strides = array<i32>} : memref<1024x128xf32, #tpu.memory_space<vmem>>, vector<1024x128xf32>,
    } else {
    }
    %get3A = arith.constant 0 : index
    %get3A_2 = arith.constant 0 : index
    %get3A_3 = vector.load %arg10[%get3A, %get3A_2] : memref<1024x128xf32, #tpu.memory_space<vmem>>, vector<1024x128xf32>
    %get3A_4 = arith.constant 0 : index
    %get3A_5 = arith.constant 0 : index
    %get3A_6 = vector.load %arg11[%get3A_4, %get3A_5] : memref<1024x128xf32, #tpu.memory_space<vmem>>, vector<1024x128xf32>
    %get3A_7 = arith.constant 0 : index
    %get3A_8 = arith.constant 0 : index
    %get3A_9 = vector.load %arg5[%get3A_7, %get3A_8] : memref<1x512xf32, #tpu.memory_space<vmem>>, vector<1x512xf32>
    %get3A_10 = arith.constant 0 : index
    %get3A_11 = arith.constant 0 : index
    %get3A_12 = arith.constant 0 : index
    %get3A_13 = vector.load %arg2[%get3A_10, %get3A_11, %get3A_12] : memref<10x1024x128xf32, #tpu.memory_space<vmem>>, vector<1x1024x128xf32>
    %get3A_14 = vector.shape_cast %get3A_13 : vector<1x1024x128xf32> to vector<1024x128xf32>
    %bitcast_convert_type3A = tpu.bitcast %get3A_14 : vector<1024x128xf32> -> vector<1024x128xi32>
    %shift_left3A = arith.constant 16 : i32
    %shift_left3A_15 = vector.broadcast %shift_left3A : i32 to vector<1024x128xi32>
    %shift_left3A_16 = arith.shli %bitcast_convert_type3A, %shift_left3A_15 : vector<1024x128xi32>
    %bitcast_convert_type3A_17 = tpu.bitcast %shift_left3A_16 : vector<1024x128xi32> -> vector<1024x128xf32>
    %and3A = arith.constant -65536 : i32
    %and3A_18 = vector.broadcast %and3A : i32 to vector<1024x128xi32>
    %and3A_19 = arith.andi %bitcast_convert_type3A, %and3A_18 : vector<1024x128xi32>
    %bitcast_convert_type3A_20 = tpu.bitcast %and3A_19 : vector<1024x128xi32> -> vector<1024x128xf32>
    %concatenate3A = tpu.concatenate %bitcast_convert_type3A_17, %bitcast_convert_type3A_20 in 1 : vector<1024x128xf32>, vector<1024x128xf32> -> vector<1024x256xf32>
    %convert_element_type3A_21 = arith.truncf %concatenate3A : vector<1024x256xf32> to vector<1024x256xbf16>
    %get3A_22 = arith.constant 0 : index
    %get3A_23 = arith.constant 0 : index
    %get3A_24 = vector.load %arg3[%get3A_22, %get3A_23] : memref<256x512xbf16, #tpu.memory_space<vmem>>, vector<256x512xbf16>
    %dot_general3A = arith.constant dense<0.000000e+00> : vector<1024x512xf32>
    %dot_general3A_25 = tpu.matmul %convert_element_type3A_21, %get3A_24, %dot_general3A {dimension_numbers = #tpu.dot_dimension_numbers<[1], [0], [0], [1], [0, 0, 1, 1], [], []>, transpose_lhs_hint = false} : vector<1024x256xbf16>, vector<256x512xbf16>, vector<1024x512xf32> -> vector<1024x512xf32>
    %convert_element_type3A_26 = arith.truncf %get3A_3 : vector<1024x128xf32> to vector<1024x128xbf16>
    %get3A_27 = arith.constant 0 : index
    %get3A_28 = arith.constant 0 : index
    %get3A_29 = vector.load %arg4[%get3A_27, %get3A_28] : memref<128x512xbf16, #tpu.memory_space<vmem>>, vector<128x512xbf16>
    %dot_general3A_30 = arith.constant dense<0.000000e+00> : vector<1024x512xf32>
    %dot_general3A_31 = tpu.matmul %convert_element_type3A_26, %get3A_29, %dot_general3A_30 {dimension_numbers = #tpu.dot_dimension_numbers<[1], [0], [0], [1], [0, 0, 1, 1], [], []>, transpose_lhs_hint = false} : vector<1024x128xbf16>, vector<128x512xbf16>, vector<1024x512xf32> -> vector<1024x512xf32>
    %add3A = arith.addf %dot_general3A_25, %dot_general3A_31 : vector<1024x512xf32>
    %add3A_32 = vector.broadcast %get3A_9 : vector<1x512xf32> to vector<1024x512xf32>
    %add3A_33 = arith.addf %add3A, %add3A_32 : vector<1024x512xf32>
    %slice3A = vector.extract_strided_slice %add3A_33 {offsets = [0, 0], sizes = [1024, 128], strides = [1, 1]} : vector<1024x512xf32> to vector<1024x128xf32>
    %mul3A = arith.constant 5.000000e-01 : f32
    %mul3A_34 = vector.broadcast %mul3A : f32 to vector<1024x128xf32>
    %mul3A_35 = arith.mulf %mul3A_34, %slice3A : vector<1024x128xf32>
    %tanh3A = math.tanh %mul3A_35 : vector<1024x128xf32>
    %mul3A_36 = arith.constant 5.000000e-01 : f32
    %mul3A_37 = vector.broadcast %mul3A_36 : f32 to vector<1024x128xf32>
    %mul3A_38 = arith.mulf %mul3A_37, %tanh3A : vector<1024x128xf32>
    %add3A_39 = arith.constant 5.000000e-01 : f32
    %add3A_40 = vector.broadcast %add3A_39 : f32 to vector<1024x128xf32>
    %add3A_41 = arith.addf %mul3A_38, %add3A_40 : vector<1024x128xf32>
    %slice3A_42 = vector.extract_strided_slice %add3A_33 {offsets = [0, 128], sizes = [1024, 128], strides = [1, 1]} : vector<1024x512xf32> to vector<1024x128xf32>
    %mul3A_43 = arith.constant 5.000000e-01 : f32
    %mul3A_44 = vector.broadcast %mul3A_43 : f32 to vector<1024x128xf32>
    %mul3A_45 = arith.mulf %mul3A_44, %slice3A_42 : vector<1024x128xf32>
    %tanh3A_46 = math.tanh %mul3A_45 : vector<1024x128xf32>
    %mul3A_47 = arith.constant 5.000000e-01 : f32
    %mul3A_48 = vector.broadcast %mul3A_47 : f32 to vector<1024x128xf32>
    %mul3A_49 = arith.mulf %mul3A_48, %tanh3A_46 : vector<1024x128xf32>
    %add3A_50 = arith.constant 5.000000e-01 : f32
    %add3A_51 = vector.broadcast %add3A_50 : f32 to vector<1024x128xf32>
    %add3A_52 = arith.addf %mul3A_49, %add3A_51 : vector<1024x128xf32>
    %slice3A_53 = vector.extract_strided_slice %add3A_33 {offsets = [0, 256], sizes = [1024, 128], strides = [1, 1]} : vector<1024x512xf32> to vector<1024x128xf32>
    %tanh3A_54 = math.tanh %slice3A_53 : vector<1024x128xf32>
    %slice3A_55 = vector.extract_strided_slice %add3A_33 {offsets = [0, 384], sizes = [1024, 128], strides = [1, 1]} : vector<1024x512xf32> to vector<1024x128xf32>
    %mul3A_56 = arith.constant 5.000000e-01 : f32
    %mul3A_57 = vector.broadcast %mul3A_56 : f32 to vector<1024x128xf32>
    %mul3A_58 = arith.mulf %mul3A_57, %slice3A_55 : vector<1024x128xf32>
    %tanh3A_59 = math.tanh %mul3A_58 : vector<1024x128xf32>
    %mul3A_60 = arith.constant 5.000000e-01 : f32
    %mul3A_61 = vector.broadcast %mul3A_60 : f32 to vector<1024x128xf32>
    %mul3A_62 = arith.mulf %mul3A_61, %tanh3A_59 : vector<1024x128xf32>
    %add3A_63 = arith.constant 5.000000e-01 : f32
    %add3A_64 = vector.broadcast %add3A_63 : f32 to vector<1024x128xf32>
    %add3A_65 = arith.addf %mul3A_62, %add3A_64 : vector<1024x128xf32>
    %mul3A_66 = arith.mulf %add3A_52, %get3A_6 : vector<1024x128xf32>
    %mul3A_67 = arith.mulf %add3A_41, %tanh3A_54 : vector<1024x128xf32>
    %add3A_68 = arith.addf %mul3A_66, %mul3A_67 : vector<1024x128xf32>
    %tanh3A_69 = math.tanh %add3A_68 : vector<1024x128xf32>
    %mul3A_70 = arith.mulf %add3A_65, %tanh3A_69 : vector<1024x128xf32>
    %get3A_71 = arith.constant 1 : index
    %get3A_72 = arith.constant 0 : index
    %get3A_73 = arith.constant 0 : index
    %get3A_74 = vector.load %arg2[%get3A_71, %get3A_72, %get3A_73] : memref<10x1024x128xf32, #tpu.memory_space<vmem>>, vector<1x1024x128xf32>
    %get3A_75 = vector.shape_cast %get3A_74 : vector<1x1024x128xf32> to vector<1024x128xf32>
    %bitcast_convert_type3A_76 = tpu.bitcast %get3A_75 : vector<1024x128xf32> -> vector<1024x128xi32>
    %shift_left3A_77 = arith.constant 16 : i32
    %shift_left3A_78 = vector.broadcast %shift_left3A_77 : i32 to vector<1024x128xi32>
    %shift_left3A_79 = arith.shli %bitcast_convert_type3A_76, %shift_left3A_78 : vector<1024x128xi32>
    %bitcast_convert_type3A_80 = tpu.bitcast %shift_left3A_79 : vector<1024x128xi32> -> vector<1024x128xf32>
    %and3A_81 = arith.constant -65536 : i32
    %and3A_82 = vector.broadcast %and3A_81 : i32 to vector<1024x128xi32>
    %and3A_83 = arith.andi %bitcast_convert_type3A_76, %and3A_82 : vector<1024x128xi32>
    %bitcast_convert_type3A_84 = tpu.bitcast %and3A_83 : vector<1024x128xi32> -> vector<1024x128xf32>
    %concatenate3A_85 = tpu.concatenate %bitcast_convert_type3A_80, %bitcast_convert_type3A_84 in 1 : vector<1024x128xf32>, vector<1024x128xf32> -> vector<1024x256xf32>
    %convert_element_type3A_86 = arith.truncf %concatenate3A_85 : vector<1024x256xf32> to vector<1024x256xbf16>
    %get3A_87 = arith.constant 0 : index
    %get3A_88 = arith.constant 0 : index
    %get3A_89 = vector.load %arg3[%get3A_87, %get3A_88] : memref<256x512xbf16, #tpu.memory_space<vmem>>, vector<256x512xbf16>
    %dot_general3A_90 = arith.constant dense<0.000000e+00> : vector<1024x512xf32>
    %dot_general3A_91 = tpu.matmul %convert_element_type3A_86, %get3A_89, %dot_general3A_90 {dimension_numbers = #tpu.dot_dimension_numbers<[1], [0], [0], [1], [0, 0, 1, 1], [], []>, transpose_lhs_hint = false} : vector<1024x256xbf16>, vector<256x512xbf16>, vector<1024x512xf32> -> vector<1024x512xf32>
    %convert_element_type3A_92 = arith.truncf %mul3A_70 : vector<1024x128xf32> to vector<1024x128xbf16>
    %get3A_93 = arith.constant 0 : index
    %get3A_94 = arith.constant 0 : index
    %get3A_95 = vector.load %arg4[%get3A_93, %get3A_94] : memref<128x512xbf16, #tpu.memory_space<vmem>>, vector<128x512xbf16>
    %dot_general3A_96 = arith.constant dense<0.000000e+00> : vector<1024x512xf32>
    %dot_general3A_97 = tpu.matmul %convert_element_type3A_92, %get3A_95, %dot_general3A_96 {dimension_numbers = #tpu.dot_dimension_numbers<[1], [0], [0], [1], [0, 0, 1, 1], [], []>, transpose_lhs_hint = false} : vector<1024x128xbf16>, vector<128x512xbf16>, vector<1024x512xf32> -> vector<1024x512xf32>
    %add3A_98 = arith.addf %dot_general3A_91, %dot_general3A_97 : vector<1024x512xf32>
    %add3A_99 = vector.broadcast %get3A_9 : vector<1x512xf32> to vector<1024x512xf32>
    %add3A_100 = arith.addf %add3A_98, %add3A_99 : vector<1024x512xf32>
    %slice3A_101 = vector.extract_strided_slice %add3A_100 {offsets = [0, 0], sizes = [1024, 128], strides = [1, 1]} : vector<1024x512xf32> to vector<1024x128xf32>
    %mul3A_102 = arith.constant 5.000000e-01 : f32
    %mul3A_103 = vector.broadcast %mul3A_102 : f32 to vector<1024x128xf32>
    %mul3A_104 = arith.mulf %mul3A_103, %slice3A_101 : vector<1024x128xf32>
    %tanh3A_105 = math.tanh %mul3A_104 : vector<1024x128xf32>
    %mul3A_106 = arith.constant 5.000000e-01 : f32
    %mul3A_107 = vector.broadcast %mul3A_106 : f32 to vector<1024x128xf32>
    %mul3A_108 = arith.mulf %mul3A_107, %tanh3A_105 : vector<1024x128xf32>
    %add3A_109 = arith.constant 5.000000e-01 : f32
    %add3A_110 = vector.broadcast %add3A_109 : f32 to vector<1024x128xf32>
    %add3A_111 = arith.addf %mul3A_108, %add3A_110 : vector<1024x128xf32>
    %slice3A_112 = vector.extract_strided_slice %add3A_100 {offsets = [0, 128], sizes = [1024, 128], strides = [1, 1]} : vector<1024x512xf32> to vector<1024x128xf32>
    %mul3A_113 = arith.constant 5.000000e-01 : f32
    %mul3A_114 = vector.broadcast %mul3A_113 : f32 to vector<1024x128xf32>
    %mul3A_115 = arith.mulf %mul3A_114, %slice3A_112 : vector<1024x128xf32>
    %tanh3A_116 = math.tanh %mul3A_115 : vector<1024x128xf32>
    %mul3A_117 = arith.constant 5.000000e-01 : f32
    %mul3A_118 = vector.broadcast %mul3A_117 : f32 to vector<1024x128xf32>
    %mul3A_119 = arith.mulf %mul3A_118, %tanh3A_116 : vector<1024x128xf32>
    %add3A_120 = arith.constant 5.000000e-01 : f32
    %add3A_121 = vector.broadcast %add3A_120 : f32 to vector<1024x128xf32>
    %add3A_122 = arith.addf %mul3A_119, %add3A_121 : vector<1024x128xf32>
    %slice3A_123 = vector.extract_strided_slice %add3A_100 {offsets = [0, 256], sizes = [1024, 128], strides = [1, 1]} : vector<1024x512xf32> to vector<1024x128xf32>
    %tanh3A_124 = math.tanh %slice3A_123 : vector<1024x128xf32>
    %slice3A_125 = vector.extract_strided_slice %add3A_100 {offsets = [0, 384], sizes = [1024, 128], strides = [1, 1]} : vector<1024x512xf32> to vector<1024x128xf32>
    %mul3A_126 = arith.constant 5.000000e-01 : f32
    %mul3A_127 = vector.broadcast %mul3A_126 : f32 to vector<1024x128xf32>
    %mul3A_128 = arith.mulf %mul3A_127, %slice3A_125 : vector<1024x128xf32>
    %tanh3A_129 = math.tanh %mul3A_128 : vector<1024x128xf32>
    %mul3A_130 = arith.constant 5.000000e-01 : f32
    %mul3A_131 = vector.broadcast %mul3A_130 : f32 to vector<1024x128xf32>
    %mul3A_132 = arith.mulf %mul3A_131, %tanh3A_129 : vector<1024x128xf32>
    %add3A_133 = arith.constant 5.000000e-01 : f32
    %add3A_134 = vector.broadcast %add3A_133 : f32 to vector<1024x128xf32>
    %add3A_135 = arith.addf %mul3A_132, %add3A_134 : vector<1024x128xf32>
    %mul3A_136 = arith.mulf %add3A_122, %add3A_68 : vector<1024x128xf32>
    %mul3A_137 = arith.mulf %add3A_111, %tanh3A_124 : vector<1024x128xf32>
    %add3A_138 = arith.addf %mul3A_136, %mul3A_137 : vector<1024x128xf32>
    %tanh3A_139 = math.tanh %add3A_138 : vector<1024x128xf32>
    %mul3A_140 = arith.mulf %add3A_135, %tanh3A_139 : vector<1024x128xf32>
    %get3A_141 = arith.constant 2 : index
    %get3A_142 = arith.constant 0 : index
    %get3A_143 = arith.constant 0 : index
    %get3A_144 = vector.load %arg2[%get3A_141, %get3A_142, %get3A_143] : memref<10x1024x128xf32, #tpu.memory_space<vmem>>, vector<1x1024x128xf32>
    %get3A_145 = vector.shape_cast %get3A_144 : vector<1x1024x128xf32> to vector<1024x128xf32>
    %bitcast_convert_type3A_146 = tpu.bitcast %get3A_145 : vector<1024x128xf32> -> vector<1024x128xi32>
    %shift_left3A_147 = arith.constant 16 : i32
    %shift_left3A_148 = vector.broadcast %shift_left3A_147 : i32 to vector<1024x128xi32>
    %shift_left3A_149 = arith.shli %bitcast_convert_type3A_146, %shift_left3A_148 : vector<1024x128xi32>
    %bitcast_convert_type3A_150 = tpu.bitcast %shift_left3A_149 : vector<1024x128xi32> -> vector<1024x128xf32>
    %and3A_151 = arith.constant -65536 : i32
    %and3A_152 = vector.broadcast %and3A_151 : i32 to vector<1024x128xi32>
    %and3A_153 = arith.andi %bitcast_convert_type3A_146, %and3A_152 : vector<1024x128xi32>
    %bitcast_convert_type3A_154 = tpu.bitcast %and3A_153 : vector<1024x128xi32> -> vector<1024x128xf32>
    %concatenate3A_155 = tpu.concatenate %bitcast_convert_type3A_150, %bitcast_convert_type3A_154 in 1 : vector<1024x128xf32>, vector<1024x128xf32> -> vector<1024x256xf32>
    %convert_element_type3A_156 = arith.truncf %concatenate3A_155 : vector<1024x256xf32> to vector<1024x256xbf16>
    %get3A_157 = arith.constant 0 : index
    %get3A_158 = arith.constant 0 : index
    %get3A_159 = vector.load %arg3[%get3A_157, %get3A_158] : memref<256x512xbf16, #tpu.memory_space<vmem>>, vector<256x512xbf16>
    %dot_general3A_160 = arith.constant dense<0.000000e+00> : vector<1024x512xf32>
    %dot_general3A_161 = tpu.matmul %convert_element_type3A_156, %get3A_159, %dot_general3A_160 {dimension_numbers = #tpu.dot_dimension_numbers<[1], [0], [0], [1], [0, 0, 1, 1], [], []>, transpose_lhs_hint = false} : vector<1024x256xbf16>, vector<256x512xbf16>, vector<1024x512xf32> -> vector<1024x512xf32>
    %convert_element_type3A_162 = arith.truncf %mul3A_140 : vector<1024x128xf32> to vector<1024x128xbf16>
    %get3A_163 = arith.constant 0 : index
    %get3A_164 = arith.constant 0 : index
    %get3A_165 = vector.load %arg4[%get3A_163, %get3A_164] : memref<128x512xbf16, #tpu.memory_space<vmem>>, vector<128x512xbf16>
    %dot_general3A_166 = arith.constant dense<0.000000e+00> : vector<1024x512xf32>
    %dot_general3A_167 = tpu.matmul %convert_element_type3A_162, %get3A_165, %dot_general3A_166 {dimension_numbers = #tpu.dot_dimension_numbers<[1], [0], [0], [1], [0, 0, 1, 1], [], []>, transpose_lhs_hint = false} : vector<1024x128xbf16>, vector<128x512xbf16>, vector<1024x512xf32> -> vector<1024x512xf32>
    %add3A_168 = arith.addf %dot_general3A_161, %dot_general3A_167 : vector<1024x512xf32>
    %add3A_169 = vector.broadcast %get3A_9 : vector<1x512xf32> to vector<1024x512xf32>
    %add3A_170 = arith.addf %add3A_168, %add3A_169 : vector<1024x512xf32>
    %slice3A_171 = vector.extract_strided_slice %add3A_170 {offsets = [0, 0], sizes = [1024, 128], strides = [1, 1]} : vector<1024x512xf32> to vector<1024x128xf32>
    %mul3A_172 = arith.constant 5.000000e-01 : f32
    %mul3A_173 = vector.broadcast %mul3A_172 : f32 to vector<1024x128xf32>
    %mul3A_174 = arith.mulf %mul3A_173, %slice3A_171 : vector<1024x128xf32>
    %tanh3A_175 = math.tanh %mul3A_174 : vector<1024x128xf32>
    %mul3A_176 = arith.constant 5.000000e-01 : f32
    %mul3A_177 = vector.broadcast %mul3A_176 : f32 to vector<1024x128xf32>
    %mul3A_178 = arith.mulf %mul3A_177, %tanh3A_175 : vector<1024x128xf32>
    %add3A_179 = arith.constant 5.000000e-01 : f32
    %add3A_180 = vector.broadcast %add3A_179 : f32 to vector<1024x128xf32>
    %add3A_181 = arith.addf %mul3A_178, %add3A_180 : vector<1024x128xf32>
    %slice3A_182 = vector.extract_strided_slice %add3A_170 {offsets = [0, 128], sizes = [1024, 128], strides = [1, 1]} : vector<1024x512xf32> to vector<1024x128xf32>
    %mul3A_183 = arith.constant 5.000000e-01 : f32
    %mul3A_184 = vector.broadcast %mul3A_183 : f32 to vector<1024x128xf32>
    %mul3A_185 = arith.mulf %mul3A_184, %slice3A_182 : vector<1024x128xf32>
    %tanh3A_186 = math.tanh %mul3A_185 : vector<1024x128xf32>
    %mul3A_187 = arith.constant 5.000000e-01 : f32
    %mul3A_188 = vector.broadcast %mul3A_187 : f32 to vector<1024x128xf32>
    %mul3A_189 = arith.mulf %mul3A_188, %tanh3A_186 : vector<1024x128xf32>
    %add3A_190 = arith.constant 5.000000e-01 : f32
    %add3A_191 = vector.broadcast %add3A_190 : f32 to vector<1024x128xf32>
    %add3A_192 = arith.addf %mul3A_189, %add3A_191 : vector<1024x128xf32>
    %slice3A_193 = vector.extract_strided_slice %add3A_170 {offsets = [0, 256], sizes = [1024, 128], strides = [1, 1]} : vector<1024x512xf32> to vector<1024x128xf32>
    %tanh3A_194 = math.tanh %slice3A_193 : vector<1024x128xf32>
    %slice3A_195 = vector.extract_strided_slice %add3A_170 {offsets = [0, 384], sizes = [1024, 128], strides = [1, 1]} : vector<1024x512xf32> to vector<1024x128xf32>
    %mul3A_196 = arith.constant 5.000000e-01 : f32
    %mul3A_197 = vector.broadcast %mul3A_196 : f32 to vector<1024x128xf32>
    %mul3A_198 = arith.mulf %mul3A_197, %slice3A_195 : vector<1024x128xf32>
    %tanh3A_199 = math.tanh %mul3A_198 : vector<1024x128xf32>
    %mul3A_200 = arith.constant 5.000000e-01 : f32
    %mul3A_201 = vector.broadcast %mul3A_200 : f32 to vector<1024x128xf32>
    %mul3A_202 = arith.mulf %mul3A_201, %tanh3A_199 : vector<1024x128xf32>
    %add3A_203 = arith.constant 5.000000e-01 : f32
    %add3A_204 = vector.broadcast %add3A_203 : f32 to vector<1024x128xf32>
    %add3A_205 = arith.addf %mul3A_202, %add3A_204 : vector<1024x128xf32>
    %mul3A_206 = arith.mulf %add3A_192, %add3A_138 : vector<1024x128xf32>
    %mul3A_207 = arith.mulf %add3A_181, %tanh3A_194 : vector<1024x128xf32>
    %add3A_208 = arith.addf %mul3A_206, %mul3A_207 : vector<1024x128xf32>
    %tanh3A_209 = math.tanh %add3A_208 : vector<1024x128xf32>
    %mul3A_210 = arith.mulf %add3A_205, %tanh3A_209 : vector<1024x128xf32>
    %get3A_211 = arith.constant 3 : index
    %get3A_212 = arith.constant 0 : index
    %get3A_213 = arith.constant 0 : index
    %get3A_214 = vector.load %arg2[%get3A_211, %get3A_212, %get3A_213] : memref<10x1024x128xf32, #tpu.memory_space<vmem>>, vector<1x1024x128xf32>
    %get3A_215 = vector.shape_cast %get3A_214 : vector<1x1024x128xf32> to vector<1024x128xf32>
    %bitcast_convert_type3A_216 = tpu.bitcast %get3A_215 : vector<1024x128xf32> -> vector<1024x128xi32>
    %shift_left3A_217 = arith.constant 16 : i32
    %shift_left3A_218 = vector.broadcast %shift_left3A_217 : i32 to vector<1024x128xi32>
    %shift_left3A_219 = arith.shli %bitcast_convert_type3A_216, %shift_left3A_218 : vector<1024x128xi32>
    %bitcast_convert_type3A_220 = tpu.bitcast %shift_left3A_219 : vector<1024x128xi32> -> vector<1024x128xf32>
    %and3A_221 = arith.constant -65536 : i32
    %and3A_222 = vector.broadcast %and3A_221 : i32 to vector<1024x128xi32>
    %and3A_223 = arith.andi %bitcast_convert_type3A_216, %and3A_222 : vector<1024x128xi32>
    %bitcast_convert_type3A_224 = tpu.bitcast %and3A_223 : vector<1024x128xi32> -> vector<1024x128xf32>
    %concatenate3A_225 = tpu.concatenate %bitcast_convert_type3A_220, %bitcast_convert_type3A_224 in 1 : vector<1024x128xf32>, vector<1024x128xf32> -> vector<1024x256xf32>
    %convert_element_type3A_226 = arith.truncf %concatenate3A_225 : vector<1024x256xf32> to vector<1024x256xbf16>
    %get3A_227 = arith.constant 0 : index
    %get3A_228 = arith.constant 0 : index
    %get3A_229 = vector.load %arg3[%get3A_227, %get3A_228] : memref<256x512xbf16, #tpu.memory_space<vmem>>, vector<256x512xbf16>
    %dot_general3A_230 = arith.constant dense<0.000000e+00> : vector<1024x512xf32>
    %dot_general3A_231 = tpu.matmul %convert_element_type3A_226, %get3A_229, %dot_general3A_230 {dimension_numbers = #tpu.dot_dimension_numbers<[1], [0], [0], [1], [0, 0, 1, 1], [], []>, transpose_lhs_hint = false} : vector<1024x256xbf16>, vector<256x512xbf16>, vector<1024x512xf32> -> vector<1024x512xf32>
    %convert_element_type3A_232 = arith.truncf %mul3A_210 : vector<1024x128xf32> to vector<1024x128xbf16>
    %get3A_233 = arith.constant 0 : index
    %get3A_234 = arith.constant 0 : index
    %get3A_235 = vector.load %arg4[%get3A_233, %get3A_234] : memref<128x512xbf16, #tpu.memory_space<vmem>>, vector<128x512xbf16>
    %dot_general3A_236 = arith.constant dense<0.000000e+00> : vector<1024x512xf32>
    %dot_general3A_237 = tpu.matmul %convert_element_type3A_232, %get3A_235, %dot_general3A_236 {dimension_numbers = #tpu.dot_dimension_numbers<[1], [0], [0], [1], [0, 0, 1, 1], [], []>, transpose_lhs_hint = false} : vector<1024x128xbf16>, vector<128x512xbf16>, vector<1024x512xf32> -> vector<1024x512xf32>
    %add3A_238 = arith.addf %dot_general3A_231, %dot_general3A_237 : vector<1024x512xf32>
    %add3A_239 = vector.broadcast %get3A_9 : vector<1x512xf32> to vector<1024x512xf32>
    %add3A_240 = arith.addf %add3A_238, %add3A_239 : vector<1024x512xf32>
    %slice3A_241 = vector.extract_strided_slice %add3A_240 {offsets = [0, 0], sizes = [1024, 128], strides = [1, 1]} : vector<1024x512xf32> to vector<1024x128xf32>
    %mul3A_242 = arith.constant 5.000000e-01 : f32
    %mul3A_243 = vector.broadcast %mul3A_242 : f32 to vector<1024x128xf32>
    %mul3A_244 = arith.mulf %mul3A_243, %slice3A_241 : vector<1024x128xf32>
    %tanh3A_245 = math.tanh %mul3A_244 : vector<1024x128xf32>
    %mul3A_246 = arith.constant 5.000000e-01 : f32
    %mul3A_247 = vector.broadcast %mul3A_246 : f32 to vector<1024x128xf32>
    %mul3A_248 = arith.mulf %mul3A_247, %tanh3A_245 : vector<1024x128xf32>
    %add3A_249 = arith.constant 5.000000e-01 : f32
    %add3A_250 = vector.broadcast %add3A_249 : f32 to vector<1024x128xf32>
    %add3A_251 = arith.addf %mul3A_248, %add3A_250 : vector<1024x128xf32>
    %slice3A_252 = vector.extract_strided_slice %add3A_240 {offsets = [0, 128], sizes = [1024, 128], strides = [1, 1]} : vector<1024x512xf32> to vector<1024x128xf32>
    %mul3A_253 = arith.constant 5.000000e-01 : f32
    %mul3A_254 = vector.broadcast %mul3A_253 : f32 to vector<1024x128xf32>
    %mul3A_255 = arith.mulf %mul3A_254, %slice3A_252 : vector<1024x128xf32>
    %tanh3A_256 = math.tanh %mul3A_255 : vector<1024x128xf32>
    %mul3A_257 = arith.constant 5.000000e-01 : f32
    %mul3A_258 = vector.broadcast %mul3A_257 : f32 to vector<1024x128xf32>
    %mul3A_259 = arith.mulf %mul3A_258, %tanh3A_256 : vector<1024x128xf32>
    %add3A_260 = arith.constant 5.000000e-01 : f32
    %add3A_261 = vector.broadcast %add3A_260 : f32 to vector<1024x128xf32>
    %add3A_262 = arith.addf %mul3A_259, %add3A_261 : vector<1024x128xf32>
    %slice3A_263 = vector.extract_strided_slice %add3A_240 {offsets = [0, 256], sizes = [1024, 128], strides = [1, 1]} : vector<1024x512xf32> to vector<1024x128xf32>
    %tanh3A_264 = math.tanh %slice3A_263 : vector<1024x128xf32>
    %slice3A_265 = vector.extract_strided_slice %add3A_240 {offsets = [0, 384], sizes = [1024, 128], strides = [1, 1]} : vector<1024x512xf32> to vector<1024x128xf32>
    %mul3A_266 = arith.constant 5.000000e-01 : f32
    %mul3A_267 = vector.broadcast %mul3A_266 : f32 to vector<1024x128xf32>
    %mul3A_268 = arith.mulf %mul3A_267, %slice3A_265 : vector<1024x128xf32>
    %tanh3A_269 = math.tanh %mul3A_268 : vector<1024x128xf32>
    %mul3A_270 = arith.constant 5.000000e-01 : f32
    %mul3A_271 = vector.broadcast %mul3A_270 : f32 to vector<1024x128xf32>
    %mul3A_272 = arith.mulf %mul3A_271, %tanh3A_269 : vector<1024x128xf32>
    %add3A_273 = arith.constant 5.000000e-01 : f32
    %add3A_274 = vector.broadcast %add3A_273 : f32 to vector<1024x128xf32>
    %add3A_275 = arith.addf %mul3A_272, %add3A_274 : vector<1024x128xf32>
    %mul3A_276 = arith.mulf %add3A_262, %add3A_208 : vector<1024x128xf32>
    %mul3A_277 = arith.mulf %add3A_251, %tanh3A_264 : vector<1024x128xf32>
    %add3A_278 = arith.addf %mul3A_276, %mul3A_277 : vector<1024x128xf32>
    %tanh3A_279 = math.tanh %add3A_278 : vector<1024x128xf32>
    %mul3A_280 = arith.mulf %add3A_275, %tanh3A_279 : vector<1024x128xf32>
    %get3A_281 = arith.constant 4 : index
    %get3A_282 = arith.constant 0 : index
    %get3A_283 = arith.constant 0 : index
    %get3A_284 = vector.load %arg2[%get3A_281, %get3A_282, %get3A_283] : memref<10x1024x128xf32, #tpu.memory_space<vmem>>, vector<1x1024x128xf32>
    %get3A_285 = vector.shape_cast %get3A_284 : vector<1x1024x128xf32> to vector<1024x128xf32>
    %bitcast_convert_type3A_286 = tpu.bitcast %get3A_285 : vector<1024x128xf32> -> vector<1024x128xi32>
    %shift_left3A_287 = arith.constant 16 : i32
    %shift_left3A_288 = vector.broadcast %shift_left3A_287 : i32 to vector<1024x128xi32>
    %shift_left3A_289 = arith.shli %bitcast_convert_type3A_286, %shift_left3A_288 : vector<1024x128xi32>
    %bitcast_convert_type3A_290 = tpu.bitcast %shift_left3A_289 : vector<1024x128xi32> -> vector<1024x128xf32>
    %and3A_291 = arith.constant -65536 : i32
    %and3A_292 = vector.broadcast %and3A_291 : i32 to vector<1024x128xi32>
    %and3A_293 = arith.andi %bitcast_convert_type3A_286, %and3A_292 : vector<1024x128xi32>
    %bitcast_convert_type3A_294 = tpu.bitcast %and3A_293 : vector<1024x128xi32> -> vector<1024x128xf32>
    %concatenate3A_295 = tpu.concatenate %bitcast_convert_type3A_290, %bitcast_convert_type3A_294 in 1 : vector<1024x128xf32>, vector<1024x128xf32> -> vector<1024x256xf32>
    %convert_element_type3A_296 = arith.truncf %concatenate3A_295 : vector<1024x256xf32> to vector<1024x256xbf16>
    %get3A_297 = arith.constant 0 : index
    %get3A_298 = arith.constant 0 : index
    %get3A_299 = vector.load %arg3[%get3A_297, %get3A_298] : memref<256x512xbf16, #tpu.memory_space<vmem>>, vector<256x512xbf16>
    %dot_general3A_300 = arith.constant dense<0.000000e+00> : vector<1024x512xf32>
    %dot_general3A_301 = tpu.matmul %convert_element_type3A_296, %get3A_299, %dot_general3A_300 {dimension_numbers = #tpu.dot_dimension_numbers<[1], [0], [0], [1], [0, 0, 1, 1], [], []>, transpose_lhs_hint = false} : vector<1024x256xbf16>, vector<256x512xbf16>, vector<1024x512xf32> -> vector<1024x512xf32>
    %convert_element_type3A_302 = arith.truncf %mul3A_280 : vector<1024x128xf32> to vector<1024x128xbf16>
    %get3A_303 = arith.constant 0 : index
    %get3A_304 = arith.constant 0 : index
    %get3A_305 = vector.load %arg4[%get3A_303, %get3A_304] : memref<128x512xbf16, #tpu.memory_space<vmem>>, vector<128x512xbf16>
    %dot_general3A_306 = arith.constant dense<0.000000e+00> : vector<1024x512xf32>
    %dot_general3A_307 = tpu.matmul %convert_element_type3A_302, %get3A_305, %dot_general3A_306 {dimension_numbers = #tpu.dot_dimension_numbers<[1], [0], [0], [1], [0, 0, 1, 1], [], []>, transpose_lhs_hint = false} : vector<1024x128xbf16>, vector<128x512xbf16>, vector<1024x512xf32> -> vector<1024x512xf32>
    %add3A_308 = arith.addf %dot_general3A_301, %dot_general3A_307 : vector<1024x512xf32>
    %add3A_309 = vector.broadcast %get3A_9 : vector<1x512xf32> to vector<1024x512xf32>
    %add3A_310 = arith.addf %add3A_308, %add3A_309 : vector<1024x512xf32>
    %slice3A_311 = vector.extract_strided_slice %add3A_310 {offsets = [0, 0], sizes = [1024, 128], strides = [1, 1]} : vector<1024x512xf32> to vector<1024x128xf32>
    %mul3A_312 = arith.constant 5.000000e-01 : f32
    %mul3A_313 = vector.broadcast %mul3A_312 : f32 to vector<1024x128xf32>
    %mul3A_314 = arith.mulf %mul3A_313, %slice3A_311 : vector<1024x128xf32>
    %tanh3A_315 = math.tanh %mul3A_314 : vector<1024x128xf32>
    %mul3A_316 = arith.constant 5.000000e-01 : f32
    %mul3A_317 = vector.broadcast %mul3A_316 : f32 to vector<1024x128xf32>
    %mul3A_318 = arith.mulf %mul3A_317, %tanh3A_315 : vector<1024x128xf32>
    %add3A_319 = arith.constant 5.000000e-01 : f32
    %add3A_320 = vector.broadcast %add3A_319 : f32 to vector<1024x128xf32>
    %add3A_321 = arith.addf %mul3A_318, %add3A_320 : vector<1024x128xf32>
    %slice3A_322 = vector.extract_strided_slice %add3A_310 {offsets = [0, 128], sizes = [1024, 128], strides = [1, 1]} : vector<1024x512xf32> to vector<1024x128xf32>
    %mul3A_323 = arith.constant 5.000000e-01 : f32
    %mul3A_324 = vector.broadcast %mul3A_323 : f32 to vector<1024x128xf32>
    %mul3A_325 = arith.mulf %mul3A_324, %slice3A_322 : vector<1024x128xf32>
    %tanh3A_326 = math.tanh %mul3A_325 : vector<1024x128xf32>
    %mul3A_327 = arith.constant 5.000000e-01 : f32
    %mul3A_328 = vector.broadcast %mul3A_327 : f32 to vector<1024x128xf32>
    %mul3A_329 = arith.mulf %mul3A_328, %tanh3A_326 : vector<1024x128xf32>
    %add3A_330 = arith.constant 5.000000e-01 : f32
    %add3A_331 = vector.broadcast %add3A_330 : f32 to vector<1024x128xf32>
    %add3A_332 = arith.addf %mul3A_329, %add3A_331 : vector<1024x128xf32>
    %slice3A_333 = vector.extract_strided_slice %add3A_310 {offsets = [0, 256], sizes = [1024, 128], strides = [1, 1]} : vector<1024x512xf32> to vector<1024x128xf32>
    %tanh3A_334 = math.tanh %slice3A_333 : vector<1024x128xf32>
    %slice3A_335 = vector.extract_strided_slice %add3A_310 {offsets = [0, 384], sizes = [1024, 128], strides = [1, 1]} : vector<1024x512xf32> to vector<1024x128xf32>
    %mul3A_336 = arith.constant 5.000000e-01 : f32
    %mul3A_337 = vector.broadcast %mul3A_336 : f32 to vector<1024x128xf32>
    %mul3A_338 = arith.mulf %mul3A_337, %slice3A_335 : vector<1024x128xf32>
    %tanh3A_339 = math.tanh %mul3A_338 : vector<1024x128xf32>
    %mul3A_340 = arith.constant 5.000000e-01 : f32
    %mul3A_341 = vector.broadcast %mul3A_340 : f32 to vector<1024x128xf32>
    %mul3A_342 = arith.mulf %mul3A_341, %tanh3A_339 : vector<1024x128xf32>
    %add3A_343 = arith.constant 5.000000e-01 : f32
    %add3A_344 = vector.broadcast %add3A_343 : f32 to vector<1024x128xf32>
    %add3A_345 = arith.addf %mul3A_342, %add3A_344 : vector<1024x128xf32>
    %mul3A_346 = arith.mulf %add3A_332, %add3A_278 : vector<1024x128xf32>
    %mul3A_347 = arith.mulf %add3A_321, %tanh3A_334 : vector<1024x128xf32>
    %add3A_348 = arith.addf %mul3A_346, %mul3A_347 : vector<1024x128xf32>
    %tanh3A_349 = math.tanh %add3A_348 : vector<1024x128xf32>
    %mul3A_350 = arith.mulf %add3A_345, %tanh3A_349 : vector<1024x128xf32>
    %get3A_351 = arith.constant 5 : index
    %get3A_352 = arith.constant 0 : index
    %get3A_353 = arith.constant 0 : index
    %get3A_354 = vector.load %arg2[%get3A_351, %get3A_352, %get3A_353] : memref<10x1024x128xf32, #tpu.memory_space<vmem>>, vector<1x1024x128xf32>
    %get3A_355 = vector.shape_cast %get3A_354 : vector<1x1024x128xf32> to vector<1024x128xf32>
    %bitcast_convert_type3A_356 = tpu.bitcast %get3A_355 : vector<1024x128xf32> -> vector<1024x128xi32>
    %shift_left3A_357 = arith.constant 16 : i32
    %shift_left3A_358 = vector.broadcast %shift_left3A_357 : i32 to vector<1024x128xi32>
    %shift_left3A_359 = arith.shli %bitcast_convert_type3A_356, %shift_left3A_358 : vector<1024x128xi32>
    %bitcast_convert_type3A_360 = tpu.bitcast %shift_left3A_359 : vector<1024x128xi32> -> vector<1024x128xf32>
    %and3A_361 = arith.constant -65536 : i32
    %and3A_362 = vector.broadcast %and3A_361 : i32 to vector<1024x128xi32>
    %and3A_363 = arith.andi %bitcast_convert_type3A_356, %and3A_362 : vector<1024x128xi32>
    %bitcast_convert_type3A_364 = tpu.bitcast %and3A_363 : vector<1024x128xi32> -> vector<1024x128xf32>
    %concatenate3A_365 = tpu.concatenate %bitcast_convert_type3A_360, %bitcast_convert_type3A_364 in 1 : vector<1024x128xf32>, vector<1024x128xf32> -> vector<1024x256xf32>
    %convert_element_type3A_366 = arith.truncf %concatenate3A_365 : vector<1024x256xf32> to vector<1024x256xbf16>
    %get3A_367 = arith.constant 0 : index
    %get3A_368 = arith.constant 0 : index
    %get3A_369 = vector.load %arg3[%get3A_367, %get3A_368] : memref<256x512xbf16, #tpu.memory_space<vmem>>, vector<256x512xbf16>
    %dot_general3A_370 = arith.constant dense<0.000000e+00> : vector<1024x512xf32>
    %dot_general3A_371 = tpu.matmul %convert_element_type3A_366, %get3A_369, %dot_general3A_370 {dimension_numbers = #tpu.dot_dimension_numbers<[1], [0], [0], [1], [0, 0, 1, 1], [], []>, transpose_lhs_hint = false} : vector<1024x256xbf16>, vector<256x512xbf16>, vector<1024x512xf32> -> vector<1024x512xf32>
    %convert_element_type3A_372 = arith.truncf %mul3A_350 : vector<1024x128xf32> to vector<1024x128xbf16>
    %get3A_373 = arith.constant 0 : index
    %get3A_374 = arith.constant 0 : index
    %get3A_375 = vector.load %arg4[%get3A_373, %get3A_374] : memref<128x512xbf16, #tpu.memory_space<vmem>>, vector<128x512xbf16>
    %dot_general3A_376 = arith.constant dense<0.000000e+00> : vector<1024x512xf32>
    %dot_general3A_377 = tpu.matmul %convert_element_type3A_372, %get3A_375, %dot_general3A_376 {dimension_numbers = #tpu.dot_dimension_numbers<[1], [0], [0], [1], [0, 0, 1, 1], [], []>, transpose_lhs_hint = false} : vector<1024x128xbf16>, vector<128x512xbf16>, vector<1024x512xf32> -> vector<1024x512xf32>
    %add3A_378 = arith.addf %dot_general3A_371, %dot_general3A_377 : vector<1024x512xf32>
    %add3A_379 = vector.broadcast %get3A_9 : vector<1x512xf32> to vector<1024x512xf32>
    %add3A_380 = arith.addf %add3A_378, %add3A_379 : vector<1024x512xf32>
    %slice3A_381 = vector.extract_strided_slice %add3A_380 {offsets = [0, 0], sizes = [1024, 128], strides = [1, 1]} : vector<1024x512xf32> to vector<1024x128xf32>
    %mul3A_382 = arith.constant 5.000000e-01 : f32
    %mul3A_383 = vector.broadcast %mul3A_382 : f32 to vector<1024x128xf32>
    %mul3A_384 = arith.mulf %mul3A_383, %slice3A_381 : vector<1024x128xf32>
    %tanh3A_385 = math.tanh %mul3A_384 : vector<1024x128xf32>
    %mul3A_386 = arith.constant 5.000000e-01 : f32
    %mul3A_387 = vector.broadcast %mul3A_386 : f32 to vector<1024x128xf32>
    %mul3A_388 = arith.mulf %mul3A_387, %tanh3A_385 : vector<1024x128xf32>
    %add3A_389 = arith.constant 5.000000e-01 : f32
    %add3A_390 = vector.broadcast %add3A_389 : f32 to vector<1024x128xf32>
    %add3A_391 = arith.addf %mul3A_388, %add3A_390 : vector<1024x128xf32>
    %slice3A_392 = vector.extract_strided_slice %add3A_380 {offsets = [0, 128], sizes = [1024, 128], strides = [1, 1]} : vector<1024x512xf32> to vector<1024x128xf32>
    %mul3A_393 = arith.constant 5.000000e-01 : f32
    %mul3A_394 = vector.broadcast %mul3A_393 : f32 to vector<1024x128xf32>
    %mul3A_395 = arith.mulf %mul3A_394, %slice3A_392 : vector<1024x128xf32>
    %tanh3A_396 = math.tanh %mul3A_395 : vector<1024x128xf32>
    %mul3A_397 = arith.constant 5.000000e-01 : f32
    %mul3A_398 = vector.broadcast %mul3A_397 : f32 to vector<1024x128xf32>
    %mul3A_399 = arith.mulf %mul3A_398, %tanh3A_396 : vector<1024x128xf32>
    %add3A_400 = arith.constant 5.000000e-01 : f32
    %add3A_401 = vector.broadcast %add3A_400 : f32 to vector<1024x128xf32>
    %add3A_402 = arith.addf %mul3A_399, %add3A_401 : vector<1024x128xf32>
    %slice3A_403 = vector.extract_strided_slice %add3A_380 {offsets = [0, 256], sizes = [1024, 128], strides = [1, 1]} : vector<1024x512xf32> to vector<1024x128xf32>
    %tanh3A_404 = math.tanh %slice3A_403 : vector<1024x128xf32>
    %slice3A_405 = vector.extract_strided_slice %add3A_380 {offsets = [0, 384], sizes = [1024, 128], strides = [1, 1]} : vector<1024x512xf32> to vector<1024x128xf32>
    %mul3A_406 = arith.constant 5.000000e-01 : f32
    %mul3A_407 = vector.broadcast %mul3A_406 : f32 to vector<1024x128xf32>
    %mul3A_408 = arith.mulf %mul3A_407, %slice3A_405 : vector<1024x128xf32>
    %tanh3A_409 = math.tanh %mul3A_408 : vector<1024x128xf32>
    %mul3A_410 = arith.constant 5.000000e-01 : f32
    %mul3A_411 = vector.broadcast %mul3A_410 : f32 to vector<1024x128xf32>
    %mul3A_412 = arith.mulf %mul3A_411, %tanh3A_409 : vector<1024x128xf32>
    %add3A_413 = arith.constant 5.000000e-01 : f32
    %add3A_414 = vector.broadcast %add3A_413 : f32 to vector<1024x128xf32>
    %add3A_415 = arith.addf %mul3A_412, %add3A_414 : vector<1024x128xf32>
    %mul3A_416 = arith.mulf %add3A_402, %add3A_348 : vector<1024x128xf32>
    %mul3A_417 = arith.mulf %add3A_391, %tanh3A_404 : vector<1024x128xf32>
    %add3A_418 = arith.addf %mul3A_416, %mul3A_417 : vector<1024x128xf32>
    %tanh3A_419 = math.tanh %add3A_418 : vector<1024x128xf32>
    %mul3A_420 = arith.mulf %add3A_415, %tanh3A_419 : vector<1024x128xf32>
    %get3A_421 = arith.constant 6 : index
    %get3A_422 = arith.constant 0 : index
    %get3A_423 = arith.constant 0 : index
    %get3A_424 = vector.load %arg2[%get3A_421, %get3A_422, %get3A_423] : memref<10x1024x128xf32, #tpu.memory_space<vmem>>, vector<1x1024x128xf32>
    %get3A_425 = vector.shape_cast %get3A_424 : vector<1x1024x128xf32> to vector<1024x128xf32>
    %bitcast_convert_type3A_426 = tpu.bitcast %get3A_425 : vector<1024x128xf32> -> vector<1024x128xi32>
    %shift_left3A_427 = arith.constant 16 : i32
    %shift_left3A_428 = vector.broadcast %shift_left3A_427 : i32 to vector<1024x128xi32>
    %shift_left3A_429 = arith.shli %bitcast_convert_type3A_426, %shift_left3A_428 : vector<1024x128xi32>
    %bitcast_convert_type3A_430 = tpu.bitcast %shift_left3A_429 : vector<1024x128xi32> -> vector<1024x128xf32>
    %and3A_431 = arith.constant -65536 : i32
    %and3A_432 = vector.broadcast %and3A_431 : i32 to vector<1024x128xi32>
    %and3A_433 = arith.andi %bitcast_convert_type3A_426, %and3A_432 : vector<1024x128xi32>
    %bitcast_convert_type3A_434 = tpu.bitcast %and3A_433 : vector<1024x128xi32> -> vector<1024x128xf32>
    %concatenate3A_435 = tpu.concatenate %bitcast_convert_type3A_430, %bitcast_convert_type3A_434 in 1 : vector<1024x128xf32>, vector<1024x128xf32> -> vector<1024x256xf32>
    %convert_element_type3A_436 = arith.truncf %concatenate3A_435 : vector<1024x256xf32> to vector<1024x256xbf16>
    %get3A_437 = arith.constant 0 : index
    %get3A_438 = arith.constant 0 : index
    %get3A_439 = vector.load %arg3[%get3A_437, %get3A_438] : memref<256x512xbf16, #tpu.memory_space<vmem>>, vector<256x512xbf16>
    %dot_general3A_440 = arith.constant dense<0.000000e+00> : vector<1024x512xf32>
    %dot_general3A_441 = tpu.matmul %convert_element_type3A_436, %get3A_439, %dot_general3A_440 {dimension_numbers = #tpu.dot_dimension_numbers<[1], [0], [0], [1], [0, 0, 1, 1], [], []>, transpose_lhs_hint = false} : vector<1024x256xbf16>, vector<256x512xbf16>, vector<1024x512xf32> -> vector<1024x512xf32>
    %convert_element_type3A_442 = arith.truncf %mul3A_420 : vector<1024x128xf32> to vector<1024x128xbf16>
    %get3A_443 = arith.constant 0 : index
    %get3A_444 = arith.constant 0 : index
    %get3A_445 = vector.load %arg4[%get3A_443, %get3A_444] : memref<128x512xbf16, #tpu.memory_space<vmem>>, vector<128x512xbf16>
    %dot_general3A_446 = arith.constant dense<0.000000e+00> : vector<1024x512xf32>
    %dot_general3A_447 = tpu.matmul %convert_element_type3A_442, %get3A_445, %dot_general3A_446 {dimension_numbers = #tpu.dot_dimension_numbers<[1], [0], [0], [1], [0, 0, 1, 1], [], []>, transpose_lhs_hint = false} : vector<1024x128xbf16>, vector<128x512xbf16>, vector<1024x512xf32> -> vector<1024x512xf32>
    %add3A_448 = arith.addf %dot_general3A_441, %dot_general3A_447 : vector<1024x512xf32>
    %add3A_449 = vector.broadcast %get3A_9 : vector<1x512xf32> to vector<1024x512xf32>
    %add3A_450 = arith.addf %add3A_448, %add3A_449 : vector<1024x512xf32>
    %slice3A_451 = vector.extract_strided_slice %add3A_450 {offsets = [0, 0], sizes = [1024, 128], strides = [1, 1]} : vector<1024x512xf32> to vector<1024x128xf32>
    %mul3A_452 = arith.constant 5.000000e-01 : f32
    %mul3A_453 = vector.broadcast %mul3A_452 : f32 to vector<1024x128xf32>
    %mul3A_454 = arith.mulf %mul3A_453, %slice3A_451 : vector<1024x128xf32>
    %tanh3A_455 = math.tanh %mul3A_454 : vector<1024x128xf32>
    %mul3A_456 = arith.constant 5.000000e-01 : f32
    %mul3A_457 = vector.broadcast %mul3A_456 : f32 to vector<1024x128xf32>
    %mul3A_458 = arith.mulf %mul3A_457, %tanh3A_455 : vector<1024x128xf32>
    %add3A_459 = arith.constant 5.000000e-01 : f32
    %add3A_460 = vector.broadcast %add3A_459 : f32 to vector<1024x128xf32>
    %add3A_461 = arith.addf %mul3A_458, %add3A_460 : vector<1024x128xf32>
    %slice3A_462 = vector.extract_strided_slice %add3A_450 {offsets = [0, 128], sizes = [1024, 128], strides = [1, 1]} : vector<1024x512xf32> to vector<1024x128xf32>
    %mul3A_463 = arith.constant 5.000000e-01 : f32
    %mul3A_464 = vector.broadcast %mul3A_463 : f32 to vector<1024x128xf32>
    %mul3A_465 = arith.mulf %mul3A_464, %slice3A_462 : vector<1024x128xf32>
    %tanh3A_466 = math.tanh %mul3A_465 : vector<1024x128xf32>
    %mul3A_467 = arith.constant 5.000000e-01 : f32
    %mul3A_468 = vector.broadcast %mul3A_467 : f32 to vector<1024x128xf32>
    %mul3A_469 = arith.mulf %mul3A_468, %tanh3A_466 : vector<1024x128xf32>
    %add3A_470 = arith.constant 5.000000e-01 : f32
    %add3A_471 = vector.broadcast %add3A_470 : f32 to vector<1024x128xf32>
    %add3A_472 = arith.addf %mul3A_469, %add3A_471 : vector<1024x128xf32>
    %slice3A_473 = vector.extract_strided_slice %add3A_450 {offsets = [0, 256], sizes = [1024, 128], strides = [1, 1]} : vector<1024x512xf32> to vector<1024x128xf32>
    %tanh3A_474 = math.tanh %slice3A_473 : vector<1024x128xf32>
    %slice3A_475 = vector.extract_strided_slice %add3A_450 {offsets = [0, 384], sizes = [1024, 128], strides = [1, 1]} : vector<1024x512xf32> to vector<1024x128xf32>
    %mul3A_476 = arith.constant 5.000000e-01 : f32
    %mul3A_477 = vector.broadcast %mul3A_476 : f32 to vector<1024x128xf32>
    %mul3A_478 = arith.mulf %mul3A_477, %slice3A_475 : vector<1024x128xf32>
    %tanh3A_479 = math.tanh %mul3A_478 : vector<1024x128xf32>
    %mul3A_480 = arith.constant 5.000000e-01 : f32
    %mul3A_481 = vector.broadcast %mul3A_480 : f32 to vector<1024x128xf32>
    %mul3A_482 = arith.mulf %mul3A_481, %tanh3A_479 : vector<1024x128xf32>
    %add3A_483 = arith.constant 5.000000e-01 : f32
    %add3A_484 = vector.broadcast %add3A_483 : f32 to vector<1024x128xf32>
    %add3A_485 = arith.addf %mul3A_482, %add3A_484 : vector<1024x128xf32>
    %mul3A_486 = arith.mulf %add3A_472, %add3A_418 : vector<1024x128xf32>
    %mul3A_487 = arith.mulf %add3A_461, %tanh3A_474 : vector<1024x128xf32>
    %add3A_488 = arith.addf %mul3A_486, %mul3A_487 : vector<1024x128xf32>
    %tanh3A_489 = math.tanh %add3A_488 : vector<1024x128xf32>
    %mul3A_490 = arith.mulf %add3A_485, %tanh3A_489 : vector<1024x128xf32>
    %get3A_491 = arith.constant 7 : index
    %get3A_492 = arith.constant 0 : index
    %get3A_493 = arith.constant 0 : index
    %get3A_494 = vector.load %arg2[%get3A_491, %get3A_492, %get3A_493] : memref<10x1024x128xf32, #tpu.memory_space<vmem>>, vector<1x1024x128xf32>
    %get3A_495 = vector.shape_cast %get3A_494 : vector<1x1024x128xf32> to vector<1024x128xf32>
    %bitcast_convert_type3A_496 = tpu.bitcast %get3A_495 : vector<1024x128xf32> -> vector<1024x128xi32>
    %shift_left3A_497 = arith.constant 16 : i32
    %shift_left3A_498 = vector.broadcast %shift_left3A_497 : i32 to vector<1024x128xi32>
    %shift_left3A_499 = arith.shli %bitcast_convert_type3A_496, %shift_left3A_498 : vector<1024x128xi32>
    %bitcast_convert_type3A_500 = tpu.bitcast %shift_left3A_499 : vector<1024x128xi32> -> vector<1024x128xf32>
    %and3A_501 = arith.constant -65536 : i32
    %and3A_502 = vector.broadcast %and3A_501 : i32 to vector<1024x128xi32>
    %and3A_503 = arith.andi %bitcast_convert_type3A_496, %and3A_502 : vector<1024x128xi32>
    %bitcast_convert_type3A_504 = tpu.bitcast %and3A_503 : vector<1024x128xi32> -> vector<1024x128xf32>
    %concatenate3A_505 = tpu.concatenate %bitcast_convert_type3A_500, %bitcast_convert_type3A_504 in 1 : vector<1024x128xf32>, vector<1024x128xf32> -> vector<1024x256xf32>
    %convert_element_type3A_506 = arith.truncf %concatenate3A_505 : vector<1024x256xf32> to vector<1024x256xbf16>
    %get3A_507 = arith.constant 0 : index
    %get3A_508 = arith.constant 0 : index
    %get3A_509 = vector.load %arg3[%get3A_507, %get3A_508] : memref<256x512xbf16, #tpu.memory_space<vmem>>, vector<256x512xbf16>
    %dot_general3A_510 = arith.constant dense<0.000000e+00> : vector<1024x512xf32>
    %dot_general3A_511 = tpu.matmul %convert_element_type3A_506, %get3A_509, %dot_general3A_510 {dimension_numbers = #tpu.dot_dimension_numbers<[1], [0], [0], [1], [0, 0, 1, 1], [], []>, transpose_lhs_hint = false} : vector<1024x256xbf16>, vector<256x512xbf16>, vector<1024x512xf32> -> vector<1024x512xf32>
    %convert_element_type3A_512 = arith.truncf %mul3A_490 : vector<1024x128xf32> to vector<1024x128xbf16>
    %get3A_513 = arith.constant 0 : index
    %get3A_514 = arith.constant 0 : index
    %get3A_515 = vector.load %arg4[%get3A_513, %get3A_514] : memref<128x512xbf16, #tpu.memory_space<vmem>>, vector<128x512xbf16>
    %dot_general3A_516 = arith.constant dense<0.000000e+00> : vector<1024x512xf32>
    %dot_general3A_517 = tpu.matmul %convert_element_type3A_512, %get3A_515, %dot_general3A_516 {dimension_numbers = #tpu.dot_dimension_numbers<[1], [0], [0], [1], [0, 0, 1, 1], [], []>, transpose_lhs_hint = false} : vector<1024x128xbf16>, vector<128x512xbf16>, vector<1024x512xf32> -> vector<1024x512xf32>
    %add3A_518 = arith.addf %dot_general3A_511, %dot_general3A_517 : vector<1024x512xf32>
    %add3A_519 = vector.broadcast %get3A_9 : vector<1x512xf32> to vector<1024x512xf32>
    %add3A_520 = arith.addf %add3A_518, %add3A_519 : vector<1024x512xf32>
    %slice3A_521 = vector.extract_strided_slice %add3A_520 {offsets = [0, 0], sizes = [1024, 128], strides = [1, 1]} : vector<1024x512xf32> to vector<1024x128xf32>
    %mul3A_522 = arith.constant 5.000000e-01 : f32
    %mul3A_523 = vector.broadcast %mul3A_522 : f32 to vector<1024x128xf32>
    %mul3A_524 = arith.mulf %mul3A_523, %slice3A_521 : vector<1024x128xf32>
    %tanh3A_525 = math.tanh %mul3A_524 : vector<1024x128xf32>
    %mul3A_526 = arith.constant 5.000000e-01 : f32
    %mul3A_527 = vector.broadcast %mul3A_526 : f32 to vector<1024x128xf32>
    %mul3A_528 = arith.mulf %mul3A_527, %tanh3A_525 : vector<1024x128xf32>
    %add3A_529 = arith.constant 5.000000e-01 : f32
    %add3A_530 = vector.broadcast %add3A_529 : f32 to vector<1024x128xf32>
    %add3A_531 = arith.addf %mul3A_528, %add3A_530 : vector<1024x128xf32>
    %slice3A_532 = vector.extract_strided_slice %add3A_520 {offsets = [0, 128], sizes = [1024, 128], strides = [1, 1]} : vector<1024x512xf32> to vector<1024x128xf32>
    %mul3A_533 = arith.constant 5.000000e-01 : f32
    %mul3A_534 = vector.broadcast %mul3A_533 : f32 to vector<1024x128xf32>
    %mul3A_535 = arith.mulf %mul3A_534, %slice3A_532 : vector<1024x128xf32>
    %tanh3A_536 = math.tanh %mul3A_535 : vector<1024x128xf32>
    %mul3A_537 = arith.constant 5.000000e-01 : f32
    %mul3A_538 = vector.broadcast %mul3A_537 : f32 to vector<1024x128xf32>
    %mul3A_539 = arith.mulf %mul3A_538, %tanh3A_536 : vector<1024x128xf32>
    %add3A_540 = arith.constant 5.000000e-01 : f32
    %add3A_541 = vector.broadcast %add3A_540 : f32 to vector<1024x128xf32>
    %add3A_542 = arith.addf %mul3A_539, %add3A_541 : vector<1024x128xf32>
    %slice3A_543 = vector.extract_strided_slice %add3A_520 {offsets = [0, 256], sizes = [1024, 128], strides = [1, 1]} : vector<1024x512xf32> to vector<1024x128xf32>
    %tanh3A_544 = math.tanh %slice3A_543 : vector<1024x128xf32>
    %slice3A_545 = vector.extract_strided_slice %add3A_520 {offsets = [0, 384], sizes = [1024, 128], strides = [1, 1]} : vector<1024x512xf32> to vector<1024x128xf32>
    %mul3A_546 = arith.constant 5.000000e-01 : f32
    %mul3A_547 = vector.broadcast %mul3A_546 : f32 to vector<1024x128xf32>
    %mul3A_548 = arith.mulf %mul3A_547, %slice3A_545 : vector<1024x128xf32>
    %tanh3A_549 = math.tanh %mul3A_548 : vector<1024x128xf32>
    %mul3A_550 = arith.constant 5.000000e-01 : f32
    %mul3A_551 = vector.broadcast %mul3A_550 : f32 to vector<1024x128xf32>
    %mul3A_552 = arith.mulf %mul3A_551, %tanh3A_549 : vector<1024x128xf32>
    %add3A_553 = arith.constant 5.000000e-01 : f32
    %add3A_554 = vector.broadcast %add3A_553 : f32 to vector<1024x128xf32>
    %add3A_555 = arith.addf %mul3A_552, %add3A_554 : vector<1024x128xf32>
    %mul3A_556 = arith.mulf %add3A_542, %add3A_488 : vector<1024x128xf32>
    %mul3A_557 = arith.mulf %add3A_531, %tanh3A_544 : vector<1024x128xf32>
    %add3A_558 = arith.addf %mul3A_556, %mul3A_557 : vector<1024x128xf32>
    %tanh3A_559 = math.tanh %add3A_558 : vector<1024x128xf32>
    %mul3A_560 = arith.mulf %add3A_555, %tanh3A_559 : vector<1024x128xf32>
    %get3A_561 = arith.constant 8 : index
    %get3A_562 = arith.constant 0 : index
    %get3A_563 = arith.constant 0 : index
    %get3A_564 = vector.load %arg2[%get3A_561, %get3A_562, %get3A_563] : memref<10x1024x128xf32, #tpu.memory_space<vmem>>, vector<1x1024x128xf32>
    %get3A_565 = vector.shape_cast %get3A_564 : vector<1x1024x128xf32> to vector<1024x128xf32>
    %bitcast_convert_type3A_566 = tpu.bitcast %get3A_565 : vector<1024x128xf32> -> vector<1024x128xi32>
    %shift_left3A_567 = arith.constant 16 : i32
    %shift_left3A_568 = vector.broadcast %shift_left3A_567 : i32 to vector<1024x128xi32>
    %shift_left3A_569 = arith.shli %bitcast_convert_type3A_566, %shift_left3A_568 : vector<1024x128xi32>
    %bitcast_convert_type3A_570 = tpu.bitcast %shift_left3A_569 : vector<1024x128xi32> -> vector<1024x128xf32>
    %and3A_571 = arith.constant -65536 : i32
    %and3A_572 = vector.broadcast %and3A_571 : i32 to vector<1024x128xi32>
    %and3A_573 = arith.andi %bitcast_convert_type3A_566, %and3A_572 : vector<1024x128xi32>
    %bitcast_convert_type3A_574 = tpu.bitcast %and3A_573 : vector<1024x128xi32> -> vector<1024x128xf32>
    %concatenate3A_575 = tpu.concatenate %bitcast_convert_type3A_570, %bitcast_convert_type3A_574 in 1 : vector<1024x128xf32>, vector<1024x128xf32> -> vector<1024x256xf32>
    %convert_element_type3A_576 = arith.truncf %concatenate3A_575 : vector<1024x256xf32> to vector<1024x256xbf16>
    %get3A_577 = arith.constant 0 : index
    %get3A_578 = arith.constant 0 : index
    %get3A_579 = vector.load %arg3[%get3A_577, %get3A_578] : memref<256x512xbf16, #tpu.memory_space<vmem>>, vector<256x512xbf16>
    %dot_general3A_580 = arith.constant dense<0.000000e+00> : vector<1024x512xf32>
    %dot_general3A_581 = tpu.matmul %convert_element_type3A_576, %get3A_579, %dot_general3A_580 {dimension_numbers = #tpu.dot_dimension_numbers<[1], [0], [0], [1], [0, 0, 1, 1], [], []>, transpose_lhs_hint = false} : vector<1024x256xbf16>, vector<256x512xbf16>, vector<1024x512xf32> -> vector<1024x512xf32>
    %convert_element_type3A_582 = arith.truncf %mul3A_560 : vector<1024x128xf32> to vector<1024x128xbf16>
    %get3A_583 = arith.constant 0 : index
    %get3A_584 = arith.constant 0 : index
    %get3A_585 = vector.load %arg4[%get3A_583, %get3A_584] : memref<128x512xbf16, #tpu.memory_space<vmem>>, vector<128x512xbf16>
    %dot_general3A_586 = arith.constant dense<0.000000e+00> : vector<1024x512xf32>
    %dot_general3A_587 = tpu.matmul %convert_element_type3A_582, %get3A_585, %dot_general3A_586 {dimension_numbers = #tpu.dot_dimension_numbers<[1], [0], [0], [1], [0, 0, 1, 1], [], []>, transpose_lhs_hint = false} : vector<1024x128xbf16>, vector<128x512xbf16>, vector<1024x512xf32> -> vector<1024x512xf32>
    %add3A_588 = arith.addf %dot_general3A_581, %dot_general3A_587 : vector<1024x512xf32>
    %add3A_589 = vector.broadcast %get3A_9 : vector<1x512xf32> to vector<1024x512xf32>
    %add3A_590 = arith.addf %add3A_588, %add3A_589 : vector<1024x512xf32>
    %slice3A_591 = vector.extract_strided_slice %add3A_590 {offsets = [0, 0], sizes = [1024, 128], strides = [1, 1]} : vector<1024x512xf32> to vector<1024x128xf32>
    %mul3A_592 = arith.constant 5.000000e-01 : f32
    %mul3A_593 = vector.broadcast %mul3A_592 : f32 to vector<1024x128xf32>
    %mul3A_594 = arith.mulf %mul3A_593, %slice3A_591 : vector<1024x128xf32>
    %tanh3A_595 = math.tanh %mul3A_594 : vector<1024x128xf32>
    %mul3A_596 = arith.constant 5.000000e-01 : f32
    %mul3A_597 = vector.broadcast %mul3A_596 : f32 to vector<1024x128xf32>
    %mul3A_598 = arith.mulf %mul3A_597, %tanh3A_595 : vector<1024x128xf32>
    %add3A_599 = arith.constant 5.000000e-01 : f32
    %add3A_600 = vector.broadcast %add3A_599 : f32 to vector<1024x128xf32>
    %add3A_601 = arith.addf %mul3A_598, %add3A_600 : vector<1024x128xf32>
    %slice3A_602 = vector.extract_strided_slice %add3A_590 {offsets = [0, 128], sizes = [1024, 128], strides = [1, 1]} : vector<1024x512xf32> to vector<1024x128xf32>
    %mul3A_603 = arith.constant 5.000000e-01 : f32
    %mul3A_604 = vector.broadcast %mul3A_603 : f32 to vector<1024x128xf32>
    %mul3A_605 = arith.mulf %mul3A_604, %slice3A_602 : vector<1024x128xf32>
    %tanh3A_606 = math.tanh %mul3A_605 : vector<1024x128xf32>
    %mul3A_607 = arith.constant 5.000000e-01 : f32
    %mul3A_608 = vector.broadcast %mul3A_607 : f32 to vector<1024x128xf32>
    %mul3A_609 = arith.mulf %mul3A_608, %tanh3A_606 : vector<1024x128xf32>
    %add3A_610 = arith.constant 5.000000e-01 : f32
    %add3A_611 = vector.broadcast %add3A_610 : f32 to vector<1024x128xf32>
    %add3A_612 = arith.addf %mul3A_609, %add3A_611 : vector<1024x128xf32>
    %slice3A_613 = vector.extract_strided_slice %add3A_590 {offsets = [0, 256], sizes = [1024, 128], strides = [1, 1]} : vector<1024x512xf32> to vector<1024x128xf32>
    %tanh3A_614 = math.tanh %slice3A_613 : vector<1024x128xf32>
    %slice3A_615 = vector.extract_strided_slice %add3A_590 {offsets = [0, 384], sizes = [1024, 128], strides = [1, 1]} : vector<1024x512xf32> to vector<1024x128xf32>
    %mul3A_616 = arith.constant 5.000000e-01 : f32
    %mul3A_617 = vector.broadcast %mul3A_616 : f32 to vector<1024x128xf32>
    %mul3A_618 = arith.mulf %mul3A_617, %slice3A_615 : vector<1024x128xf32>
    %tanh3A_619 = math.tanh %mul3A_618 : vector<1024x128xf32>
    %mul3A_620 = arith.constant 5.000000e-01 : f32
    %mul3A_621 = vector.broadcast %mul3A_620 : f32 to vector<1024x128xf32>
    %mul3A_622 = arith.mulf %mul3A_621, %tanh3A_619 : vector<1024x128xf32>
    %add3A_623 = arith.constant 5.000000e-01 : f32
    %add3A_624 = vector.broadcast %add3A_623 : f32 to vector<1024x128xf32>
    %add3A_625 = arith.addf %mul3A_622, %add3A_624 : vector<1024x128xf32>
    %mul3A_626 = arith.mulf %add3A_612, %add3A_558 : vector<1024x128xf32>
    %mul3A_627 = arith.mulf %add3A_601, %tanh3A_614 : vector<1024x128xf32>
    %add3A_628 = arith.addf %mul3A_626, %mul3A_627 : vector<1024x128xf32>
    %tanh3A_629 = math.tanh %add3A_628 : vector<1024x128xf32>
    %mul3A_630 = arith.mulf %add3A_625, %tanh3A_629 : vector<1024x128xf32>
    %get3A_631 = arith.constant 9 : index
    %get3A_632 = arith.constant 0 : index
    %get3A_633 = arith.constant 0 : index
    %get3A_634 = vector.load %arg2[%get3A_631, %get3A_632, %get3A_633] : memref<10x1024x128xf32, #tpu.memory_space<vmem>>, vector<1x1024x128xf32>
    %get3A_635 = vector.shape_cast %get3A_634 : vector<1x1024x128xf32> to vector<1024x128xf32>
    %bitcast_convert_type3A_636 = tpu.bitcast %get3A_635 : vector<1024x128xf32> -> vector<1024x128xi32>
    %shift_left3A_637 = arith.constant 16 : i32
    %shift_left3A_638 = vector.broadcast %shift_left3A_637 : i32 to vector<1024x128xi32>
    %shift_left3A_639 = arith.shli %bitcast_convert_type3A_636, %shift_left3A_638 : vector<1024x128xi32>
    %bitcast_convert_type3A_640 = tpu.bitcast %shift_left3A_639 : vector<1024x128xi32> -> vector<1024x128xf32>
    %and3A_641 = arith.constant -65536 : i32
    %and3A_642 = vector.broadcast %and3A_641 : i32 to vector<1024x128xi32>
    %and3A_643 = arith.andi %bitcast_convert_type3A_636, %and3A_642 : vector<1024x128xi32>
    %bitcast_convert_type3A_644 = tpu.bitcast %and3A_643 : vector<1024x128xi32> -> vector<1024x128xf32>
    %concatenate3A_645 = tpu.concatenate %bitcast_convert_type3A_640, %bitcast_convert_type3A_644 in 1 : vector<1024x128xf32>, vector<1024x128xf32> -> vector<1024x256xf32>
    %convert_element_type3A_646 = arith.truncf %concatenate3A_645 : vector<1024x256xf32> to vector<1024x256xbf16>
    %get3A_647 = arith.constant 0 : index
    %get3A_648 = arith.constant 0 : index
    %get3A_649 = vector.load %arg3[%get3A_647, %get3A_648] : memref<256x512xbf16, #tpu.memory_space<vmem>>, vector<256x512xbf16>
    %dot_general3A_650 = arith.constant dense<0.000000e+00> : vector<1024x512xf32>
    %dot_general3A_651 = tpu.matmul %convert_element_type3A_646, %get3A_649, %dot_general3A_650 {dimension_numbers = #tpu.dot_dimension_numbers<[1], [0], [0], [1], [0, 0, 1, 1], [], []>, transpose_lhs_hint = false} : vector<1024x256xbf16>, vector<256x512xbf16>, vector<1024x512xf32> -> vector<1024x512xf32>
    %convert_element_type3A_652 = arith.truncf %mul3A_630 : vector<1024x128xf32> to vector<1024x128xbf16>
    %get3A_653 = arith.constant 0 : index
    %get3A_654 = arith.constant 0 : index
    %get3A_655 = vector.load %arg4[%get3A_653, %get3A_654] : memref<128x512xbf16, #tpu.memory_space<vmem>>, vector<128x512xbf16>
    %dot_general3A_656 = arith.constant dense<0.000000e+00> : vector<1024x512xf32>
    %dot_general3A_657 = tpu.matmul %convert_element_type3A_652, %get3A_655, %dot_general3A_656 {dimension_numbers = #tpu.dot_dimension_numbers<[1], [0], [0], [1], [0, 0, 1, 1], [], []>, transpose_lhs_hint = false} : vector<1024x128xbf16>, vector<128x512xbf16>, vector<1024x512xf32> -> vector<1024x512xf32>
    %add3A_658 = arith.addf %dot_general3A_651, %dot_general3A_657 : vector<1024x512xf32>
    %add3A_659 = vector.broadcast %get3A_9 : vector<1x512xf32> to vector<1024x512xf32>
    %add3A_660 = arith.addf %add3A_658, %add3A_659 : vector<1024x512xf32>
    %slice3A_661 = vector.extract_strided_slice %add3A_660 {offsets = [0, 0], sizes = [1024, 128], strides = [1, 1]} : vector<1024x512xf32> to vector<1024x128xf32>
    %mul3A_662 = arith.constant 5.000000e-01 : f32
    %mul3A_663 = vector.broadcast %mul3A_662 : f32 to vector<1024x128xf32>
    %mul3A_664 = arith.mulf %mul3A_663, %slice3A_661 : vector<1024x128xf32>
    %tanh3A_665 = math.tanh %mul3A_664 : vector<1024x128xf32>
    %mul3A_666 = arith.constant 5.000000e-01 : f32
    %mul3A_667 = vector.broadcast %mul3A_666 : f32 to vector<1024x128xf32>
    %mul3A_668 = arith.mulf %mul3A_667, %tanh3A_665 : vector<1024x128xf32>
    %add3A_669 = arith.constant 5.000000e-01 : f32
    %add3A_670 = vector.broadcast %add3A_669 : f32 to vector<1024x128xf32>
    %add3A_671 = arith.addf %mul3A_668, %add3A_670 : vector<1024x128xf32>
    %slice3A_672 = vector.extract_strided_slice %add3A_660 {offsets = [0, 128], sizes = [1024, 128], strides = [1, 1]} : vector<1024x512xf32> to vector<1024x128xf32>
    %mul3A_673 = arith.constant 5.000000e-01 : f32
    %mul3A_674 = vector.broadcast %mul3A_673 : f32 to vector<1024x128xf32>
    %mul3A_675 = arith.mulf %mul3A_674, %slice3A_672 : vector<1024x128xf32>
    %tanh3A_676 = math.tanh %mul3A_675 : vector<1024x128xf32>
    %mul3A_677 = arith.constant 5.000000e-01 : f32
    %mul3A_678 = vector.broadcast %mul3A_677 : f32 to vector<1024x128xf32>
    %mul3A_679 = arith.mulf %mul3A_678, %tanh3A_676 : vector<1024x128xf32>
    %add3A_680 = arith.constant 5.000000e-01 : f32
    %add3A_681 = vector.broadcast %add3A_680 : f32 to vector<1024x128xf32>
    %add3A_682 = arith.addf %mul3A_679, %add3A_681 : vector<1024x128xf32>
    %slice3A_683 = vector.extract_strided_slice %add3A_660 {offsets = [0, 256], sizes = [1024, 128], strides = [1, 1]} : vector<1024x512xf32> to vector<1024x128xf32>
    %tanh3A_684 = math.tanh %slice3A_683 : vector<1024x128xf32>
    %slice3A_685 = vector.extract_strided_slice %add3A_660 {offsets = [0, 384], sizes = [1024, 128], strides = [1, 1]} : vector<1024x512xf32> to vector<1024x128xf32>
    %mul3A_686 = arith.constant 5.000000e-01 : f32
    %mul3A_687 = vector.broadcast %mul3A_686 : f32 to vector<1024x128xf32>
    %mul3A_688 = arith.mulf %mul3A_687, %slice3A_685 : vector<1024x128xf32>
    %tanh3A_689 = math.tanh %mul3A_688 : vector<1024x128xf32>
    %mul3A_690 = arith.constant 5.000000e-01 : f32
    %mul3A_691 = vector.broadcast %mul3A_690 : f32 to vector<1024x128xf32>
    %mul3A_692 = arith.mulf %mul3A_691, %tanh3A_689 : vector<1024x128xf32>
    %add3A_693 = arith.constant 5.000000e-01 : f32
    %add3A_694 = vector.broadcast %add3A_693 : f32 to vector<1024x128xf32>
    %add3A_695 = arith.addf %mul3A_692, %add3A_694 : vector<1024x128xf32>
    %mul3A_696 = arith.mulf %add3A_682, %add3A_628 : vector<1024x128xf32>
    %mul3A_697 = arith.mulf %add3A_671, %tanh3A_684 : vector<1024x128xf32>
    %add3A_698 = arith.addf %mul3A_696, %mul3A_697 : vector<1024x128xf32>
    %tanh3A_699 = math.tanh %add3A_698 : vector<1024x128xf32>
    %mul3A_700 = arith.mulf %add3A_695, %tanh3A_699 : vector<1024x128xf32>
    %swap3A = arith.constant 0 : index
    %swap3A_701 = arith.constant 0 : index
    %swap3A_702 = vector.load %arg10[%swap3A, %swap3A_701] : memref<1024x128xf32, #tpu.memory_space<vmem>>, vector<1024x128xf32>
    tpu.vector_store %arg10[%swap3A, %swap3A_701], %mul3A_700 {strides = array<i32>} : memref<1024x128xf32, #tpu.memory_space<vmem>>, vector<1024x128xf32>,
    %swap3A_703 = arith.constant 0 : index
    %swap3A_704 = arith.constant 0 : index
    %swap3A_705 = vector.load %arg11[%swap3A_703, %swap3A_704] : memref<1024x128xf32, #tpu.memory_space<vmem>>, vector<1024x128xf32>
    tpu.vector_store %arg11[%swap3A_703, %swap3A_704], %add3A_698 {strides = array<i32>} : memref<1024x128xf32, #tpu.memory_space<vmem>>, vector<1024x128xf32>,
    %eq3A_706 = arith.constant 0 : i32
    %eq3A_707 = arith.cmpi eq, %arg1, %eq3A_706 : i32
    %convert_element_type3A_708 = arith.extui %eq3A_707 : i1 to i32
    %cond3A_709 = arith.constant 0 : i32
    %cond3A_710 = arith.cmpi ne, %convert_element_type3A_708, %cond3A_709 : i32
    scf.if %cond3A_710 {
      %swap3A_711 = arith.constant 0 : index
      %swap3A_712 = arith.constant 0 : index
      %swap3A_713 = vector.load %arg8[%swap3A_711, %swap3A_712] : memref<1024x128xf32, #tpu.memory_space<vmem>>, vector<1024x128xf32>
      tpu.vector_store %arg8[%swap3A_711, %swap3A_712], %mul3A_700 {strides = array<i32>} : memref<1024x128xf32, #tpu.memory_space<vmem>>, vector<1024x128xf32>,
      %swap3A_714 = arith.constant 0 : index
      %swap3A_715 = arith.constant 0 : index
      %swap3A_716 = vector.load %arg9[%swap3A_714, %swap3A_715] : memref<1024x128xf32, #tpu.memory_space<vmem>>, vector<1024x128xf32>
      tpu.vector_store %arg9[%swap3A_714, %swap3A_715], %add3A_698 {strides = array<i32>} : memref<1024x128xf32, #tpu.memory_space<vmem>>, vector<1024x128xf32>,
    } else {
    }
    return
  }
  func.func @transform_0(%arg0: i32, %arg1: i32) -> (i32, i32, i32) {
    %c0_i32 = arith.constant 0 : i32
    %c0_i32_0 = arith.constant 0 : i32
    return %arg1, %arg0, %c0_i32 : i32, i32, i32
  }
  func.func @transform_1(%arg0: i32, %arg1: i32) -> (i32, i32) {
    %c0_i32 = arith.constant 0 : i32
    %c0_i32_0 = arith.constant 0 : i32
    %c0_i32_1 = arith.constant 0 : i32
    return %c0_i32, %c0_i32_0 : i32, i32
  }
  func.func @transform_2(%arg0: i32, %arg1: i32) -> (i32, i32) {
    %c0_i32 = arith.constant 0 : i32
    %c0_i32_0 = arith.constant 0 : i32
    %c0_i32_1 = arith.constant 0 : i32
    return %c0_i32, %c0_i32_0 : i32, i32
  }
  func.func @transform_3(%arg0: i32, %arg1: i32) -> (i32, i32) {
    %c0_i32 = arith.constant 0 : i32
    %c0_i32_0 = arith.constant 0 : i32
    %c0_i32_1 = arith.constant 0 : i32
    return %c0_i32, %c0_i32_0 : i32, i32
  }
  func.func @transform_4(%arg0: i32, %arg1: i32) -> (i32, i32) {
    %c0_i32 = arith.constant 0 : i32
    %c0_i32_0 = arith.constant 0 : i32
    return %arg0, %c0_i32 : i32, i32
  }
  func.func @transform_5(%arg0: i32, %arg1: i32) -> (i32, i32) {
    %c0_i32 = arith.constant 0 : i32
    %c0_i32_0 = arith.constant 0 : i32
    return %arg0, %c0_i32 : i32, i32
  }
  func.func @transform_6(%arg0: i32, %arg1: i32) -> (i32, i32) {
    %c0_i32 = arith.constant 0 : i32
    %c0_i32_0 = arith.constant 0 : i32
    return %arg0, %c0_i32 : i32, i32
  }
  func.func @transform_7(%arg0: i32, %arg1: i32) -> (i32, i32) {
    %c0_i32 = arith.constant 0 : i32
    %c0_i32_0 = arith.constant 0 : i32
    return %arg0, %c0_i32 : i32, i32
  }
}

module attributes {stable_mosaic.version = 14 : i64} {
  func.func @_lstm_body(%arg0: i32, %arg1: i32, %arg2: memref<10x1024x128xf32, #tpu.memory_space<vmem>>, %arg3: memref<256x512xbf16, #tpu.memory_space<vmem>>, %arg4: memref<128x512xbf16, #tpu.memory_space<vmem>>, %arg5: memref<1x512xf32, #tpu.memory_space<vmem>>, %arg6: memref<1024x128xf32, #tpu.memory_space<vmem>>, %arg7: memref<1024x128xf32, #tpu.memory_space<vmem>>, %arg8: memref<1024x128xf32, #tpu.memory_space<vmem>>, %arg9: memref<1024x128xf32, #tpu.memory_space<vmem>>, %arg10: memref<1024x128xf32, #tpu.memory_space<vmem>>, %arg11: memref<1024x128xf32, #tpu.memory_space<vmem>>) attributes {dimension_semantics = [#tpu.dimension_semantics<arbitrary>, #tpu.dimension_semantics<arbitrary>], iteration_bounds = array<i64: 4, 1>, scalar_prefetch = 0 : i64, scratch_operands = 2 : i64, tpu.core_type = #tpu.core_type<tc>, window_params = [{transform_indices = @transform_0, window_bounds = array<i64: 10, 1024, 128>}, {pipeline_mode = #tpu.pipeline_mode<synchronous>, transform_indices = @transform_1, window_bounds = array<i64: 256, 512>}, {pipeline_mode = #tpu.pipeline_mode<synchronous>, transform_indices = @transform_2, window_bounds = array<i64: 128, 512>}, {pipeline_mode = #tpu.pipeline_mode<synchronous>, transform_indices = @transform_3, window_bounds = array<i64: 1, 512>}, {transform_indices = @transform_4, window_bounds = array<i64: 1024, 128>}, {transform_indices = @transform_5, window_bounds = array<i64: 1024, 128>}, {transform_indices = @transform_6, window_bounds = array<i64: 1024, 128>}, {transform_indices = @transform_7, window_bounds = array<i64: 1024, 128>}]} {
    %eq3A = arith.constant 0 : i32
    %eq3A_0 = arith.cmpi eq, %arg1, %eq3A : i32
    %convert_element_type3A = arith.extui %eq3A_0 : i1 to i32
    %cond3A = arith.constant 0 : i32
    %cond3A_1 = arith.cmpi ne, %convert_element_type3A, %cond3A : i32
    scf.if %cond3A_1 {
      %get3A_711 = arith.constant 0 : index
      %get3A_712 = arith.constant 0 : index
      %get3A_713 = vector.load %arg6[%get3A_711, %get3A_712] : memref<1024x128xf32, #tpu.memory_space<vmem>>, vector<1024x128xf32>
      %swap3A_714 = arith.constant 0 : index
      %swap3A_715 = arith.constant 0 : index
      %swap3A_716 = vector.load %arg10[%swap3A_714, %swap3A_715] : memref<1024x128xf32, #tpu.memory_space<vmem>>, vector<1024x128xf32>
      tpu.vector_store %arg10[%swap3A_714, %swap3A_715], %get3A_713 {strides = array<i32>} : memref<1024x128xf32, #tpu.memory_space<vmem>>, vector<1024x128xf32>,
      %get3A_717 = arith.constant 0 : index
      %get3A_718 = arith.constant 0 : index
      %get3A_719 = vector.load %arg7[%get3A_717, %get3A_718] : memref<1024x128xf32, #tpu.memory_space<vmem>>, vector<1024x128xf32>
      %swap3A_720 = arith.constant 0 : index
      %swap3A_721 = arith.constant 0 : index
      %swap3A_722 = vector.load %arg11[%swap3A_720, %swap3A_721] : memref<1024x128xf32, #tpu.memory_space<vmem>>, vector<1024x128xf32>
      tpu.vector_store %arg11[%swap3A_720, %swap3A_721], %get3A_719 {strides = array<i32>} : memref<1024x128xf32, #tpu.memory_space<vmem>>, vector<1024x128xf32>,
    } else {
    }
    %get3A = arith.constant 0 : index
    %get3A_2 = arith.constant 0 : index
    %get3A_3 = vector.load %arg10[%get3A, %get3A_2] : memref<1024x128xf32, #tpu.memory_space<vmem>>, vector<1024x128xf32>
    %get3A_4 = arith.constant 0 : index
    %get3A_5 = arith.constant 0 : index
    %get3A_6 = vector.load %arg11[%get3A_4, %get3A_5] : memref<1024x128xf32, #tpu.memory_space<vmem>>, vector<1024x128xf32>
    %get3A_7 = arith.constant 0 : index
    %get3A_8 = arith.constant 0 : index
    %get3A_9 = vector.load %arg5[%get3A_7, %get3A_8] : memref<1x512xf32, #tpu.memory_space<vmem>>, vector<1x512xf32>
    %get3A_10 = arith.constant 0 : index
    %get3A_11 = arith.constant 0 : index
    %get3A_12 = arith.constant 0 : index
    %get3A_13 = vector.load %arg2[%get3A_10, %get3A_11, %get3A_12] : memref<10x1024x128xf32, #tpu.memory_space<vmem>>, vector<1x1024x128xf32>
    %get3A_14 = vector.shape_cast %get3A_13 : vector<1x1024x128xf32> to vector<1024x128xf32>
    %bitcast_convert_type3A = tpu.bitcast %get3A_14 : vector<1024x128xf32> -> vector<1024x128xi32>
    %shift_left3A = arith.constant 16 : i32
    %shift_left3A_15 = vector.broadcast %shift_left3A : i32 to vector<1024x128xi32>
    %shift_left3A_16 = arith.shli %bitcast_convert_type3A, %shift_left3A_15 : vector<1024x128xi32>
    %bitcast_convert_type3A_17 = tpu.bitcast %shift_left3A_16 : vector<1024x128xi32> -> vector<1024x128xf32>
    %and3A = arith.constant -65536 : i32
    %and3A_18 = vector.broadcast %and3A : i32 to vector<1024x128xi32>
    %and3A_19 = arith.andi %bitcast_convert_type3A, %and3A_18 : vector<1024x128xi32>
    %bitcast_convert_type3A_20 = tpu.bitcast %and3A_19 : vector<1024x128xi32> -> vector<1024x128xf32>
    %concatenate3A = tpu.concatenate %bitcast_convert_type3A_17, %bitcast_convert_type3A_20 in 1 : vector<1024x128xf32>, vector<1024x128xf32> -> vector<1024x256xf32>
    %convert_element_type3A_21 = arith.truncf %concatenate3A : vector<1024x256xf32> to vector<1024x256xbf16>
    %get3A_22 = arith.constant 0 : index
    %get3A_23 = arith.constant 0 : index
    %get3A_24 = vector.load %arg3[%get3A_22, %get3A_23] : memref<256x512xbf16, #tpu.memory_space<vmem>>, vector<256x512xbf16>
    %dot_general3A = arith.constant dense<0.000000e+00> : vector<1024x512xf32>
    %dot_general3A_25 = tpu.matmul %convert_element_type3A_21, %get3A_24, %dot_general3A {dimension_numbers = #tpu.dot_dimension_numbers<[1], [0], [0], [1], [0, 0, 1, 1], [], []>, transpose_lhs_hint = false} : vector<1024x256xbf16>, vector<256x512xbf16>, vector<1024x512xf32> -> vector<1024x512xf32>
    %convert_element_type3A_26 = arith.truncf %get3A_3 : vector<1024x128xf32> to vector<1024x128xbf16>
    %get3A_27 = arith.constant 0 : index
    %get3A_28 = arith.constant 0 : index
    %get3A_29 = vector.load %arg4[%get3A_27, %get3A_28] : memref<128x512xbf16, #tpu.memory_space<vmem>>, vector<128x512xbf16>
    %dot_general3A_30 = arith.constant dense<0.000000e+00> : vector<1024x512xf32>
    %dot_general3A_31 = tpu.matmul %convert_element_type3A_26, %get3A_29, %dot_general3A_30 {dimension_numbers = #tpu.dot_dimension_numbers<[1], [0], [0], [1], [0, 0, 1, 1], [], []>, transpose_lhs_hint = false} : vector<1024x128xbf16>, vector<128x512xbf16>, vector<1024x512xf32> -> vector<1024x512xf32>
    %add3A = arith.addf %dot_general3A_25, %dot_general3A_31 : vector<1024x512xf32>
    %add3A_32 = vector.broadcast %get3A_9 : vector<1x512xf32> to vector<1024x512xf32>
    %add3A_33 = arith.addf %add3A, %add3A_32 : vector<1024x512xf32>
    %slice3A = vector.extract_strided_slice %add3A_33 {offsets = [0, 0], sizes = [1024, 128], strides = [1, 1]} : vector<1024x512xf32> to vector<1024x128xf32>
    %mul3A = arith.constant 5.000000e-01 : f32
    %mul3A_34 = vector.broadcast %mul3A : f32 to vector<1024x128xf32>
    %mul3A_35 = arith.mulf %mul3A_34, %slice3A : vector<1024x128xf32>
    %tanh3A = math.tanh %mul3A_35 : vector<1024x128xf32>
    %mul3A_36 = arith.constant 5.000000e-01 : f32
    %mul3A_37 = vector.broadcast %mul3A_36 : f32 to vector<1024x128xf32>
    %mul3A_38 = arith.mulf %mul3A_37, %tanh3A : vector<1024x128xf32>
    %add3A_39 = arith.constant 5.000000e-01 : f32
    %add3A_40 = vector.broadcast %add3A_39 : f32 to vector<1024x128xf32>
    %add3A_41 = arith.addf %mul3A_38, %add3A_40 : vector<1024x128xf32>
    %slice3A_42 = vector.extract_strided_slice %add3A_33 {offsets = [0, 128], sizes = [1024, 128], strides = [1, 1]} : vector<1024x512xf32> to vector<1024x128xf32>
    %mul3A_43 = arith.constant 5.000000e-01 : f32
    %mul3A_44 = vector.broadcast %mul3A_43 : f32 to vector<1024x128xf32>
    %mul3A_45 = arith.mulf %mul3A_44, %slice3A_42 : vector<1024x128xf32>
    %tanh3A_46 = math.tanh %mul3A_45 : vector<1024x128xf32>
    %mul3A_47 = arith.constant 5.000000e-01 : f32
    %mul3A_48 = vector.broadcast %mul3A_47 : f32 to vector<1024x128xf32>
    %mul3A_49 = arith.mulf %mul3A_48, %tanh3A_46 : vector<1024x128xf32>
    %add3A_50 = arith.constant 5.000000e-01 : f32
    %add3A_51 = vector.broadcast %add3A_50 : f32 to vector<1024x128xf32>
    %add3A_52 = arith.addf %mul3A_49, %add3A_51 : vector<1024x128xf32>
    %slice3A_53 = vector.extract_strided_slice %add3A_33 {offsets = [0, 256], sizes = [1024, 128], strides = [1, 1]} : vector<1024x512xf32> to vector<1024x128xf32>
    %tanh3A_54 = math.tanh %slice3A_53 : vector<1024x128xf32>
    %slice3A_55 = vector.extract_strided_slice %add3A_33 {offsets = [0, 384], sizes = [1024, 128], strides = [1, 1]} : vector<1024x512xf32> to vector<1024x128xf32>
    %mul3A_56 = arith.constant 5.000000e-01 : f32
    %mul3A_57 = vector.broadcast %mul3A_56 : f32 to vector<1024x128xf32>
    %mul3A_58 = arith.mulf %mul3A_57, %slice3A_55 : vector<1024x128xf32>
    %tanh3A_59 = math.tanh %mul3A_58 : vector<1024x128xf32>
    %mul3A_60 = arith.constant 5.000000e-01 : f32
    %mul3A_61 = vector.broadcast %mul3A_60 : f32 to vector<1024x128xf32>
    %mul3A_62 = arith.mulf %mul3A_61, %tanh3A_59 : vector<1024x128xf32>
    %add3A_63 = arith.constant 5.000000e-01 : f32
    %add3A_64 = vector.broadcast %add3A_63 : f32 to vector<1024x128xf32>
    %add3A_65 = arith.addf %mul3A_62, %add3A_64 : vector<1024x128xf32>
    %mul3A_66 = arith.mulf %add3A_52, %get3A_6 : vector<1024x128xf32>
    %mul3A_67 = arith.mulf %add3A_41, %tanh3A_54 : vector<1024x128xf32>
    %add3A_68 = arith.addf %mul3A_66, %mul3A_67 : vector<1024x128xf32>
    %tanh3A_69 = math.tanh %add3A_68 : vector<1024x128xf32>
    %mul3A_70 = arith.mulf %add3A_65, %tanh3A_69 : vector<1024x128xf32>
    %get3A_71 = arith.constant 1 : index
    %get3A_72 = arith.constant 0 : index
    %get3A_73 = arith.constant 0 : index
    %get3A_74 = vector.load %arg2[%get3A_71, %get3A_72, %get3A_73] : memref<10x1024x128xf32, #tpu.memory_space<vmem>>, vector<1x1024x128xf32>
    %get3A_75 = vector.shape_cast %get3A_74 : vector<1x1024x128xf32> to vector<1024x128xf32>
    %bitcast_convert_type3A_76 = tpu.bitcast %get3A_75 : vector<1024x128xf32> -> vector<1024x128xi32>
    %shift_left3A_77 = arith.constant 16 : i32
    %shift_left3A_78 = vector.broadcast %shift_left3A_77 : i32 to vector<1024x128xi32>
    %shift_left3A_79 = arith.shli %bitcast_convert_type3A_76, %shift_left3A_78 : vector<1024x128xi32>
    %bitcast_convert_type3A_80 = tpu.bitcast %shift_left3A_79 : vector<1024x128xi32> -> vector<1024x128xf32>
    %and3A_81 = arith.constant -65536 : i32
    %and3A_82 = vector.broadcast %and3A_81 : i32 to vector<1024x128xi32>
    %and3A_83 = arith.andi %bitcast_convert_type3A_76, %and3A_82 : vector<1024x128xi32>
    %bitcast_convert_type3A_84 = tpu.bitcast %and3A_83 : vector<1024x128xi32> -> vector<1024x128xf32>
    %concatenate3A_85 = tpu.concatenate %bitcast_convert_type3A_80, %bitcast_convert_type3A_84 in 1 : vector<1024x128xf32>, vector<1024x128xf32> -> vector<1024x256xf32>
    %convert_element_type3A_86 = arith.truncf %concatenate3A_85 : vector<1024x256xf32> to vector<1024x256xbf16>
    %get3A_87 = arith.constant 0 : index
    %get3A_88 = arith.constant 0 : index
    %get3A_89 = vector.load %arg3[%get3A_87, %get3A_88] : memref<256x512xbf16, #tpu.memory_space<vmem>>, vector<256x512xbf16>
    %dot_general3A_90 = arith.constant dense<0.000000e+00> : vector<1024x512xf32>
    %dot_general3A_91 = tpu.matmul %convert_element_type3A_86, %get3A_89, %dot_general3A_90 {dimension_numbers = #tpu.dot_dimension_numbers<[1], [0], [0], [1], [0, 0, 1, 1], [], []>, transpose_lhs_hint = false} : vector<1024x256xbf16>, vector<256x512xbf16>, vector<1024x512xf32> -> vector<1024x512xf32>
    %convert_element_type3A_92 = arith.truncf %mul3A_70 : vector<1024x128xf32> to vector<1024x128xbf16>
    %get3A_93 = arith.constant 0 : index
    %get3A_94 = arith.constant 0 : index
    %get3A_95 = vector.load %arg4[%get3A_93, %get3A_94] : memref<128x512xbf16, #tpu.memory_space<vmem>>, vector<128x512xbf16>
    %dot_general3A_96 = arith.constant dense<0.000000e+00> : vector<1024x512xf32>
    %dot_general3A_97 = tpu.matmul %convert_element_type3A_92, %get3A_95, %dot_general3A_96 {dimension_numbers = #tpu.dot_dimension_numbers<[1], [0], [0], [1], [0, 0, 1, 1], [], []>, transpose_lhs_hint = false} : vector<1024x128xbf16>, vector<128x512xbf16>, vector<1024x512xf32> -> vector<1024x512xf32>
    %add3A_98 = arith.addf %dot_general3A_91, %dot_general3A_97 : vector<1024x512xf32>
    %add3A_99 = vector.broadcast %get3A_9 : vector<1x512xf32> to vector<1024x512xf32>
    %add3A_100 = arith.addf %add3A_98, %add3A_99 : vector<1024x512xf32>
    %slice3A_101 = vector.extract_strided_slice %add3A_100 {offsets = [0, 0], sizes = [1024, 128], strides = [1, 1]} : vector<1024x512xf32> to vector<1024x128xf32>
    %mul3A_102 = arith.constant 5.000000e-01 : f32
    %mul3A_103 = vector.broadcast %mul3A_102 : f32 to vector<1024x128xf32>
    %mul3A_104 = arith.mulf %mul3A_103, %slice3A_101 : vector<1024x128xf32>
    %tanh3A_105 = math.tanh %mul3A_104 : vector<1024x128xf32>
    %mul3A_106 = arith.constant 5.000000e-01 : f32
    %mul3A_107 = vector.broadcast %mul3A_106 : f32 to vector<1024x128xf32>
    %mul3A_108 = arith.mulf %mul3A_107, %tanh3A_105 : vector<1024x128xf32>
    %add3A_109 = arith.constant 5.000000e-01 : f32
    %add3A_110 = vector.broadcast %add3A_109 : f32 to vector<1024x128xf32>
    %add3A_111 = arith.addf %mul3A_108, %add3A_110 : vector<1024x128xf32>
    %slice3A_112 = vector.extract_strided_slice %add3A_100 {offsets = [0, 128], sizes = [1024, 128], strides = [1, 1]} : vector<1024x512xf32> to vector<1024x128xf32>
    %mul3A_113 = arith.constant 5.000000e-01 : f32
    %mul3A_114 = vector.broadcast %mul3A_113 : f32 to vector<1024x128xf32>
    %mul3A_115 = arith.mulf %mul3A_114, %slice3A_112 : vector<1024x128xf32>
    %tanh3A_116 = math.tanh %mul3A_115 : vector<1024x128xf32>
    %mul3A_117 = arith.constant 5.000000e-01 : f32
    %mul3A_118 = vector.broadcast %mul3A_117 : f32 to vector<1024x128xf32>
    %mul3A_119 = arith.mulf %mul3A_118, %tanh3A_116 : vector<1024x128xf32>
    %add3A_120 = arith.constant 5.000000e-01 : f32
    %add3A_121 = vector.broadcast %add3A_120 : f32 to vector<1024x128xf32>
    %add3A_122 = arith.addf %mul3A_119, %add3A_121 : vector<1024x128xf32>
    %slice3A_123 = vector.extract_strided_slice %add3A_100 {offsets = [0, 256], sizes = [1024, 128], strides = [1, 1]} : vector<1024x512xf32> to vector<1024x128xf32>
    %tanh3A_124 = math.tanh %slice3A_123 : vector<1024x128xf32>
    %slice3A_125 = vector.extract_strided_slice %add3A_100 {offsets = [0, 384], sizes = [1024, 128], strides = [1, 1]} : vector<1024x512xf32> to vector<1024x128xf32>
    %mul3A_126 = arith.constant 5.000000e-01 : f32
    %mul3A_127 = vector.broadcast %mul3A_126 : f32 to vector<1024x128xf32>
    %mul3A_128 = arith.mulf %mul3A_127, %slice3A_125 : vector<1024x128xf32>
    %tanh3A_129 = math.tanh %mul3A_128 : vector<1024x128xf32>
    %mul3A_130 = arith.constant 5.000000e-01 : f32
    %mul3A_131 = vector.broadcast %mul3A_130 : f32 to vector<1024x128xf32>
    %mul3A_132 = arith.mulf %mul3A_131, %tanh3A_129 : vector<1024x128xf32>
    %add3A_133 = arith.constant 5.000000e-01 : f32
    %add3A_134 = vector.broadcast %add3A_133 : f32 to vector<1024x128xf32>
    %add3A_135 = arith.addf %mul3A_132, %add3A_134 : vector<1024x128xf32>
    %mul3A_136 = arith.mulf %add3A_122, %add3A_68 : vector<1024x128xf32>
    %mul3A_137 = arith.mulf %add3A_111, %tanh3A_124 : vector<1024x128xf32>
    %add3A_138 = arith.addf %mul3A_136, %mul3A_137 : vector<1024x128xf32>
    %tanh3A_139 = math.tanh %add3A_138 : vector<1024x128xf32>
    %mul3A_140 = arith.mulf %add3A_135, %tanh3A_139 : vector<1024x128xf32>
    %get3A_141 = arith.constant 2 : index
    %get3A_142 = arith.constant 0 : index
    %get3A_143 = arith.constant 0 : index
    %get3A_144 = vector.load %arg2[%get3A_141, %get3A_142, %get3A_143] : memref<10x1024x128xf32, #tpu.memory_space<vmem>>, vector<1x1024x128xf32>
    %get3A_145 = vector.shape_cast %get3A_144 : vector<1x1024x128xf32> to vector<1024x128xf32>
    %bitcast_convert_type3A_146 = tpu.bitcast %get3A_145 : vector<1024x128xf32> -> vector<1024x128xi32>
    %shift_left3A_147 = arith.constant 16 : i32
    %shift_left3A_148 = vector.broadcast %shift_left3A_147 : i32 to vector<1024x128xi32>
    %shift_left3A_149 = arith.shli %bitcast_convert_type3A_146, %shift_left3A_148 : vector<1024x128xi32>
    %bitcast_convert_type3A_150 = tpu.bitcast %shift_left3A_149 : vector<1024x128xi32> -> vector<1024x128xf32>
    %and3A_151 = arith.constant -65536 : i32
    %and3A_152 = vector.broadcast %and3A_151 : i32 to vector<1024x128xi32>
    %and3A_153 = arith.andi %bitcast_convert_type3A_146, %and3A_152 : vector<1024x128xi32>
    %bitcast_convert_type3A_154 = tpu.bitcast %and3A_153 : vector<1024x128xi32> -> vector<1024x128xf32>
    %concatenate3A_155 = tpu.concatenate %bitcast_convert_type3A_150, %bitcast_convert_type3A_154 in 1 : vector<1024x128xf32>, vector<1024x128xf32> -> vector<1024x256xf32>
    %convert_element_type3A_156 = arith.truncf %concatenate3A_155 : vector<1024x256xf32> to vector<1024x256xbf16>
    %get3A_157 = arith.constant 0 : index
    %get3A_158 = arith.constant 0 : index
    %get3A_159 = vector.load %arg3[%get3A_157, %get3A_158] : memref<256x512xbf16, #tpu.memory_space<vmem>>, vector<256x512xbf16>
    %dot_general3A_160 = arith.constant dense<0.000000e+00> : vector<1024x512xf32>
    %dot_general3A_161 = tpu.matmul %convert_element_type3A_156, %get3A_159, %dot_general3A_160 {dimension_numbers = #tpu.dot_dimension_numbers<[1], [0], [0], [1], [0, 0, 1, 1], [], []>, transpose_lhs_hint = false} : vector<1024x256xbf16>, vector<256x512xbf16>, vector<1024x512xf32> -> vector<1024x512xf32>
    %convert_element_type3A_162 = arith.truncf %mul3A_140 : vector<1024x128xf32> to vector<1024x128xbf16>
    %get3A_163 = arith.constant 0 : index
    %get3A_164 = arith.constant 0 : index
    %get3A_165 = vector.load %arg4[%get3A_163, %get3A_164] : memref<128x512xbf16, #tpu.memory_space<vmem>>, vector<128x512xbf16>
    %dot_general3A_166 = arith.constant dense<0.000000e+00> : vector<1024x512xf32>
    %dot_general3A_167 = tpu.matmul %convert_element_type3A_162, %get3A_165, %dot_general3A_166 {dimension_numbers = #tpu.dot_dimension_numbers<[1], [0], [0], [1], [0, 0, 1, 1], [], []>, transpose_lhs_hint = false} : vector<1024x128xbf16>, vector<128x512xbf16>, vector<1024x512xf32> -> vector<1024x512xf32>
    %add3A_168 = arith.addf %dot_general3A_161, %dot_general3A_167 : vector<1024x512xf32>
    %add3A_169 = vector.broadcast %get3A_9 : vector<1x512xf32> to vector<1024x512xf32>
    %add3A_170 = arith.addf %add3A_168, %add3A_169 : vector<1024x512xf32>
    %slice3A_171 = vector.extract_strided_slice %add3A_170 {offsets = [0, 0], sizes = [1024, 128], strides = [1, 1]} : vector<1024x512xf32> to vector<1024x128xf32>
    %mul3A_172 = arith.constant 5.000000e-01 : f32
    %mul3A_173 = vector.broadcast %mul3A_172 : f32 to vector<1024x128xf32>
    %mul3A_174 = arith.mulf %mul3A_173, %slice3A_171 : vector<1024x128xf32>
    %tanh3A_175 = math.tanh %mul3A_174 : vector<1024x128xf32>
    %mul3A_176 = arith.constant 5.000000e-01 : f32
    %mul3A_177 = vector.broadcast %mul3A_176 : f32 to vector<1024x128xf32>
    %mul3A_178 = arith.mulf %mul3A_177, %tanh3A_175 : vector<1024x128xf32>
    %add3A_179 = arith.constant 5.000000e-01 : f32
    %add3A_180 = vector.broadcast %add3A_179 : f32 to vector<1024x128xf32>
    %add3A_181 = arith.addf %mul3A_178, %add3A_180 : vector<1024x128xf32>
    %slice3A_182 = vector.extract_strided_slice %add3A_170 {offsets = [0, 128], sizes = [1024, 128], strides = [1, 1]} : vector<1024x512xf32> to vector<1024x128xf32>
    %mul3A_183 = arith.constant 5.000000e-01 : f32
    %mul3A_184 = vector.broadcast %mul3A_183 : f32 to vector<1024x128xf32>
    %mul3A_185 = arith.mulf %mul3A_184, %slice3A_182 : vector<1024x128xf32>
    %tanh3A_186 = math.tanh %mul3A_185 : vector<1024x128xf32>
    %mul3A_187 = arith.constant 5.000000e-01 : f32
    %mul3A_188 = vector.broadcast %mul3A_187 : f32 to vector<1024x128xf32>
    %mul3A_189 = arith.mulf %mul3A_188, %tanh3A_186 : vector<1024x128xf32>
    %add3A_190 = arith.constant 5.000000e-01 : f32
    %add3A_191 = vector.broadcast %add3A_190 : f32 to vector<1024x128xf32>
    %add3A_192 = arith.addf %mul3A_189, %add3A_191 : vector<1024x128xf32>
    %slice3A_193 = vector.extract_strided_slice %add3A_170 {offsets = [0, 256], sizes = [1024, 128], strides = [1, 1]} : vector<1024x512xf32> to vector<1024x128xf32>
    %tanh3A_194 = math.tanh %slice3A_193 : vector<1024x128xf32>
    %slice3A_195 = vector.extract_strided_slice %add3A_170 {offsets = [0, 384], sizes = [1024, 128], strides = [1, 1]} : vector<1024x512xf32> to vector<1024x128xf32>
    %mul3A_196 = arith.constant 5.000000e-01 : f32
    %mul3A_197 = vector.broadcast %mul3A_196 : f32 to vector<1024x128xf32>
    %mul3A_198 = arith.mulf %mul3A_197, %slice3A_195 : vector<1024x128xf32>
    %tanh3A_199 = math.tanh %mul3A_198 : vector<1024x128xf32>
    %mul3A_200 = arith.constant 5.000000e-01 : f32
    %mul3A_201 = vector.broadcast %mul3A_200 : f32 to vector<1024x128xf32>
    %mul3A_202 = arith.mulf %mul3A_201, %tanh3A_199 : vector<1024x128xf32>
    %add3A_203 = arith.constant 5.000000e-01 : f32
    %add3A_204 = vector.broadcast %add3A_203 : f32 to vector<1024x128xf32>
    %add3A_205 = arith.addf %mul3A_202, %add3A_204 : vector<1024x128xf32>
    %mul3A_206 = arith.mulf %add3A_192, %add3A_138 : vector<1024x128xf32>
    %mul3A_207 = arith.mulf %add3A_181, %tanh3A_194 : vector<1024x128xf32>
    %add3A_208 = arith.addf %mul3A_206, %mul3A_207 : vector<1024x128xf32>
    %tanh3A_209 = math.tanh %add3A_208 : vector<1024x128xf32>
    %mul3A_210 = arith.mulf %add3A_205, %tanh3A_209 : vector<1024x128xf32>
    %get3A_211 = arith.constant 3 : index
    %get3A_212 = arith.constant 0 : index
    %get3A_213 = arith.constant 0 : index
    %get3A_214 = vector.load %arg2[%get3A_211, %get3A_212, %get3A_213] : memref<10x1024x128xf32, #tpu.memory_space<vmem>>, vector<1x1024x128xf32>
    %get3A_215 = vector.shape_cast %get3A_214 : vector<1x1024x128xf32> to vector<1024x128xf32>
    %bitcast_convert_type3A_216 = tpu.bitcast %get3A_215 : vector<1024x128xf32> -> vector<1024x128xi32>
    %shift_left3A_217 = arith.constant 16 : i32
    %shift_left3A_218 = vector.broadcast %shift_left3A_217 : i32 to vector<1024x128xi32>
    %shift_left3A_219 = arith.shli %bitcast_convert_type3A_216, %shift_left3A_218 : vector<1024x128xi32>
    %bitcast_convert_type3A_220 = tpu.bitcast %shift_left3A_219 : vector<1024x128xi32> -> vector<1024x128xf32>
    %and3A_221 = arith.constant -65536 : i32
    %and3A_222 = vector.broadcast %and3A_221 : i32 to vector<1024x128xi32>
    %and3A_223 = arith.andi %bitcast_convert_type3A_216, %and3A_222 : vector<1024x128xi32>
    %bitcast_convert_type3A_224 = tpu.bitcast %and3A_223 : vector<1024x128xi32> -> vector<1024x128xf32>
    %concatenate3A_225 = tpu.concatenate %bitcast_convert_type3A_220, %bitcast_convert_type3A_224 in 1 : vector<1024x128xf32>, vector<1024x128xf32> -> vector<1024x256xf32>
    %convert_element_type3A_226 = arith.truncf %concatenate3A_225 : vector<1024x256xf32> to vector<1024x256xbf16>
    %get3A_227 = arith.constant 0 : index
    %get3A_228 = arith.constant 0 : index
    %get3A_229 = vector.load %arg3[%get3A_227, %get3A_228] : memref<256x512xbf16, #tpu.memory_space<vmem>>, vector<256x512xbf16>
    %dot_general3A_230 = arith.constant dense<0.000000e+00> : vector<1024x512xf32>
    %dot_general3A_231 = tpu.matmul %convert_element_type3A_226, %get3A_229, %dot_general3A_230 {dimension_numbers = #tpu.dot_dimension_numbers<[1], [0], [0], [1], [0, 0, 1, 1], [], []>, transpose_lhs_hint = false} : vector<1024x256xbf16>, vector<256x512xbf16>, vector<1024x512xf32> -> vector<1024x512xf32>
    %convert_element_type3A_232 = arith.truncf %mul3A_210 : vector<1024x128xf32> to vector<1024x128xbf16>
    %get3A_233 = arith.constant 0 : index
    %get3A_234 = arith.constant 0 : index
    %get3A_235 = vector.load %arg4[%get3A_233, %get3A_234] : memref<128x512xbf16, #tpu.memory_space<vmem>>, vector<128x512xbf16>
    %dot_general3A_236 = arith.constant dense<0.000000e+00> : vector<1024x512xf32>
    %dot_general3A_237 = tpu.matmul %convert_element_type3A_232, %get3A_235, %dot_general3A_236 {dimension_numbers = #tpu.dot_dimension_numbers<[1], [0], [0], [1], [0, 0, 1, 1], [], []>, transpose_lhs_hint = false} : vector<1024x128xbf16>, vector<128x512xbf16>, vector<1024x512xf32> -> vector<1024x512xf32>
    %add3A_238 = arith.addf %dot_general3A_231, %dot_general3A_237 : vector<1024x512xf32>
    %add3A_239 = vector.broadcast %get3A_9 : vector<1x512xf32> to vector<1024x512xf32>
    %add3A_240 = arith.addf %add3A_238, %add3A_239 : vector<1024x512xf32>
    %slice3A_241 = vector.extract_strided_slice %add3A_240 {offsets = [0, 0], sizes = [1024, 128], strides = [1, 1]} : vector<1024x512xf32> to vector<1024x128xf32>
    %mul3A_242 = arith.constant 5.000000e-01 : f32
    %mul3A_243 = vector.broadcast %mul3A_242 : f32 to vector<1024x128xf32>
    %mul3A_244 = arith.mulf %mul3A_243, %slice3A_241 : vector<1024x128xf32>
    %tanh3A_245 = math.tanh %mul3A_244 : vector<1024x128xf32>
    %mul3A_246 = arith.constant 5.000000e-01 : f32
    %mul3A_247 = vector.broadcast %mul3A_246 : f32 to vector<1024x128xf32>
    %mul3A_248 = arith.mulf %mul3A_247, %tanh3A_245 : vector<1024x128xf32>
    %add3A_249 = arith.constant 5.000000e-01 : f32
    %add3A_250 = vector.broadcast %add3A_249 : f32 to vector<1024x128xf32>
    %add3A_251 = arith.addf %mul3A_248, %add3A_250 : vector<1024x128xf32>
    %slice3A_252 = vector.extract_strided_slice %add3A_240 {offsets = [0, 128], sizes = [1024, 128], strides = [1, 1]} : vector<1024x512xf32> to vector<1024x128xf32>
    %mul3A_253 = arith.constant 5.000000e-01 : f32
    %mul3A_254 = vector.broadcast %mul3A_253 : f32 to vector<1024x128xf32>
    %mul3A_255 = arith.mulf %mul3A_254, %slice3A_252 : vector<1024x128xf32>
    %tanh3A_256 = math.tanh %mul3A_255 : vector<1024x128xf32>
    %mul3A_257 = arith.constant 5.000000e-01 : f32
    %mul3A_258 = vector.broadcast %mul3A_257 : f32 to vector<1024x128xf32>
    %mul3A_259 = arith.mulf %mul3A_258, %tanh3A_256 : vector<1024x128xf32>
    %add3A_260 = arith.constant 5.000000e-01 : f32
    %add3A_261 = vector.broadcast %add3A_260 : f32 to vector<1024x128xf32>
    %add3A_262 = arith.addf %mul3A_259, %add3A_261 : vector<1024x128xf32>
    %slice3A_263 = vector.extract_strided_slice %add3A_240 {offsets = [0, 256], sizes = [1024, 128], strides = [1, 1]} : vector<1024x512xf32> to vector<1024x128xf32>
    %tanh3A_264 = math.tanh %slice3A_263 : vector<1024x128xf32>
    %slice3A_265 = vector.extract_strided_slice %add3A_240 {offsets = [0, 384], sizes = [1024, 128], strides = [1, 1]} : vector<1024x512xf32> to vector<1024x128xf32>
    %mul3A_266 = arith.constant 5.000000e-01 : f32
    %mul3A_267 = vector.broadcast %mul3A_266 : f32 to vector<1024x128xf32>
    %mul3A_268 = arith.mulf %mul3A_267, %slice3A_265 : vector<1024x128xf32>
    %tanh3A_269 = math.tanh %mul3A_268 : vector<1024x128xf32>
    %mul3A_270 = arith.constant 5.000000e-01 : f32
    %mul3A_271 = vector.broadcast %mul3A_270 : f32 to vector<1024x128xf32>
    %mul3A_272 = arith.mulf %mul3A_271, %tanh3A_269 : vector<1024x128xf32>
    %add3A_273 = arith.constant 5.000000e-01 : f32
    %add3A_274 = vector.broadcast %add3A_273 : f32 to vector<1024x128xf32>
    %add3A_275 = arith.addf %mul3A_272, %add3A_274 : vector<1024x128xf32>
    %mul3A_276 = arith.mulf %add3A_262, %add3A_208 : vector<1024x128xf32>
    %mul3A_277 = arith.mulf %add3A_251, %tanh3A_264 : vector<1024x128xf32>
    %add3A_278 = arith.addf %mul3A_276, %mul3A_277 : vector<1024x128xf32>
    %tanh3A_279 = math.tanh %add3A_278 : vector<1024x128xf32>
    %mul3A_280 = arith.mulf %add3A_275, %tanh3A_279 : vector<1024x128xf32>
    %get3A_281 = arith.constant 4 : index
    %get3A_282 = arith.constant 0 : index
    %get3A_283 = arith.constant 0 : index
    %get3A_284 = vector.load %arg2[%get3A_281, %get3A_282, %get3A_283] : memref<10x1024x128xf32, #tpu.memory_space<vmem>>, vector<1x1024x128xf32>
    %get3A_285 = vector.shape_cast %get3A_284 : vector<1x1024x128xf32> to vector<1024x128xf32>
    %bitcast_convert_type3A_286 = tpu.bitcast %get3A_285 : vector<1024x128xf32> -> vector<1024x128xi32>
    %shift_left3A_287 = arith.constant 16 : i32
    %shift_left3A_288 = vector.broadcast %shift_left3A_287 : i32 to vector<1024x128xi32>
    %shift_left3A_289 = arith.shli %bitcast_convert_type3A_286, %shift_left3A_288 : vector<1024x128xi32>
    %bitcast_convert_type3A_290 = tpu.bitcast %shift_left3A_289 : vector<1024x128xi32> -> vector<1024x128xf32>
    %and3A_291 = arith.constant -65536 : i32
    %and3A_292 = vector.broadcast %and3A_291 : i32 to vector<1024x128xi32>
    %and3A_293 = arith.andi %bitcast_convert_type3A_286, %and3A_292 : vector<1024x128xi32>
    %bitcast_convert_type3A_294 = tpu.bitcast %and3A_293 : vector<1024x128xi32> -> vector<1024x128xf32>
    %concatenate3A_295 = tpu.concatenate %bitcast_convert_type3A_290, %bitcast_convert_type3A_294 in 1 : vector<1024x128xf32>, vector<1024x128xf32> -> vector<1024x256xf32>
    %convert_element_type3A_296 = arith.truncf %concatenate3A_295 : vector<1024x256xf32> to vector<1024x256xbf16>
    %get3A_297 = arith.constant 0 : index
    %get3A_298 = arith.constant 0 : index
    %get3A_299 = vector.load %arg3[%get3A_297, %get3A_298] : memref<256x512xbf16, #tpu.memory_space<vmem>>, vector<256x512xbf16>
    %dot_general3A_300 = arith.constant dense<0.000000e+00> : vector<1024x512xf32>
    %dot_general3A_301 = tpu.matmul %convert_element_type3A_296, %get3A_299, %dot_general3A_300 {dimension_numbers = #tpu.dot_dimension_numbers<[1], [0], [0], [1], [0, 0, 1, 1], [], []>, transpose_lhs_hint = false} : vector<1024x256xbf16>, vector<256x512xbf16>, vector<1024x512xf32> -> vector<1024x512xf32>
    %convert_element_type3A_302 = arith.truncf %mul3A_280 : vector<1024x128xf32> to vector<1024x128xbf16>
    %get3A_303 = arith.constant 0 : index
    %get3A_304 = arith.constant 0 : index
    %get3A_305 = vector.load %arg4[%get3A_303, %get3A_304] : memref<128x512xbf16, #tpu.memory_space<vmem>>, vector<128x512xbf16>
    %dot_general3A_306 = arith.constant dense<0.000000e+00> : vector<1024x512xf32>
    %dot_general3A_307 = tpu.matmul %convert_element_type3A_302, %get3A_305, %dot_general3A_306 {dimension_numbers = #tpu.dot_dimension_numbers<[1], [0], [0], [1], [0, 0, 1, 1], [], []>, transpose_lhs_hint = false} : vector<1024x128xbf16>, vector<128x512xbf16>, vector<1024x512xf32> -> vector<1024x512xf32>
    %add3A_308 = arith.addf %dot_general3A_301, %dot_general3A_307 : vector<1024x512xf32>
    %add3A_309 = vector.broadcast %get3A_9 : vector<1x512xf32> to vector<1024x512xf32>
    %add3A_310 = arith.addf %add3A_308, %add3A_309 : vector<1024x512xf32>
    %slice3A_311 = vector.extract_strided_slice %add3A_310 {offsets = [0, 0], sizes = [1024, 128], strides = [1, 1]} : vector<1024x512xf32> to vector<1024x128xf32>
    %mul3A_312 = arith.constant 5.000000e-01 : f32
    %mul3A_313 = vector.broadcast %mul3A_312 : f32 to vector<1024x128xf32>
    %mul3A_314 = arith.mulf %mul3A_313, %slice3A_311 : vector<1024x128xf32>
    %tanh3A_315 = math.tanh %mul3A_314 : vector<1024x128xf32>
    %mul3A_316 = arith.constant 5.000000e-01 : f32
    %mul3A_317 = vector.broadcast %mul3A_316 : f32 to vector<1024x128xf32>
    %mul3A_318 = arith.mulf %mul3A_317, %tanh3A_315 : vector<1024x128xf32>
    %add3A_319 = arith.constant 5.000000e-01 : f32
    %add3A_320 = vector.broadcast %add3A_319 : f32 to vector<1024x128xf32>
    %add3A_321 = arith.addf %mul3A_318, %add3A_320 : vector<1024x128xf32>
    %slice3A_322 = vector.extract_strided_slice %add3A_310 {offsets = [0, 128], sizes = [1024, 128], strides = [1, 1]} : vector<1024x512xf32> to vector<1024x128xf32>
    %mul3A_323 = arith.constant 5.000000e-01 : f32
    %mul3A_324 = vector.broadcast %mul3A_323 : f32 to vector<1024x128xf32>
    %mul3A_325 = arith.mulf %mul3A_324, %slice3A_322 : vector<1024x128xf32>
    %tanh3A_326 = math.tanh %mul3A_325 : vector<1024x128xf32>
    %mul3A_327 = arith.constant 5.000000e-01 : f32
    %mul3A_328 = vector.broadcast %mul3A_327 : f32 to vector<1024x128xf32>
    %mul3A_329 = arith.mulf %mul3A_328, %tanh3A_326 : vector<1024x128xf32>
    %add3A_330 = arith.constant 5.000000e-01 : f32
    %add3A_331 = vector.broadcast %add3A_330 : f32 to vector<1024x128xf32>
    %add3A_332 = arith.addf %mul3A_329, %add3A_331 : vector<1024x128xf32>
    %slice3A_333 = vector.extract_strided_slice %add3A_310 {offsets = [0, 256], sizes = [1024, 128], strides = [1, 1]} : vector<1024x512xf32> to vector<1024x128xf32>
    %tanh3A_334 = math.tanh %slice3A_333 : vector<1024x128xf32>
    %slice3A_335 = vector.extract_strided_slice %add3A_310 {offsets = [0, 384], sizes = [1024, 128], strides = [1, 1]} : vector<1024x512xf32> to vector<1024x128xf32>
    %mul3A_336 = arith.constant 5.000000e-01 : f32
    %mul3A_337 = vector.broadcast %mul3A_336 : f32 to vector<1024x128xf32>
    %mul3A_338 = arith.mulf %mul3A_337, %slice3A_335 : vector<1024x128xf32>
    %tanh3A_339 = math.tanh %mul3A_338 : vector<1024x128xf32>
    %mul3A_340 = arith.constant 5.000000e-01 : f32
    %mul3A_341 = vector.broadcast %mul3A_340 : f32 to vector<1024x128xf32>
    %mul3A_342 = arith.mulf %mul3A_341, %tanh3A_339 : vector<1024x128xf32>
    %add3A_343 = arith.constant 5.000000e-01 : f32
    %add3A_344 = vector.broadcast %add3A_343 : f32 to vector<1024x128xf32>
    %add3A_345 = arith.addf %mul3A_342, %add3A_344 : vector<1024x128xf32>
    %mul3A_346 = arith.mulf %add3A_332, %add3A_278 : vector<1024x128xf32>
    %mul3A_347 = arith.mulf %add3A_321, %tanh3A_334 : vector<1024x128xf32>
    %add3A_348 = arith.addf %mul3A_346, %mul3A_347 : vector<1024x128xf32>
    %tanh3A_349 = math.tanh %add3A_348 : vector<1024x128xf32>
    %mul3A_350 = arith.mulf %add3A_345, %tanh3A_349 : vector<1024x128xf32>
    %get3A_351 = arith.constant 5 : index
    %get3A_352 = arith.constant 0 : index
    %get3A_353 = arith.constant 0 : index
    %get3A_354 = vector.load %arg2[%get3A_351, %get3A_352, %get3A_353] : memref<10x1024x128xf32, #tpu.memory_space<vmem>>, vector<1x1024x128xf32>
    %get3A_355 = vector.shape_cast %get3A_354 : vector<1x1024x128xf32> to vector<1024x128xf32>
    %bitcast_convert_type3A_356 = tpu.bitcast %get3A_355 : vector<1024x128xf32> -> vector<1024x128xi32>
    %shift_left3A_357 = arith.constant 16 : i32
    %shift_left3A_358 = vector.broadcast %shift_left3A_357 : i32 to vector<1024x128xi32>
    %shift_left3A_359 = arith.shli %bitcast_convert_type3A_356, %shift_left3A_358 : vector<1024x128xi32>
    %bitcast_convert_type3A_360 = tpu.bitcast %shift_left3A_359 : vector<1024x128xi32> -> vector<1024x128xf32>
    %and3A_361 = arith.constant -65536 : i32
    %and3A_362 = vector.broadcast %and3A_361 : i32 to vector<1024x128xi32>
    %and3A_363 = arith.andi %bitcast_convert_type3A_356, %and3A_362 : vector<1024x128xi32>
    %bitcast_convert_type3A_364 = tpu.bitcast %and3A_363 : vector<1024x128xi32> -> vector<1024x128xf32>
    %concatenate3A_365 = tpu.concatenate %bitcast_convert_type3A_360, %bitcast_convert_type3A_364 in 1 : vector<1024x128xf32>, vector<1024x128xf32> -> vector<1024x256xf32>
    %convert_element_type3A_366 = arith.truncf %concatenate3A_365 : vector<1024x256xf32> to vector<1024x256xbf16>
    %get3A_367 = arith.constant 0 : index
    %get3A_368 = arith.constant 0 : index
    %get3A_369 = vector.load %arg3[%get3A_367, %get3A_368] : memref<256x512xbf16, #tpu.memory_space<vmem>>, vector<256x512xbf16>
    %dot_general3A_370 = arith.constant dense<0.000000e+00> : vector<1024x512xf32>
    %dot_general3A_371 = tpu.matmul %convert_element_type3A_366, %get3A_369, %dot_general3A_370 {dimension_numbers = #tpu.dot_dimension_numbers<[1], [0], [0], [1], [0, 0, 1, 1], [], []>, transpose_lhs_hint = false} : vector<1024x256xbf16>, vector<256x512xbf16>, vector<1024x512xf32> -> vector<1024x512xf32>
    %convert_element_type3A_372 = arith.truncf %mul3A_350 : vector<1024x128xf32> to vector<1024x128xbf16>
    %get3A_373 = arith.constant 0 : index
    %get3A_374 = arith.constant 0 : index
    %get3A_375 = vector.load %arg4[%get3A_373, %get3A_374] : memref<128x512xbf16, #tpu.memory_space<vmem>>, vector<128x512xbf16>
    %dot_general3A_376 = arith.constant dense<0.000000e+00> : vector<1024x512xf32>
    %dot_general3A_377 = tpu.matmul %convert_element_type3A_372, %get3A_375, %dot_general3A_376 {dimension_numbers = #tpu.dot_dimension_numbers<[1], [0], [0], [1], [0, 0, 1, 1], [], []>, transpose_lhs_hint = false} : vector<1024x128xbf16>, vector<128x512xbf16>, vector<1024x512xf32> -> vector<1024x512xf32>
    %add3A_378 = arith.addf %dot_general3A_371, %dot_general3A_377 : vector<1024x512xf32>
    %add3A_379 = vector.broadcast %get3A_9 : vector<1x512xf32> to vector<1024x512xf32>
    %add3A_380 = arith.addf %add3A_378, %add3A_379 : vector<1024x512xf32>
    %slice3A_381 = vector.extract_strided_slice %add3A_380 {offsets = [0, 0], sizes = [1024, 128], strides = [1, 1]} : vector<1024x512xf32> to vector<1024x128xf32>
    %mul3A_382 = arith.constant 5.000000e-01 : f32
    %mul3A_383 = vector.broadcast %mul3A_382 : f32 to vector<1024x128xf32>
    %mul3A_384 = arith.mulf %mul3A_383, %slice3A_381 : vector<1024x128xf32>
    %tanh3A_385 = math.tanh %mul3A_384 : vector<1024x128xf32>
    %mul3A_386 = arith.constant 5.000000e-01 : f32
    %mul3A_387 = vector.broadcast %mul3A_386 : f32 to vector<1024x128xf32>
    %mul3A_388 = arith.mulf %mul3A_387, %tanh3A_385 : vector<1024x128xf32>
    %add3A_389 = arith.constant 5.000000e-01 : f32
    %add3A_390 = vector.broadcast %add3A_389 : f32 to vector<1024x128xf32>
    %add3A_391 = arith.addf %mul3A_388, %add3A_390 : vector<1024x128xf32>
    %slice3A_392 = vector.extract_strided_slice %add3A_380 {offsets = [0, 128], sizes = [1024, 128], strides = [1, 1]} : vector<1024x512xf32> to vector<1024x128xf32>
    %mul3A_393 = arith.constant 5.000000e-01 : f32
    %mul3A_394 = vector.broadcast %mul3A_393 : f32 to vector<1024x128xf32>
    %mul3A_395 = arith.mulf %mul3A_394, %slice3A_392 : vector<1024x128xf32>
    %tanh3A_396 = math.tanh %mul3A_395 : vector<1024x128xf32>
    %mul3A_397 = arith.constant 5.000000e-01 : f32
    %mul3A_398 = vector.broadcast %mul3A_397 : f32 to vector<1024x128xf32>
    %mul3A_399 = arith.mulf %mul3A_398, %tanh3A_396 : vector<1024x128xf32>
    %add3A_400 = arith.constant 5.000000e-01 : f32
    %add3A_401 = vector.broadcast %add3A_400 : f32 to vector<1024x128xf32>
    %add3A_402 = arith.addf %mul3A_399, %add3A_401 : vector<1024x128xf32>
    %slice3A_403 = vector.extract_strided_slice %add3A_380 {offsets = [0, 256], sizes = [1024, 128], strides = [1, 1]} : vector<1024x512xf32> to vector<1024x128xf32>
    %tanh3A_404 = math.tanh %slice3A_403 : vector<1024x128xf32>
    %slice3A_405 = vector.extract_strided_slice %add3A_380 {offsets = [0, 384], sizes = [1024, 128], strides = [1, 1]} : vector<1024x512xf32> to vector<1024x128xf32>
    %mul3A_406 = arith.constant 5.000000e-01 : f32
    %mul3A_407 = vector.broadcast %mul3A_406 : f32 to vector<1024x128xf32>
    %mul3A_408 = arith.mulf %mul3A_407, %slice3A_405 : vector<1024x128xf32>
    %tanh3A_409 = math.tanh %mul3A_408 : vector<1024x128xf32>
    %mul3A_410 = arith.constant 5.000000e-01 : f32
    %mul3A_411 = vector.broadcast %mul3A_410 : f32 to vector<1024x128xf32>
    %mul3A_412 = arith.mulf %mul3A_411, %tanh3A_409 : vector<1024x128xf32>
    %add3A_413 = arith.constant 5.000000e-01 : f32
    %add3A_414 = vector.broadcast %add3A_413 : f32 to vector<1024x128xf32>
    %add3A_415 = arith.addf %mul3A_412, %add3A_414 : vector<1024x128xf32>
    %mul3A_416 = arith.mulf %add3A_402, %add3A_348 : vector<1024x128xf32>
    %mul3A_417 = arith.mulf %add3A_391, %tanh3A_404 : vector<1024x128xf32>
    %add3A_418 = arith.addf %mul3A_416, %mul3A_417 : vector<1024x128xf32>
    %tanh3A_419 = math.tanh %add3A_418 : vector<1024x128xf32>
    %mul3A_420 = arith.mulf %add3A_415, %tanh3A_419 : vector<1024x128xf32>
    %get3A_421 = arith.constant 6 : index
    %get3A_422 = arith.constant 0 : index
    %get3A_423 = arith.constant 0 : index
    %get3A_424 = vector.load %arg2[%get3A_421, %get3A_422, %get3A_423] : memref<10x1024x128xf32, #tpu.memory_space<vmem>>, vector<1x1024x128xf32>
    %get3A_425 = vector.shape_cast %get3A_424 : vector<1x1024x128xf32> to vector<1024x128xf32>
    %bitcast_convert_type3A_426 = tpu.bitcast %get3A_425 : vector<1024x128xf32> -> vector<1024x128xi32>
    %shift_left3A_427 = arith.constant 16 : i32
    %shift_left3A_428 = vector.broadcast %shift_left3A_427 : i32 to vector<1024x128xi32>
    %shift_left3A_429 = arith.shli %bitcast_convert_type3A_426, %shift_left3A_428 : vector<1024x128xi32>
    %bitcast_convert_type3A_430 = tpu.bitcast %shift_left3A_429 : vector<1024x128xi32> -> vector<1024x128xf32>
    %and3A_431 = arith.constant -65536 : i32
    %and3A_432 = vector.broadcast %and3A_431 : i32 to vector<1024x128xi32>
    %and3A_433 = arith.andi %bitcast_convert_type3A_426, %and3A_432 : vector<1024x128xi32>
    %bitcast_convert_type3A_434 = tpu.bitcast %and3A_433 : vector<1024x128xi32> -> vector<1024x128xf32>
    %concatenate3A_435 = tpu.concatenate %bitcast_convert_type3A_430, %bitcast_convert_type3A_434 in 1 : vector<1024x128xf32>, vector<1024x128xf32> -> vector<1024x256xf32>
    %convert_element_type3A_436 = arith.truncf %concatenate3A_435 : vector<1024x256xf32> to vector<1024x256xbf16>
    %get3A_437 = arith.constant 0 : index
    %get3A_438 = arith.constant 0 : index
    %get3A_439 = vector.load %arg3[%get3A_437, %get3A_438] : memref<256x512xbf16, #tpu.memory_space<vmem>>, vector<256x512xbf16>
    %dot_general3A_440 = arith.constant dense<0.000000e+00> : vector<1024x512xf32>
    %dot_general3A_441 = tpu.matmul %convert_element_type3A_436, %get3A_439, %dot_general3A_440 {dimension_numbers = #tpu.dot_dimension_numbers<[1], [0], [0], [1], [0, 0, 1, 1], [], []>, transpose_lhs_hint = false} : vector<1024x256xbf16>, vector<256x512xbf16>, vector<1024x512xf32> -> vector<1024x512xf32>
    %convert_element_type3A_442 = arith.truncf %mul3A_420 : vector<1024x128xf32> to vector<1024x128xbf16>
    %get3A_443 = arith.constant 0 : index
    %get3A_444 = arith.constant 0 : index
    %get3A_445 = vector.load %arg4[%get3A_443, %get3A_444] : memref<128x512xbf16, #tpu.memory_space<vmem>>, vector<128x512xbf16>
    %dot_general3A_446 = arith.constant dense<0.000000e+00> : vector<1024x512xf32>
    %dot_general3A_447 = tpu.matmul %convert_element_type3A_442, %get3A_445, %dot_general3A_446 {dimension_numbers = #tpu.dot_dimension_numbers<[1], [0], [0], [1], [0, 0, 1, 1], [], []>, transpose_lhs_hint = false} : vector<1024x128xbf16>, vector<128x512xbf16>, vector<1024x512xf32> -> vector<1024x512xf32>
    %add3A_448 = arith.addf %dot_general3A_441, %dot_general3A_447 : vector<1024x512xf32>
    %add3A_449 = vector.broadcast %get3A_9 : vector<1x512xf32> to vector<1024x512xf32>
    %add3A_450 = arith.addf %add3A_448, %add3A_449 : vector<1024x512xf32>
    %slice3A_451 = vector.extract_strided_slice %add3A_450 {offsets = [0, 0], sizes = [1024, 128], strides = [1, 1]} : vector<1024x512xf32> to vector<1024x128xf32>
    %mul3A_452 = arith.constant 5.000000e-01 : f32
    %mul3A_453 = vector.broadcast %mul3A_452 : f32 to vector<1024x128xf32>
    %mul3A_454 = arith.mulf %mul3A_453, %slice3A_451 : vector<1024x128xf32>
    %tanh3A_455 = math.tanh %mul3A_454 : vector<1024x128xf32>
    %mul3A_456 = arith.constant 5.000000e-01 : f32
    %mul3A_457 = vector.broadcast %mul3A_456 : f32 to vector<1024x128xf32>
    %mul3A_458 = arith.mulf %mul3A_457, %tanh3A_455 : vector<1024x128xf32>
    %add3A_459 = arith.constant 5.000000e-01 : f32
    %add3A_460 = vector.broadcast %add3A_459 : f32 to vector<1024x128xf32>
    %add3A_461 = arith.addf %mul3A_458, %add3A_460 : vector<1024x128xf32>
    %slice3A_462 = vector.extract_strided_slice %add3A_450 {offsets = [0, 128], sizes = [1024, 128], strides = [1, 1]} : vector<1024x512xf32> to vector<1024x128xf32>
    %mul3A_463 = arith.constant 5.000000e-01 : f32
    %mul3A_464 = vector.broadcast %mul3A_463 : f32 to vector<1024x128xf32>
    %mul3A_465 = arith.mulf %mul3A_464, %slice3A_462 : vector<1024x128xf32>
    %tanh3A_466 = math.tanh %mul3A_465 : vector<1024x128xf32>
    %mul3A_467 = arith.constant 5.000000e-01 : f32
    %mul3A_468 = vector.broadcast %mul3A_467 : f32 to vector<1024x128xf32>
    %mul3A_469 = arith.mulf %mul3A_468, %tanh3A_466 : vector<1024x128xf32>
    %add3A_470 = arith.constant 5.000000e-01 : f32
    %add3A_471 = vector.broadcast %add3A_470 : f32 to vector<1024x128xf32>
    %add3A_472 = arith.addf %mul3A_469, %add3A_471 : vector<1024x128xf32>
    %slice3A_473 = vector.extract_strided_slice %add3A_450 {offsets = [0, 256], sizes = [1024, 128], strides = [1, 1]} : vector<1024x512xf32> to vector<1024x128xf32>
    %tanh3A_474 = math.tanh %slice3A_473 : vector<1024x128xf32>
    %slice3A_475 = vector.extract_strided_slice %add3A_450 {offsets = [0, 384], sizes = [1024, 128], strides = [1, 1]} : vector<1024x512xf32> to vector<1024x128xf32>
    %mul3A_476 = arith.constant 5.000000e-01 : f32
    %mul3A_477 = vector.broadcast %mul3A_476 : f32 to vector<1024x128xf32>
    %mul3A_478 = arith.mulf %mul3A_477, %slice3A_475 : vector<1024x128xf32>
    %tanh3A_479 = math.tanh %mul3A_478 : vector<1024x128xf32>
    %mul3A_480 = arith.constant 5.000000e-01 : f32
    %mul3A_481 = vector.broadcast %mul3A_480 : f32 to vector<1024x128xf32>
    %mul3A_482 = arith.mulf %mul3A_481, %tanh3A_479 : vector<1024x128xf32>
    %add3A_483 = arith.constant 5.000000e-01 : f32
    %add3A_484 = vector.broadcast %add3A_483 : f32 to vector<1024x128xf32>
    %add3A_485 = arith.addf %mul3A_482, %add3A_484 : vector<1024x128xf32>
    %mul3A_486 = arith.mulf %add3A_472, %add3A_418 : vector<1024x128xf32>
    %mul3A_487 = arith.mulf %add3A_461, %tanh3A_474 : vector<1024x128xf32>
    %add3A_488 = arith.addf %mul3A_486, %mul3A_487 : vector<1024x128xf32>
    %tanh3A_489 = math.tanh %add3A_488 : vector<1024x128xf32>
    %mul3A_490 = arith.mulf %add3A_485, %tanh3A_489 : vector<1024x128xf32>
    %get3A_491 = arith.constant 7 : index
    %get3A_492 = arith.constant 0 : index
    %get3A_493 = arith.constant 0 : index
    %get3A_494 = vector.load %arg2[%get3A_491, %get3A_492, %get3A_493] : memref<10x1024x128xf32, #tpu.memory_space<vmem>>, vector<1x1024x128xf32>
    %get3A_495 = vector.shape_cast %get3A_494 : vector<1x1024x128xf32> to vector<1024x128xf32>
    %bitcast_convert_type3A_496 = tpu.bitcast %get3A_495 : vector<1024x128xf32> -> vector<1024x128xi32>
    %shift_left3A_497 = arith.constant 16 : i32
    %shift_left3A_498 = vector.broadcast %shift_left3A_497 : i32 to vector<1024x128xi32>
    %shift_left3A_499 = arith.shli %bitcast_convert_type3A_496, %shift_left3A_498 : vector<1024x128xi32>
    %bitcast_convert_type3A_500 = tpu.bitcast %shift_left3A_499 : vector<1024x128xi32> -> vector<1024x128xf32>
    %and3A_501 = arith.constant -65536 : i32
    %and3A_502 = vector.broadcast %and3A_501 : i32 to vector<1024x128xi32>
    %and3A_503 = arith.andi %bitcast_convert_type3A_496, %and3A_502 : vector<1024x128xi32>
    %bitcast_convert_type3A_504 = tpu.bitcast %and3A_503 : vector<1024x128xi32> -> vector<1024x128xf32>
    %concatenate3A_505 = tpu.concatenate %bitcast_convert_type3A_500, %bitcast_convert_type3A_504 in 1 : vector<1024x128xf32>, vector<1024x128xf32> -> vector<1024x256xf32>
    %convert_element_type3A_506 = arith.truncf %concatenate3A_505 : vector<1024x256xf32> to vector<1024x256xbf16>
    %get3A_507 = arith.constant 0 : index
    %get3A_508 = arith.constant 0 : index
    %get3A_509 = vector.load %arg3[%get3A_507, %get3A_508] : memref<256x512xbf16, #tpu.memory_space<vmem>>, vector<256x512xbf16>
    %dot_general3A_510 = arith.constant dense<0.000000e+00> : vector<1024x512xf32>
    %dot_general3A_511 = tpu.matmul %convert_element_type3A_506, %get3A_509, %dot_general3A_510 {dimension_numbers = #tpu.dot_dimension_numbers<[1], [0], [0], [1], [0, 0, 1, 1], [], []>, transpose_lhs_hint = false} : vector<1024x256xbf16>, vector<256x512xbf16>, vector<1024x512xf32> -> vector<1024x512xf32>
    %convert_element_type3A_512 = arith.truncf %mul3A_490 : vector<1024x128xf32> to vector<1024x128xbf16>
    %get3A_513 = arith.constant 0 : index
    %get3A_514 = arith.constant 0 : index
    %get3A_515 = vector.load %arg4[%get3A_513, %get3A_514] : memref<128x512xbf16, #tpu.memory_space<vmem>>, vector<128x512xbf16>
    %dot_general3A_516 = arith.constant dense<0.000000e+00> : vector<1024x512xf32>
    %dot_general3A_517 = tpu.matmul %convert_element_type3A_512, %get3A_515, %dot_general3A_516 {dimension_numbers = #tpu.dot_dimension_numbers<[1], [0], [0], [1], [0, 0, 1, 1], [], []>, transpose_lhs_hint = false} : vector<1024x128xbf16>, vector<128x512xbf16>, vector<1024x512xf32> -> vector<1024x512xf32>
    %add3A_518 = arith.addf %dot_general3A_511, %dot_general3A_517 : vector<1024x512xf32>
    %add3A_519 = vector.broadcast %get3A_9 : vector<1x512xf32> to vector<1024x512xf32>
    %add3A_520 = arith.addf %add3A_518, %add3A_519 : vector<1024x512xf32>
    %slice3A_521 = vector.extract_strided_slice %add3A_520 {offsets = [0, 0], sizes = [1024, 128], strides = [1, 1]} : vector<1024x512xf32> to vector<1024x128xf32>
    %mul3A_522 = arith.constant 5.000000e-01 : f32
    %mul3A_523 = vector.broadcast %mul3A_522 : f32 to vector<1024x128xf32>
    %mul3A_524 = arith.mulf %mul3A_523, %slice3A_521 : vector<1024x128xf32>
    %tanh3A_525 = math.tanh %mul3A_524 : vector<1024x128xf32>
    %mul3A_526 = arith.constant 5.000000e-01 : f32
    %mul3A_527 = vector.broadcast %mul3A_526 : f32 to vector<1024x128xf32>
    %mul3A_528 = arith.mulf %mul3A_527, %tanh3A_525 : vector<1024x128xf32>
    %add3A_529 = arith.constant 5.000000e-01 : f32
    %add3A_530 = vector.broadcast %add3A_529 : f32 to vector<1024x128xf32>
    %add3A_531 = arith.addf %mul3A_528, %add3A_530 : vector<1024x128xf32>
    %slice3A_532 = vector.extract_strided_slice %add3A_520 {offsets = [0, 128], sizes = [1024, 128], strides = [1, 1]} : vector<1024x512xf32> to vector<1024x128xf32>
    %mul3A_533 = arith.constant 5.000000e-01 : f32
    %mul3A_534 = vector.broadcast %mul3A_533 : f32 to vector<1024x128xf32>
    %mul3A_535 = arith.mulf %mul3A_534, %slice3A_532 : vector<1024x128xf32>
    %tanh3A_536 = math.tanh %mul3A_535 : vector<1024x128xf32>
    %mul3A_537 = arith.constant 5.000000e-01 : f32
    %mul3A_538 = vector.broadcast %mul3A_537 : f32 to vector<1024x128xf32>
    %mul3A_539 = arith.mulf %mul3A_538, %tanh3A_536 : vector<1024x128xf32>
    %add3A_540 = arith.constant 5.000000e-01 : f32
    %add3A_541 = vector.broadcast %add3A_540 : f32 to vector<1024x128xf32>
    %add3A_542 = arith.addf %mul3A_539, %add3A_541 : vector<1024x128xf32>
    %slice3A_543 = vector.extract_strided_slice %add3A_520 {offsets = [0, 256], sizes = [1024, 128], strides = [1, 1]} : vector<1024x512xf32> to vector<1024x128xf32>
    %tanh3A_544 = math.tanh %slice3A_543 : vector<1024x128xf32>
    %slice3A_545 = vector.extract_strided_slice %add3A_520 {offsets = [0, 384], sizes = [1024, 128], strides = [1, 1]} : vector<1024x512xf32> to vector<1024x128xf32>
    %mul3A_546 = arith.constant 5.000000e-01 : f32
    %mul3A_547 = vector.broadcast %mul3A_546 : f32 to vector<1024x128xf32>
    %mul3A_548 = arith.mulf %mul3A_547, %slice3A_545 : vector<1024x128xf32>
    %tanh3A_549 = math.tanh %mul3A_548 : vector<1024x128xf32>
    %mul3A_550 = arith.constant 5.000000e-01 : f32
    %mul3A_551 = vector.broadcast %mul3A_550 : f32 to vector<1024x128xf32>
    %mul3A_552 = arith.mulf %mul3A_551, %tanh3A_549 : vector<1024x128xf32>
    %add3A_553 = arith.constant 5.000000e-01 : f32
    %add3A_554 = vector.broadcast %add3A_553 : f32 to vector<1024x128xf32>
    %add3A_555 = arith.addf %mul3A_552, %add3A_554 : vector<1024x128xf32>
    %mul3A_556 = arith.mulf %add3A_542, %add3A_488 : vector<1024x128xf32>
    %mul3A_557 = arith.mulf %add3A_531, %tanh3A_544 : vector<1024x128xf32>
    %add3A_558 = arith.addf %mul3A_556, %mul3A_557 : vector<1024x128xf32>
    %tanh3A_559 = math.tanh %add3A_558 : vector<1024x128xf32>
    %mul3A_560 = arith.mulf %add3A_555, %tanh3A_559 : vector<1024x128xf32>
    %get3A_561 = arith.constant 8 : index
    %get3A_562 = arith.constant 0 : index
    %get3A_563 = arith.constant 0 : index
    %get3A_564 = vector.load %arg2[%get3A_561, %get3A_562, %get3A_563] : memref<10x1024x128xf32, #tpu.memory_space<vmem>>, vector<1x1024x128xf32>
    %get3A_565 = vector.shape_cast %get3A_564 : vector<1x1024x128xf32> to vector<1024x128xf32>
    %bitcast_convert_type3A_566 = tpu.bitcast %get3A_565 : vector<1024x128xf32> -> vector<1024x128xi32>
    %shift_left3A_567 = arith.constant 16 : i32
    %shift_left3A_568 = vector.broadcast %shift_left3A_567 : i32 to vector<1024x128xi32>
    %shift_left3A_569 = arith.shli %bitcast_convert_type3A_566, %shift_left3A_568 : vector<1024x128xi32>
    %bitcast_convert_type3A_570 = tpu.bitcast %shift_left3A_569 : vector<1024x128xi32> -> vector<1024x128xf32>
    %and3A_571 = arith.constant -65536 : i32
    %and3A_572 = vector.broadcast %and3A_571 : i32 to vector<1024x128xi32>
    %and3A_573 = arith.andi %bitcast_convert_type3A_566, %and3A_572 : vector<1024x128xi32>
    %bitcast_convert_type3A_574 = tpu.bitcast %and3A_573 : vector<1024x128xi32> -> vector<1024x128xf32>
    %concatenate3A_575 = tpu.concatenate %bitcast_convert_type3A_570, %bitcast_convert_type3A_574 in 1 : vector<1024x128xf32>, vector<1024x128xf32> -> vector<1024x256xf32>
    %convert_element_type3A_576 = arith.truncf %concatenate3A_575 : vector<1024x256xf32> to vector<1024x256xbf16>
    %get3A_577 = arith.constant 0 : index
    %get3A_578 = arith.constant 0 : index
    %get3A_579 = vector.load %arg3[%get3A_577, %get3A_578] : memref<256x512xbf16, #tpu.memory_space<vmem>>, vector<256x512xbf16>
    %dot_general3A_580 = arith.constant dense<0.000000e+00> : vector<1024x512xf32>
    %dot_general3A_581 = tpu.matmul %convert_element_type3A_576, %get3A_579, %dot_general3A_580 {dimension_numbers = #tpu.dot_dimension_numbers<[1], [0], [0], [1], [0, 0, 1, 1], [], []>, transpose_lhs_hint = false} : vector<1024x256xbf16>, vector<256x512xbf16>, vector<1024x512xf32> -> vector<1024x512xf32>
    %convert_element_type3A_582 = arith.truncf %mul3A_560 : vector<1024x128xf32> to vector<1024x128xbf16>
    %get3A_583 = arith.constant 0 : index
    %get3A_584 = arith.constant 0 : index
    %get3A_585 = vector.load %arg4[%get3A_583, %get3A_584] : memref<128x512xbf16, #tpu.memory_space<vmem>>, vector<128x512xbf16>
    %dot_general3A_586 = arith.constant dense<0.000000e+00> : vector<1024x512xf32>
    %dot_general3A_587 = tpu.matmul %convert_element_type3A_582, %get3A_585, %dot_general3A_586 {dimension_numbers = #tpu.dot_dimension_numbers<[1], [0], [0], [1], [0, 0, 1, 1], [], []>, transpose_lhs_hint = false} : vector<1024x128xbf16>, vector<128x512xbf16>, vector<1024x512xf32> -> vector<1024x512xf32>
    %add3A_588 = arith.addf %dot_general3A_581, %dot_general3A_587 : vector<1024x512xf32>
    %add3A_589 = vector.broadcast %get3A_9 : vector<1x512xf32> to vector<1024x512xf32>
    %add3A_590 = arith.addf %add3A_588, %add3A_589 : vector<1024x512xf32>
    %slice3A_591 = vector.extract_strided_slice %add3A_590 {offsets = [0, 0], sizes = [1024, 128], strides = [1, 1]} : vector<1024x512xf32> to vector<1024x128xf32>
    %mul3A_592 = arith.constant 5.000000e-01 : f32
    %mul3A_593 = vector.broadcast %mul3A_592 : f32 to vector<1024x128xf32>
    %mul3A_594 = arith.mulf %mul3A_593, %slice3A_591 : vector<1024x128xf32>
    %tanh3A_595 = math.tanh %mul3A_594 : vector<1024x128xf32>
    %mul3A_596 = arith.constant 5.000000e-01 : f32
    %mul3A_597 = vector.broadcast %mul3A_596 : f32 to vector<1024x128xf32>
    %mul3A_598 = arith.mulf %mul3A_597, %tanh3A_595 : vector<1024x128xf32>
    %add3A_599 = arith.constant 5.000000e-01 : f32
    %add3A_600 = vector.broadcast %add3A_599 : f32 to vector<1024x128xf32>
    %add3A_601 = arith.addf %mul3A_598, %add3A_600 : vector<1024x128xf32>
    %slice3A_602 = vector.extract_strided_slice %add3A_590 {offsets = [0, 128], sizes = [1024, 128], strides = [1, 1]} : vector<1024x512xf32> to vector<1024x128xf32>
    %mul3A_603 = arith.constant 5.000000e-01 : f32
    %mul3A_604 = vector.broadcast %mul3A_603 : f32 to vector<1024x128xf32>
    %mul3A_605 = arith.mulf %mul3A_604, %slice3A_602 : vector<1024x128xf32>
    %tanh3A_606 = math.tanh %mul3A_605 : vector<1024x128xf32>
    %mul3A_607 = arith.constant 5.000000e-01 : f32
    %mul3A_608 = vector.broadcast %mul3A_607 : f32 to vector<1024x128xf32>
    %mul3A_609 = arith.mulf %mul3A_608, %tanh3A_606 : vector<1024x128xf32>
    %add3A_610 = arith.constant 5.000000e-01 : f32
    %add3A_611 = vector.broadcast %add3A_610 : f32 to vector<1024x128xf32>
    %add3A_612 = arith.addf %mul3A_609, %add3A_611 : vector<1024x128xf32>
    %slice3A_613 = vector.extract_strided_slice %add3A_590 {offsets = [0, 256], sizes = [1024, 128], strides = [1, 1]} : vector<1024x512xf32> to vector<1024x128xf32>
    %tanh3A_614 = math.tanh %slice3A_613 : vector<1024x128xf32>
    %slice3A_615 = vector.extract_strided_slice %add3A_590 {offsets = [0, 384], sizes = [1024, 128], strides = [1, 1]} : vector<1024x512xf32> to vector<1024x128xf32>
    %mul3A_616 = arith.constant 5.000000e-01 : f32
    %mul3A_617 = vector.broadcast %mul3A_616 : f32 to vector<1024x128xf32>
    %mul3A_618 = arith.mulf %mul3A_617, %slice3A_615 : vector<1024x128xf32>
    %tanh3A_619 = math.tanh %mul3A_618 : vector<1024x128xf32>
    %mul3A_620 = arith.constant 5.000000e-01 : f32
    %mul3A_621 = vector.broadcast %mul3A_620 : f32 to vector<1024x128xf32>
    %mul3A_622 = arith.mulf %mul3A_621, %tanh3A_619 : vector<1024x128xf32>
    %add3A_623 = arith.constant 5.000000e-01 : f32
    %add3A_624 = vector.broadcast %add3A_623 : f32 to vector<1024x128xf32>
    %add3A_625 = arith.addf %mul3A_622, %add3A_624 : vector<1024x128xf32>
    %mul3A_626 = arith.mulf %add3A_612, %add3A_558 : vector<1024x128xf32>
    %mul3A_627 = arith.mulf %add3A_601, %tanh3A_614 : vector<1024x128xf32>
    %add3A_628 = arith.addf %mul3A_626, %mul3A_627 : vector<1024x128xf32>
    %tanh3A_629 = math.tanh %add3A_628 : vector<1024x128xf32>
    %mul3A_630 = arith.mulf %add3A_625, %tanh3A_629 : vector<1024x128xf32>
    %get3A_631 = arith.constant 9 : index
    %get3A_632 = arith.constant 0 : index
    %get3A_633 = arith.constant 0 : index
    %get3A_634 = vector.load %arg2[%get3A_631, %get3A_632, %get3A_633] : memref<10x1024x128xf32, #tpu.memory_space<vmem>>, vector<1x1024x128xf32>
    %get3A_635 = vector.shape_cast %get3A_634 : vector<1x1024x128xf32> to vector<1024x128xf32>
    %bitcast_convert_type3A_636 = tpu.bitcast %get3A_635 : vector<1024x128xf32> -> vector<1024x128xi32>
    %shift_left3A_637 = arith.constant 16 : i32
    %shift_left3A_638 = vector.broadcast %shift_left3A_637 : i32 to vector<1024x128xi32>
    %shift_left3A_639 = arith.shli %bitcast_convert_type3A_636, %shift_left3A_638 : vector<1024x128xi32>
    %bitcast_convert_type3A_640 = tpu.bitcast %shift_left3A_639 : vector<1024x128xi32> -> vector<1024x128xf32>
    %and3A_641 = arith.constant -65536 : i32
    %and3A_642 = vector.broadcast %and3A_641 : i32 to vector<1024x128xi32>
    %and3A_643 = arith.andi %bitcast_convert_type3A_636, %and3A_642 : vector<1024x128xi32>
    %bitcast_convert_type3A_644 = tpu.bitcast %and3A_643 : vector<1024x128xi32> -> vector<1024x128xf32>
    %concatenate3A_645 = tpu.concatenate %bitcast_convert_type3A_640, %bitcast_convert_type3A_644 in 1 : vector<1024x128xf32>, vector<1024x128xf32> -> vector<1024x256xf32>
    %convert_element_type3A_646 = arith.truncf %concatenate3A_645 : vector<1024x256xf32> to vector<1024x256xbf16>
    %get3A_647 = arith.constant 0 : index
    %get3A_648 = arith.constant 0 : index
    %get3A_649 = vector.load %arg3[%get3A_647, %get3A_648] : memref<256x512xbf16, #tpu.memory_space<vmem>>, vector<256x512xbf16>
    %dot_general3A_650 = arith.constant dense<0.000000e+00> : vector<1024x512xf32>
    %dot_general3A_651 = tpu.matmul %convert_element_type3A_646, %get3A_649, %dot_general3A_650 {dimension_numbers = #tpu.dot_dimension_numbers<[1], [0], [0], [1], [0, 0, 1, 1], [], []>, transpose_lhs_hint = false} : vector<1024x256xbf16>, vector<256x512xbf16>, vector<1024x512xf32> -> vector<1024x512xf32>
    %convert_element_type3A_652 = arith.truncf %mul3A_630 : vector<1024x128xf32> to vector<1024x128xbf16>
    %get3A_653 = arith.constant 0 : index
    %get3A_654 = arith.constant 0 : index
    %get3A_655 = vector.load %arg4[%get3A_653, %get3A_654] : memref<128x512xbf16, #tpu.memory_space<vmem>>, vector<128x512xbf16>
    %dot_general3A_656 = arith.constant dense<0.000000e+00> : vector<1024x512xf32>
    %dot_general3A_657 = tpu.matmul %convert_element_type3A_652, %get3A_655, %dot_general3A_656 {dimension_numbers = #tpu.dot_dimension_numbers<[1], [0], [0], [1], [0, 0, 1, 1], [], []>, transpose_lhs_hint = false} : vector<1024x128xbf16>, vector<128x512xbf16>, vector<1024x512xf32> -> vector<1024x512xf32>
    %add3A_658 = arith.addf %dot_general3A_651, %dot_general3A_657 : vector<1024x512xf32>
    %add3A_659 = vector.broadcast %get3A_9 : vector<1x512xf32> to vector<1024x512xf32>
    %add3A_660 = arith.addf %add3A_658, %add3A_659 : vector<1024x512xf32>
    %slice3A_661 = vector.extract_strided_slice %add3A_660 {offsets = [0, 0], sizes = [1024, 128], strides = [1, 1]} : vector<1024x512xf32> to vector<1024x128xf32>
    %mul3A_662 = arith.constant 5.000000e-01 : f32
    %mul3A_663 = vector.broadcast %mul3A_662 : f32 to vector<1024x128xf32>
    %mul3A_664 = arith.mulf %mul3A_663, %slice3A_661 : vector<1024x128xf32>
    %tanh3A_665 = math.tanh %mul3A_664 : vector<1024x128xf32>
    %mul3A_666 = arith.constant 5.000000e-01 : f32
    %mul3A_667 = vector.broadcast %mul3A_666 : f32 to vector<1024x128xf32>
    %mul3A_668 = arith.mulf %mul3A_667, %tanh3A_665 : vector<1024x128xf32>
    %add3A_669 = arith.constant 5.000000e-01 : f32
    %add3A_670 = vector.broadcast %add3A_669 : f32 to vector<1024x128xf32>
    %add3A_671 = arith.addf %mul3A_668, %add3A_670 : vector<1024x128xf32>
    %slice3A_672 = vector.extract_strided_slice %add3A_660 {offsets = [0, 128], sizes = [1024, 128], strides = [1, 1]} : vector<1024x512xf32> to vector<1024x128xf32>
    %mul3A_673 = arith.constant 5.000000e-01 : f32
    %mul3A_674 = vector.broadcast %mul3A_673 : f32 to vector<1024x128xf32>
    %mul3A_675 = arith.mulf %mul3A_674, %slice3A_672 : vector<1024x128xf32>
    %tanh3A_676 = math.tanh %mul3A_675 : vector<1024x128xf32>
    %mul3A_677 = arith.constant 5.000000e-01 : f32
    %mul3A_678 = vector.broadcast %mul3A_677 : f32 to vector<1024x128xf32>
    %mul3A_679 = arith.mulf %mul3A_678, %tanh3A_676 : vector<1024x128xf32>
    %add3A_680 = arith.constant 5.000000e-01 : f32
    %add3A_681 = vector.broadcast %add3A_680 : f32 to vector<1024x128xf32>
    %add3A_682 = arith.addf %mul3A_679, %add3A_681 : vector<1024x128xf32>
    %slice3A_683 = vector.extract_strided_slice %add3A_660 {offsets = [0, 256], sizes = [1024, 128], strides = [1, 1]} : vector<1024x512xf32> to vector<1024x128xf32>
    %tanh3A_684 = math.tanh %slice3A_683 : vector<1024x128xf32>
    %slice3A_685 = vector.extract_strided_slice %add3A_660 {offsets = [0, 384], sizes = [1024, 128], strides = [1, 1]} : vector<1024x512xf32> to vector<1024x128xf32>
    %mul3A_686 = arith.constant 5.000000e-01 : f32
    %mul3A_687 = vector.broadcast %mul3A_686 : f32 to vector<1024x128xf32>
    %mul3A_688 = arith.mulf %mul3A_687, %slice3A_685 : vector<1024x128xf32>
    %tanh3A_689 = math.tanh %mul3A_688 : vector<1024x128xf32>
    %mul3A_690 = arith.constant 5.000000e-01 : f32
    %mul3A_691 = vector.broadcast %mul3A_690 : f32 to vector<1024x128xf32>
    %mul3A_692 = arith.mulf %mul3A_691, %tanh3A_689 : vector<1024x128xf32>
    %add3A_693 = arith.constant 5.000000e-01 : f32
    %add3A_694 = vector.broadcast %add3A_693 : f32 to vector<1024x128xf32>
    %add3A_695 = arith.addf %mul3A_692, %add3A_694 : vector<1024x128xf32>
    %mul3A_696 = arith.mulf %add3A_682, %add3A_628 : vector<1024x128xf32>
    %mul3A_697 = arith.mulf %add3A_671, %tanh3A_684 : vector<1024x128xf32>
    %add3A_698 = arith.addf %mul3A_696, %mul3A_697 : vector<1024x128xf32>
    %tanh3A_699 = math.tanh %add3A_698 : vector<1024x128xf32>
    %mul3A_700 = arith.mulf %add3A_695, %tanh3A_699 : vector<1024x128xf32>
    %swap3A = arith.constant 0 : index
    %swap3A_701 = arith.constant 0 : index
    %swap3A_702 = vector.load %arg10[%swap3A, %swap3A_701] : memref<1024x128xf32, #tpu.memory_space<vmem>>, vector<1024x128xf32>
    tpu.vector_store %arg10[%swap3A, %swap3A_701], %mul3A_700 {strides = array<i32>} : memref<1024x128xf32, #tpu.memory_space<vmem>>, vector<1024x128xf32>,
    %swap3A_703 = arith.constant 0 : index
    %swap3A_704 = arith.constant 0 : index
    %swap3A_705 = vector.load %arg11[%swap3A_703, %swap3A_704] : memref<1024x128xf32, #tpu.memory_space<vmem>>, vector<1024x128xf32>
    tpu.vector_store %arg11[%swap3A_703, %swap3A_704], %add3A_698 {strides = array<i32>} : memref<1024x128xf32, #tpu.memory_space<vmem>>, vector<1024x128xf32>,
    %eq3A_706 = arith.constant 0 : i32
    %eq3A_707 = arith.cmpi eq, %arg1, %eq3A_706 : i32
    %convert_element_type3A_708 = arith.extui %eq3A_707 : i1 to i32
    %cond3A_709 = arith.constant 0 : i32
    %cond3A_710 = arith.cmpi ne, %convert_element_type3A_708, %cond3A_709 : i32
    scf.if %cond3A_710 {
      %swap3A_711 = arith.constant 0 : index
      %swap3A_712 = arith.constant 0 : index
      %swap3A_713 = vector.load %arg8[%swap3A_711, %swap3A_712] : memref<1024x128xf32, #tpu.memory_space<vmem>>, vector<1024x128xf32>
      tpu.vector_store %arg8[%swap3A_711, %swap3A_712], %mul3A_700 {strides = array<i32>} : memref<1024x128xf32, #tpu.memory_space<vmem>>, vector<1024x128xf32>,
      %swap3A_714 = arith.constant 0 : index
      %swap3A_715 = arith.constant 0 : index
      %swap3A_716 = vector.load %arg9[%swap3A_714, %swap3A_715] : memref<1024x128xf32, #tpu.memory_space<vmem>>, vector<1024x128xf32>
      tpu.vector_store %arg9[%swap3A_714, %swap3A_715], %add3A_698 {strides = array<i32>} : memref<1024x128xf32, #tpu.memory_space<vmem>>, vector<1024x128xf32>,
    } else {
    }
    return
  }
  func.func @transform_0(%arg0: i32, %arg1: i32) -> (i32, i32, i32) {
    %c0_i32 = arith.constant 0 : i32
    %c0_i32_0 = arith.constant 0 : i32
    return %arg1, %arg0, %c0_i32 : i32, i32, i32
  }
  func.func @transform_1(%arg0: i32, %arg1: i32) -> (i32, i32) {
    %c0_i32 = arith.constant 0 : i32
    %c0_i32_0 = arith.constant 0 : i32
    %c0_i32_1 = arith.constant 0 : i32
    return %c0_i32, %c0_i32_0 : i32, i32
  }
  func.func @transform_2(%arg0: i32, %arg1: i32) -> (i32, i32) {
    %c0_i32 = arith.constant 0 : i32
    %c0_i32_0 = arith.constant 0 : i32
    %c0_i32_1 = arith.constant 0 : i32
    return %c0_i32, %c0_i32_0 : i32, i32
  }
  func.func @transform_3(%arg0: i32, %arg1: i32) -> (i32, i32) {
    %c0_i32 = arith.constant 0 : i32
    %c0_i32_0 = arith.constant 0 : i32
    %c0_i32_1 = arith.constant 0 : i32
    return %c0_i32, %c0_i32_0 : i32, i32
  }
  func.func @transform_4(%arg0: i32, %arg1: i32) -> (i32, i32) {
    %c0_i32 = arith.constant 0 : i32
    %c0_i32_0 = arith.constant 0 : i32
    return %arg0, %c0_i32 : i32, i32
  }
  func.func @transform_5(%arg0: i32, %arg1: i32) -> (i32, i32) {
    %c0_i32 = arith.constant 0 : i32
    %c0_i32_0 = arith.constant 0 : i32
    return %arg0, %c0_i32 : i32, i32
  }
  func.func @transform_6(%arg0: i32, %arg1: i32) -> (i32, i32) {
    %c0_i32 = arith.constant 0 : i32
    %c0_i32_0 = arith.constant 0 : i32
    return %arg0, %c0_i32 : i32, i32
  }
  func.func @transform_7(%arg0: i32, %arg1: i32) -> (i32, i32) {
    %c0_i32 = arith.constant 0 : i32
    %c0_i32_0 = arith.constant 0 : i32
    return %arg0, %c0_i32 : i32, i32
  }
}

</mosaic_0001>

<sc_bundles>
// kernel: kernel.13.cloned.1.call-start
scs
__scs_entry_jumppad:
0x0: {  	(pc) =	sbr.rel $0x88, $3  }
0x1: {  	(tag) =	ssettag $0x0;
	lr =	simm.s32 $0x1  }
0x2: {  	[smem:$0x3F9B] =	sst lr;
	_ =	strace $0xD0000000  }
0x3: {  	_ = 	snop  }
0x4: {  	_ = 	snop  }
0x5: {  	_ = 	snop  }
0x6: {  	_ = 	snop  }
0x7: {  	_ = 	snop  }
__scs_overlays_trampoline_lowered:
0x8: {  	[smem:$0x3FAA] =	sst s0  }
0x9: {  	[smem:$0x3FAB] =	sst s1  }
0xa: {  	[smem:$0x3FAC] =	sst s2  }
0xb: {  	[smem:$0x3FAD] =	sst s3  }
0xc: {  	[smem:$0x3FAE] =	sst s4  }
0xd: {  	[smem:$0x3FAF] =	sst s5  }
0xe: {  	[smem:$0x3FB0] =	sst s6  }
0xf: {  	[smem:$0x3FB1] =	sst s7  }
0x10: {  	[smem:$0x3FB2] =	sst s8  }
0x11: {  	[smem:$0x3FB3] =	sst s9;
	s0 =	simm.s32 @!p0 $0x0  }
0x12: {  	s1 =	sld [smem:$0x3F99];
	s0 =	simm.s32 @p0 $0x1  }
0x13: {  	[smem:$0x3FB4] =	sst s0;
	s0 =	simm.s32 @!p1 $0x0  }
0x14: {  	s2 =	sld [smem:$0x3F98];
	s0 =	simm.s32 @p1 $0x1  }
0x15: {  	[smem:$0x3FB5] =	sst s0;
	s0 =	simm.s32 @!p2 $0x0  }
0x16: {  	s3 =	sld [smem:$0x3FDB];
	s0 =	simm.s32 @p2 $0x1  }
0x17: {  	s4 =	simm.s32 $0x1BF5;
	[smem:$0x3FB7] =	sst s0  }
0x18: {  	s0 =	sld [smem:$0x3F9A];
	_ =	swait.ge [sflag:s4], $0x0  }
0x19: {  	s7 =	sld [smem:$0x3F9B]  }
0x1a: {  	s8 =	sadd.s32 $0xFFFFE003, lr  }
0x1b: {  	s9 =	sadd.s32 $0xFFFFFEF7, lr;
	s5 =	simm.s32 $0xFFFFFFFF;
	p2 =	slt.u32 s8, $0xFFFFF086  }
0x1c: {  	p1 =	slt.u32 s9, $0xF7A;
	s5 =	simm.s32 @!p2 $0x0  }
0x1d: {  	s5 =	simm.s32 @p1 $0x1;
	p0 =	seq.s32 s7, s2  }
0x1e: {  	s7 =	smul.u32 @!p0 $0xF7A, s2;
	p2 =	seq.s32 @!p0 s5, $0x0  }
0x1f: {  	s9 =	smul.u32 $0xF7A, s1;
	s8 =	simm.s32 @!p0 $0x1BF5;
	p2 =	por !p2, p0  }
0x20: {  	[sflag:s8] =	ssyncset.s32 @!p0 $0xFFFFF086;
	s6 =	sadd.s32 @!p0 s3, s7;
	s7 =	simm.s32 @!p0 $0x108  }
0x21: {  	s3 =	sadd.s32 s3, s9;
	s6 =	sadd.s32 @!p0 $0x88, s6;
	s7 =	simm.s32 @p2 $0x1082  }
0x22: {  	[simem:s7], [sflag:s8] =	dma.local @!p0 [hbm:s6], $0xF7A  }
0x23: {  	s9 =	sor.u32 $0xD0000000, s2;
	s6 =	simm.s32 $0x108;
	_ =	swait.ge @!p0 [sflag:s8], $0x0  }
0x24: {  	s3 =	sadd.s32 $0x88, s3;
	s6 =	simm.s32 @!p1 $0x1082;
	[sflag:s4] =	ssyncset.s32 $0xFFFFF086  }
0x25: {  	[simem:s6], [sflag:s4] =	dma.local [hbm:s3], $0xF7A  }
0x26: {  	[smem:$0x3F9B] =	sst s1;
	(tag) =	ssettag s2;
	_ =	strace s9  }
0x27: {  	s1 =	sld [smem:$0x3FAB]  }
0x28: {  	s2 =	sld [smem:$0x3FAC]  }
0x29: {  	s4 =	sld [smem:$0x3FAE]  }
0x2a: {  	p0 =	seq.s32 s5, $0x0;
	s5 =	sld [smem:$0x3FAF]  }
0x2b: {  	s6 =	sld [smem:$0x3FB0]  }
0x2c: {  	s7 =	sld [smem:$0x3FB1]  }
0x2d: {  	s3 =	simm.s32 $0x108;
	s8 =	sld [smem:$0x3FB2]  }
0x2e: {  	s3 =	simm.s32 @!p0 $0x1082;
	s9 =	sld [smem:$0x3FB3]  }
0x2f: {  	lr =	sadd.s32 s0, s3;
	s0 =	sld [smem:$0x3FAA]  }
0x30: {  	s3 =	sld [smem:$0x3FAD]  }
0x31: {  	[smem:$0x3FB6] =	sst s10  }
0x32: {  	s10 =	sld [smem:$0x3FB4];
	_ =	sdelay $0x3  }
0x33: {  	p0 =	seq.s32 s10, $0x1;
	s10 =	sld [smem:$0x3FB6];
	_ =	sdelay $0x3  }
0x34: {  	[smem:$0x3FB6] =	sst s10  }
0x35: {  	s10 =	sld [smem:$0x3FB5];
	_ =	sdelay $0x3  }
0x36: {  	p1 =	seq.s32 s10, $0x1;
	s10 =	sld [smem:$0x3FB6];
	_ =	sdelay $0x3  }
0x37: {  	[smem:$0x3FB6] =	sst s10  }
0x38: {  	s10 =	sld [smem:$0x3FB7]  }
0x39: {  	_ = 	snop;
	(pc) =	sbr.ind lr, $3  }
0x3a: {  	_ = 	snop  }
0x3b: {  	_ = 	snop  }
0x3c: {  	p2 =	seq.s32 s10, $0x1;
	s10 =	sld [smem:$0x3FB6]  }
0x3d: {  	_ =	shalt  }
0x3e: {  	_ =	shalt  }
0x3f: {  	_ =	shalt  }
0x40: {  	_ =	shalt  }
0x41: {  	_ =	shalt  }
0x42: {  	_ =	shalt  }
0x43: {  	_ =	shalt  }
0x44: {  	_ =	shalt  }
0x45: {  	_ =	shalt  }
0x46: {  	_ =	shalt  }
0x47: {  	_ =	shalt  }
0x48: {  	_ =	shalt  }
0x49: {  	_ =	shalt  }
0x4a: {  	_ =	shalt  }
0x4b: {  	_ =	shalt  }
0x4c: {  	_ =	shalt  }
0x4d: {  	_ =	shalt  }
0x4e: {  	_ =	shalt  }
0x4f: {  	_ =	shalt  }
0x50: {  	_ =	shalt  }
0x51: {  	_ =	shalt  }
0x52: {  	_ =	shalt  }
0x53: {  	_ =	shalt  }
0x54: {  	_ =	shalt  }
0x55: {  	_ =	shalt  }
0x56: {  	_ =	shalt  }
0x57: {  	_ =	shalt  }
0x58: {  	_ =	shalt  }
0x59: {  	_ =	shalt  }
0x5a: {  	_ =	shalt  }
0x5b: {  	_ =	shalt  }
0x5c: {  	_ =	shalt  }
0x5d: {  	_ =	shalt  }
0x5e: {  	_ =	shalt  }
0x5f: {  	_ =	shalt  }
0x60: {  	_ =	shalt  }
0x61: {  	_ =	shalt  }
0x62: {  	_ =	shalt  }
0x63: {  	_ =	shalt  }
0x64: {  	_ =	shalt  }
0x65: {  	_ =	shalt  }
0x66: {  	_ =	shalt  }
0x67: {  	_ =	shalt  }
0x68: {  	_ =	shalt  }
0x69: {  	_ =	shalt  }
0x6a: {  	_ =	shalt  }
0x6b: {  	_ =	shalt  }
0x6c: {  	_ =	shalt  }
0x6d: {  	_ =	shalt  }
0x6e: {  	_ =	shalt  }
0x6f: {  	_ =	shalt  }
0x70: {  	_ =	shalt  }
0x71: {  	_ =	shalt  }
0x72: {  	_ =	shalt  }
0x73: {  	_ =	shalt  }
0x74: {  	_ =	shalt  }
0x75: {  	_ =	shalt  }
0x76: {  	_ =	shalt  }
0x77: {  	_ =	shalt  }
0x78: {  	_ =	shalt  }
0x79: {  	_ =	shalt  }
0x7a: {  	_ =	shalt  }
0x7b: {  	_ =	shalt  }
0x7c: {  	_ =	shalt  }
0x7d: {  	_ =	shalt  }
0x7e: {  	_ =	shalt  }
0x7f: {  	_ =	shalt  }
0x80: {  	_ =	shalt  }
0x81: {  	_ =	shalt  }
0x82: {  	_ =	shalt  }
0x83: {  	_ =	shalt  }
0x84: {  	_ =	shalt  }
0x85: {  	_ =	shalt  }
0x86: {  	_ =	shalt  }
0x87: {  	_ =	shalt  }
.Lfunc_end0:
.L_simem_size_0:
called_computation_lowered:
.L_overlay_start_0:
0x88: {  	s2 =	sld [smem:$0x3FD9]  }
0x89: {  	s3 =	sld [smem:$0x3FFE];
	_ =	sdelay $0x1  }
0x8a: {  	s1 =	srdreg.scid  }
0x8b: {  	s0 =	sand.u32 $0x1, s1  }
0x8c: {  	s16 =	sshll.u32 s0, $0xA;
	s2 =	sadd.s32 s3, s2  }
0x8d: {  	s2 =	sadd.s32 s2, s16  }
0x8e: {  	[smem:$0x3FC2] =	sst s2  }
0x8f: {  	_ = 	snop  }
0x90: {  	(tm) =	ssettm $0x1  }
0x91: {  	s17 =	sld [smem:$0x3FFB];
	_ =	sdelay $0x3  }
0x92: {  	_ =	strace s17  }
0x93: {  	s2 =	sld [smem:$0x3FFC];
	_ =	sdelay $0x3  }
0x94: {  	_ =	strace s2  }
0x95: {  	s2 =	sld [smem:$0x3FFD];
	_ =	sdelay $0x3  }
0x96: {  	_ =	strace s2  }
0x97: {  	_ =	strace $0x8FFFFFFF  }
0x98: {  	s18 =	sld [smem:$0x3FDB];
	_ =	sdelay $0x1  }
0x99: {  	s19 =	simm.s32 $_scs_section_size  }
0x9a: {  	s4 =	simm.s32 $_size__tile_overlayer_lowered;
	s5 =	simm.s32 $_tile_overlayer_lowered  }
0x9b: {  	s22 =	simm.s32 $0x1BFF;
	s21 =	sshll.u32 s5, $0x1;
	s2 =	sadd.s32 s19, s18  }
0x9c: {  	s6 =	simm.s32 $0x0;
	s20 =	sshll.u32 s4, $0x1;
	s4 =	sadd.s32 s21, s2  }
0x9d: {  	[timem:s6], [sflag:s22] =	dma.local [hbm:s4], s20  }
0x9e: {  	_ =	swait.ge [sflag:s22], s20  }
0x9f: {  	s3 =	ssub.s32 $0x0, s20;
	[sflag:s22] =	ssyncset.done $0x0  }
0xa0: {  	[sflag:s22] =	ssyncadd.s32 s3;
	_ =	sdelay $0x1  }
0xa1: {  	s23 =	simm.s32 $0x1B8B  }
0xa2: {  	_ =	swait.ge [sflag:s23], $0x1  }
0xa3: {  	[sflag:s23] =	ssyncset.done $0x0  }
0xa4: {  	s25 =	simm.s32 $0x1B8E;
	s24 =	sld [smem:$0x3FFE];
	[sflag:s23] =	ssyncadd.s32 $0xFFFFFFFF  }
0xa5: {  	s26 =	simm.s32 $execute0_lowered;
	[smem:$0x3FD2] =	sst s25  }
0xa6: {  	s4 =	sshll.u32 s26, $0x1;
	_ =	strace $0x80000046;
	[dreg:$0x1] =	wrdreg $0xFFFFFFFF  }
0xa7: {  	s28 =	simm.s32 $_size_execute0_lowered;
	s2 =	sadd.s32 s2, s4;
	[dreg:$0x0] =	wrdreg $0x0  }
0xa8: {  	s4 =	sshll.u32 s28, $0x1;
	[dreg:$0x2] =	wrdreg s2  }
0xa9: {  	[dreg:$0x3] =	wrdreg s4  }
0xaa: {  	[dreg:$0x4] =	wrdreg $0xC0  }
0xab: {  	_ =	task [dreg:s6], $0x5FFFF  }
0xac: {  	[dreg:$0x1] =	wrdreg $0xFFFFFFFF  }
0xad: {  	[dreg:$0x0] =	wrdreg $0x60  }
0xae: {  	[dreg:$0x2] =	wrdreg s24  }
0xaf: {  	[dreg:$0x3] =	wrdreg $0x9  }
0xb0: {  	_ =	task.clear_ibuf [dreg:s6], $0x4FFFF;
	_ =	strace $0x90000046  }
0xb1: {  	s29 =	simm.s32 $0x9;
	_ =	strace $0x80000048  }
0xb2: {  	_ =	swait.ge [sflag:s29], $0x1  }
0xb3: {  	[sflag:s29] =	ssyncadd.s32 $0xFFFFFFFF  }
0xb4: {  	_ =	strace $0x90000048  }
0xb5: {  	_ =	sfence  }
0xb6: {  	s30 =	sld [smem:$0x0];
	_ =	sdelay $0x2  }
0xb7: {  	s31 =	sshll.u32 s1, $0xD;
	s1 =	sshrl.u32 s1, $0x2  }
0xb8: {  	s3 =	sand.u32 $0x4000, s31;
	s1 =	sadd.s32 s1, s30  }
0xb9: {  	s0 =	sor.u32 s3, s0;
	s1 =	sshll.u32 s1, $0x11  }
0xba: {  	s0 =	sor.u32 s1, s0  }
0xbb: {  	s0 =	sadd.s32 $0x8F2B, s0  }
0xbc: {  	[sflag:s0] =	ssyncadd.remote.s32 $0x1  }
0xbd: {  	_ =	sfence.sel $0xFFFF  }
0xbe: {  	[dreg:$0x0] =	wrdreg $0xFFFFFFFF;
	(pc) =	sbr.abs _section_cstart, $3  }
0xbf: {  	[dreg:$0x1] =	wrdreg $0xFFFFFFFF  }
0xc0: {  	_ =	task.clear_ibuf [dreg:s6], $0x2FFFF;
	_ =	strace $0x9FFFFFFF  }
0xc1: {  	(tm) =	ssettm $0x7FFFFFFF  }
tec
execute0_lowered:
.L_overlay_start_1:
0x0: {  	(tag) =	ssettag $0x1  }
0x1: {  	s3 =	rddreg [dreg:$0x0]  }
0x2: {  	s0 =	rddreg [dreg:$0x1];
	s1 =	stileid.u32  }
0x3: {  	s4 =	srdreg.scid;
	s5 =	smul.u32 $0xA00, s1  }
0x4: {  	s2 =	simm.s32 $0x0;
	s4 =	sand.u32 $0x1, s4;
	s29 =	smul.u32 $0xA000, s1  }
0x5: {  	[smem:$0x7FF] =	sst s2;
	s6 =	smul.u32 $0x500, s4  }
0x6: {  	_ =	strace $0x80000047;
	s7 =	ssub.s32 $0x2, s4;
	s9 =	smul.u32 $0x5000, s4  }
0x7: {  	s8 =	sshrl.u32 s7, $0x1;
	s30 =	sadd.s32 s29, s3;
	s5 =	sadd.s32 s6, s5  }
0x8: {  	s31 =	ssub.s32 s7, s8;
	s7 =	simm.s32 $0x2;
	s5 =	sshrl.u32 s5, $0x3  }
0x9: {  	s8 =	simm.s32 $0x80;
	s4 =	smax.u32 s31, $0x1;
	s10 =	sadd.s32 s5, s3  }
0xa: {  	s3 =	sadd.s32 $0x30FE00, s3;
	s5 =	sadd.s32 s9, s30;
	s9 =	simm.s32 $0x1  }
0xb: {  	s5 =	sadd.s32 $0x3E00, s5;
	s6 =	sadd.s32 $0x2A00, s10;
	s10 =	simm.s32 $0x0  }
.LBB2_1:
0xc: {  	s11 =	sadd.s32 $0x0, s6  }
0xd: {  	[tilespmem:s2], [sflag:$0x2] =	stream.linear.gather [hbm4b:s11+s2], $0x80, $0x38;
	[tilespmem:$0x4080] =	vst v63  }
0xe: {  	_ =	swait.ge [sflag:s7], $0x80  }
0xf: {  	[sflag:s7] =	ssyncset.done $0x0  }
0x10: {  	[sflag:s7] =	ssyncadd.s32 $0xFFFFFF80  }
0x11: {  	[tilespmem:s8], [sflag:$0x1] =	stream.indirect.gather [hbm4b:s3+s8], $0x80, s2, s8, $0xb8;
	[tilespmem:$0x4080] =	vst v63  }
0x12: {  	_ =	swait.ge [sflag:s9], $0x4000  }
0x13: {  	[sflag:s9] =	ssyncset.done $0x0  }
0x14: {  	[sflag:s9] =	ssyncadd.s32 $0xFFFFC000  }
0x15: {  	[hbm4b:s5+s2] =	stream.linear.scatter [tilespmem:s8], [sflag:$0x2], $0x4000, $0x38;
	[tilespmem:$0x4080] =	vst v63  }
0x16: {  	s12 =	simm.s32 $0x10;
	_ =	swait.ge [sflag:s7], $0x4000  }
0x17: {  	s13 =	simm.s32 $0x20;
	s11 =	sadd.s32 $0x800, s5;
	[sflag:s7] =	ssyncset.done $0x0  }
.LBB2_2:
0x18: {  	s14 =	sadd.s32 s12, s6  }
0x19: {  	[sflag:s7] =	ssyncadd.s32 $0xFFFFC000;
	s12 =	smov.u32 s13;
	s15 =	sadd.s32 $0x10, s13  }
0x1a: {  	[tilespmem:s2], [sflag:$0x2] =	stream.linear.gather [hbm4b:s14+s2], $0x80, $0x38;
	[tilespmem:$0x4080] =	vst v63  }
0x1b: {  	p0 =	sne.s32 s13, $0x90;
	_ =	swait.ge [sflag:s7], $0x80  }
0x1c: {  	[sflag:s7] =	ssyncset.done $0x0  }
0x1d: {  	[sflag:s7] =	ssyncadd.s32 $0xFFFFFF80  }
0x1e: {  	[tilespmem:s8], [sflag:$0x1] =	stream.indirect.gather [hbm4b:s3+s8], $0x80, s2, s8, $0xb8;
	[tilespmem:$0x4080] =	vst v63  }
0x1f: {  	_ =	swait.ge [sflag:s9], $0x4000  }
.Ltmp0:
0x20: {  	[sflag:s9] =	ssyncset.done $0x0;
	(pc) =	sbr.rel @p0 .LBB2_2-.Ltmp0, $4  }
0x21: {  	[sflag:s9] =	ssyncadd.s32 $0xFFFFC000  }
0x22: {  	[hbm4b:s11+s2] =	stream.linear.scatter [tilespmem:s8], [sflag:$0x2], $0x4000, $0x38;
	[tilespmem:$0x4080] =	vst v63  }
0x23: {  	_ =	swait.ge [sflag:s7], $0x4000  }
0x24: {  	s13 =	smov.u32 s15;
	s11 =	sadd.s32 $0x800, s11;
	[sflag:s7] =	ssyncset.done $0x0  }
0x25: {  	s12 =	sadd.s32 s12, s6;
	[sflag:s7] =	ssyncadd.s32 $0xFFFFC000  }
0x26: {  	[tilespmem:s2], [sflag:$0x2] =	stream.linear.gather [hbm4b:s12+s2], $0x80, $0x38;
	[tilespmem:$0x4080] =	vst v63  }
0x27: {  	_ =	swait.ge [sflag:s7], $0x80  }
0x28: {  	[sflag:s7] =	ssyncset.done $0x0  }
0x29: {  	[sflag:s7] =	ssyncadd.s32 $0xFFFFFF80  }
0x2a: {  	[tilespmem:s8], [sflag:$0x1] =	stream.indirect.gather [hbm4b:s3+s8], $0x80, s2, s8, $0xb8;
	[tilespmem:$0x4080] =	vst v63  }
0x2b: {  	s10 =	sadd.s32 $0x1, s10;
	_ =	swait.ge [sflag:s9], $0x4000  }
0x2c: {  	p0 =	sne.s32 s10, s4;
	[sflag:s9] =	ssyncset.done $0x0  }
.Ltmp1:
0x2d: {  	[sflag:s9] =	ssyncadd.s32 $0xFFFFC000;
	(pc) =	sbr.rel @p0 .LBB2_1-.Ltmp1, $4  }
0x2e: {  	[hbm4b:s11+s2] =	stream.linear.scatter [tilespmem:s8], [sflag:$0x2], $0x4000, $0x38;
	[tilespmem:$0x4080] =	vst v63  }
0x2f: {  	_ =	swait.ge [sflag:s7], $0x4000  }
0x30: {  	[sflag:s7] =	ssyncset.done $0x0  }
0x31: {  	[sflag:s7] =	ssyncadd.s32 $0xFFFFC000  }
0x32: {  	_ =	sfence.sel $0x180000  }
0x33: {  	[bflag:$0x0] =	sbarrier.arrive $0xFFFF  }
0x34: {  	p0 =	sne.s32 s1, $0x0;
	_ =	strace $0x90000047  }
0x35: {  	s0 =	sadd.s32 @!p0 $0x100000, s0;
	[bflag:$0x2] =	sbarrier.arrive $0xFFFF  }
0x36: {  	[sflag:s0] =	ssyncadd.tile.s32 @!p0 $0x1;
	_ =	shalt  }
.Lfunc_end2:
_tile_overlayer_lowered:
.L_overlay_start_2:
0x37: {  	(tag) =	ssettag $0x2  }
0x38: {  	s0 =	rddreg [dreg:$0x0];
	s2 =	stileid.u32  }
0x39: {  	s1 =	rddreg [dreg:$0x1];
	p0 =	sne.s32 s2, $0x0  }
0x3a: {  	s3 =	rddreg [dreg:$0x2];
	[bflag:$0x3] =	sbarrier.arrive $0xFFFF;
	s2 =	simm.s32 @!p0 $0x1C02  }
0x3b: {  	[timem:s3], [sflag:s2] =	dma.local @!p0 [hbm:s0], s1  }
0x3c: {  	s0 =	simm.s32 @!p0 $0x2  }
0x3d: {  	_ =	swait.ge @!p0 [sflag:s0], s1  }
0x3e: {  	s1 =	ssub.s32 @!p0 $0x0, s1;
	[sflag:s0] =	ssyncset.done @!p0 $0x0  }
0x3f: {  	[sflag:s0] =	ssyncadd.s32 @!p0 s1  }
0x40: {  	[bflag:$0x3] =	sbarrier.arrive $0xFFFF  }
0x41: {  	_ =	shalt  }

// kernel: kernel.16.cloned.1.call-start
scs
__scs_entry_jumppad:
0x0: {  	(pc) =	sbr.rel $0x88, $3  }
0x1: {  	(tag) =	ssettag $0x0;
	lr =	simm.s32 $0x1  }
0x2: {  	[smem:$0x3F9B] =	sst lr;
	_ =	strace $0xD0000000  }
0x3: {  	_ = 	snop  }
0x4: {  	_ = 	snop  }
0x5: {  	_ = 	snop  }
0x6: {  	_ = 	snop  }
0x7: {  	_ = 	snop  }
__scs_overlays_trampoline_lowered:
0x8: {  	[smem:$0x3FAA] =	sst s0  }
0x9: {  	[smem:$0x3FAB] =	sst s1  }
0xa: {  	[smem:$0x3FAC] =	sst s2  }
0xb: {  	[smem:$0x3FAD] =	sst s3  }
0xc: {  	[smem:$0x3FAE] =	sst s4  }
0xd: {  	[smem:$0x3FAF] =	sst s5  }
0xe: {  	[smem:$0x3FB0] =	sst s6  }
0xf: {  	[smem:$0x3FB1] =	sst s7  }
0x10: {  	[smem:$0x3FB2] =	sst s8  }
0x11: {  	[smem:$0x3FB3] =	sst s9;
	s0 =	simm.s32 @!p0 $0x0  }
0x12: {  	s1 =	sld [smem:$0x3F99];
	s0 =	simm.s32 @p0 $0x1  }
0x13: {  	[smem:$0x3FB4] =	sst s0;
	s0 =	simm.s32 @!p1 $0x0  }
0x14: {  	s2 =	sld [smem:$0x3F98];
	s0 =	simm.s32 @p1 $0x1  }
0x15: {  	[smem:$0x3FB5] =	sst s0;
	s0 =	simm.s32 @!p2 $0x0  }
0x16: {  	s3 =	sld [smem:$0x3FDB];
	s0 =	simm.s32 @p2 $0x1  }
0x17: {  	s4 =	simm.s32 $0x1BF5;
	[smem:$0x3FB7] =	sst s0  }
0x18: {  	s0 =	sld [smem:$0x3F9A];
	_ =	swait.ge [sflag:s4], $0x0  }
0x19: {  	s7 =	sld [smem:$0x3F9B]  }
0x1a: {  	s8 =	sadd.s32 $0xFFFFE003, lr  }
0x1b: {  	s9 =	sadd.s32 $0xFFFFFEF7, lr;
	s5 =	simm.s32 $0xFFFFFFFF;
	p2 =	slt.u32 s8, $0xFFFFF086  }
0x1c: {  	p1 =	slt.u32 s9, $0xF7A;
	s5 =	simm.s32 @!p2 $0x0  }
0x1d: {  	s5 =	simm.s32 @p1 $0x1;
	p0 =	seq.s32 s7, s2  }
0x1e: {  	s7 =	smul.u32 @!p0 $0xF7A, s2;
	p2 =	seq.s32 @!p0 s5, $0x0  }
0x1f: {  	s9 =	smul.u32 $0xF7A, s1;
	s8 =	simm.s32 @!p0 $0x1BF5;
	p2 =	por !p2, p0  }
0x20: {  	[sflag:s8] =	ssyncset.s32 @!p0 $0xFFFFF086;
	s6 =	sadd.s32 @!p0 s3, s7;
	s7 =	simm.s32 @!p0 $0x108  }
0x21: {  	s3 =	sadd.s32 s3, s9;
	s6 =	sadd.s32 @!p0 $0x88, s6;
	s7 =	simm.s32 @p2 $0x1082  }
0x22: {  	[simem:s7], [sflag:s8] =	dma.local @!p0 [hbm:s6], $0xF7A  }
0x23: {  	s9 =	sor.u32 $0xD0000000, s2;
	s6 =	simm.s32 $0x108;
	_ =	swait.ge @!p0 [sflag:s8], $0x0  }
0x24: {  	s3 =	sadd.s32 $0x88, s3;
	s6 =	simm.s32 @!p1 $0x1082;
	[sflag:s4] =	ssyncset.s32 $0xFFFFF086  }
0x25: {  	[simem:s6], [sflag:s4] =	dma.local [hbm:s3], $0xF7A  }
0x26: {  	[smem:$0x3F9B] =	sst s1;
	(tag) =	ssettag s2;
	_ =	strace s9  }
0x27: {  	s1 =	sld [smem:$0x3FAB]  }
0x28: {  	s2 =	sld [smem:$0x3FAC]  }
0x29: {  	s4 =	sld [smem:$0x3FAE]  }
0x2a: {  	p0 =	seq.s32 s5, $0x0;
	s5 =	sld [smem:$0x3FAF]  }
0x2b: {  	s6 =	sld [smem:$0x3FB0]  }
0x2c: {  	s7 =	sld [smem:$0x3FB1]  }
0x2d: {  	s3 =	simm.s32 $0x108;
	s8 =	sld [smem:$0x3FB2]  }
0x2e: {  	s3 =	simm.s32 @!p0 $0x1082;
	s9 =	sld [smem:$0x3FB3]  }
0x2f: {  	lr =	sadd.s32 s0, s3;
	s0 =	sld [smem:$0x3FAA]  }
0x30: {  	s3 =	sld [smem:$0x3FAD]  }
0x31: {  	[smem:$0x3FB6] =	sst s10  }
0x32: {  	s10 =	sld [smem:$0x3FB4];
	_ =	sdelay $0x3  }
0x33: {  	p0 =	seq.s32 s10, $0x1;
	s10 =	sld [smem:$0x3FB6];
	_ =	sdelay $0x3  }
0x34: {  	[smem:$0x3FB6] =	sst s10  }
0x35: {  	s10 =	sld [smem:$0x3FB5];
	_ =	sdelay $0x3  }
0x36: {  	p1 =	seq.s32 s10, $0x1;
	s10 =	sld [smem:$0x3FB6];
	_ =	sdelay $0x3  }
0x37: {  	[smem:$0x3FB6] =	sst s10  }
0x38: {  	s10 =	sld [smem:$0x3FB7]  }
0x39: {  	_ = 	snop;
	(pc) =	sbr.ind lr, $3  }
0x3a: {  	_ = 	snop  }
0x3b: {  	_ = 	snop  }
0x3c: {  	p2 =	seq.s32 s10, $0x1;
	s10 =	sld [smem:$0x3FB6]  }
0x3d: {  	_ =	shalt  }
0x3e: {  	_ =	shalt  }
0x3f: {  	_ =	shalt  }
0x40: {  	_ =	shalt  }
0x41: {  	_ =	shalt  }
0x42: {  	_ =	shalt  }
0x43: {  	_ =	shalt  }
0x44: {  	_ =	shalt  }
0x45: {  	_ =	shalt  }
0x46: {  	_ =	shalt  }
0x47: {  	_ =	shalt  }
0x48: {  	_ =	shalt  }
0x49: {  	_ =	shalt  }
0x4a: {  	_ =	shalt  }
0x4b: {  	_ =	shalt  }
0x4c: {  	_ =	shalt  }
0x4d: {  	_ =	shalt  }
0x4e: {  	_ =	shalt  }
0x4f: {  	_ =	shalt  }
0x50: {  	_ =	shalt  }
0x51: {  	_ =	shalt  }
0x52: {  	_ =	shalt  }
0x53: {  	_ =	shalt  }
0x54: {  	_ =	shalt  }
0x55: {  	_ =	shalt  }
0x56: {  	_ =	shalt  }
0x57: {  	_ =	shalt  }
0x58: {  	_ =	shalt  }
0x59: {  	_ =	shalt  }
0x5a: {  	_ =	shalt  }
0x5b: {  	_ =	shalt  }
0x5c: {  	_ =	shalt  }
0x5d: {  	_ =	shalt  }
0x5e: {  	_ =	shalt  }
0x5f: {  	_ =	shalt  }
0x60: {  	_ =	shalt  }
0x61: {  	_ =	shalt  }
0x62: {  	_ =	shalt  }
0x63: {  	_ =	shalt  }
0x64: {  	_ =	shalt  }
0x65: {  	_ =	shalt  }
0x66: {  	_ =	shalt  }
0x67: {  	_ =	shalt  }
0x68: {  	_ =	shalt  }
0x69: {  	_ =	shalt  }
0x6a: {  	_ =	shalt  }
0x6b: {  	_ =	shalt  }
0x6c: {  	_ =	shalt  }
0x6d: {  	_ =	shalt  }
0x6e: {  	_ =	shalt  }
0x6f: {  	_ =	shalt  }
0x70: {  	_ =	shalt  }
0x71: {  	_ =	shalt  }
0x72: {  	_ =	shalt  }
0x73: {  	_ =	shalt  }
0x74: {  	_ =	shalt  }
0x75: {  	_ =	shalt  }
0x76: {  	_ =	shalt  }
0x77: {  	_ =	shalt  }
0x78: {  	_ =	shalt  }
0x79: {  	_ =	shalt  }
0x7a: {  	_ =	shalt  }
0x7b: {  	_ =	shalt  }
0x7c: {  	_ =	shalt  }
0x7d: {  	_ =	shalt  }
0x7e: {  	_ =	shalt  }
0x7f: {  	_ =	shalt  }
0x80: {  	_ =	shalt  }
0x81: {  	_ =	shalt  }
0x82: {  	_ =	shalt  }
0x83: {  	_ =	shalt  }
0x84: {  	_ =	shalt  }
0x85: {  	_ =	shalt  }
0x86: {  	_ =	shalt  }
0x87: {  	_ =	shalt  }
.Lfunc_end0:
.L_simem_size_0:
called_computation.1_lowered:
.L_overlay_start_0:
0x88: {  	s2 =	sld [smem:$0x3FD9]  }
0x89: {  	s3 =	sld [smem:$0x3FFE];
	_ =	sdelay $0x1  }
0x8a: {  	s1 =	srdreg.scid  }
0x8b: {  	s0 =	sand.u32 $0x1, s1  }
0x8c: {  	s15 =	sshll.u32 s0, $0xA;
	s2 =	sadd.s32 s3, s2  }
0x8d: {  	s2 =	sadd.s32 s2, s15  }
0x8e: {  	[smem:$0x3FC2] =	sst s2  }
0x8f: {  	_ = 	snop  }
0x90: {  	s2 =	sld [smem:$0x3FD0];
	_ =	sdelay $0x2  }
0x91: {  	s16 =	simm.s32 $0xE;
	s4 =	simm.s32 $0x10  }
0x92: {  	[smem:s4], [sflag:s16] =	dma.local [hbm:s2], $0x1  }
0x93: {  	_ =	swait.eq [sflag:s16], $0x1  }
0x94: {  	[sflag:s16] =	ssyncset.done $0x0  }
0x95: {  	[sflag:s16] =	ssyncadd.s32 $0xFFFFFFFF  }
0x96: {  	s17 =	sld [smem:$0x11];
	(tm) =	ssettm $0x1  }
0x97: {  	s18 =	sld [smem:$0x3FFB];
	_ =	sdelay $0x3  }
0x98: {  	_ =	strace s18  }
0x99: {  	s2 =	sld [smem:$0x3FFC];
	_ =	sdelay $0x3  }
0x9a: {  	_ =	strace s2  }
0x9b: {  	s2 =	sld [smem:$0x3FFD];
	_ =	sdelay $0x3  }
0x9c: {  	_ =	strace s2  }
0x9d: {  	_ =	strace $0x8FFFFFFF  }
0x9e: {  	s19 =	sld [smem:$0x3FDB];
	_ =	sdelay $0x1  }
0x9f: {  	s20 =	simm.s32 $_scs_section_size  }
0xa0: {  	s5 =	simm.s32 $_size__tile_overlayer_lowered;
	s6 =	simm.s32 $_tile_overlayer_lowered  }
0xa1: {  	s7 =	simm.s32 $0x1BFF;
	s21 =	sshll.u32 s6, $0x1;
	s4 =	sadd.s32 s20, s19  }
0xa2: {  	s22 =	simm.s32 $0x0;
	s5 =	sshll.u32 s5, $0x1;
	s6 =	sadd.s32 s21, s4  }
0xa3: {  	[timem:s22], [sflag:s7] =	dma.local [hbm:s6], s5  }
0xa4: {  	_ =	swait.ge [sflag:s7], s5  }
0xa5: {  	s5 =	ssub.s32 $0x0, s5;
	[sflag:s7] =	ssyncset.done $0x0  }
0xa6: {  	[sflag:s7] =	ssyncadd.s32 s5;
	_ =	sdelay $0x1  }
0xa7: {  	s23 =	simm.s32 $0x1B8B  }
0xa8: {  	_ =	swait.ge [sflag:s23], $0x1  }
0xa9: {  	[sflag:s23] =	ssyncset.done $0x0  }
0xaa: {  	[sflag:s23] =	ssyncadd.s32 $0xFFFFFFFF  }
0xab: {  	s5 =	sld [smem:$0x0]  }
0xac: {  	s6 =	sand.u32 $0xFFFFFFFE, s1  }
0xad: {  	p0 =	sne.s32 s1, s6  }
0xae: {  	s6 =	sshll.u32 @p0 s6, $0xE  }
0xaf: {  	s6 =	sadd.s32 @p0 $0x11B8D, s6;
	s7 =	sshll.u32 @p0 s5, $0x11  }
0xb0: {  	s6 =	sor.u32 @p0 s7, s6  }
0xb1: {  	[sflag:s6] =	ssyncadd.remote.s32 @p0 $0x1;
	_ =	sdelay $0x1  }
0xb2: {  	s6 =	simm.s32 @p0 $0x1B8D  }
0xb3: {  	_ =	swait.eq @p0 [sflag:s6], $0x1  }
0xb4: {  	[sflag:s6] =	ssyncadd.s32 @p0 $0xFFFFFFFF  }
0xb5: {  	s7 =	sshll.u32 @!p0 s1, $0xE  }
0xb6: {  	s7 =	sor.u32 @!p0 $0x4000, s7;
	s6 =	simm.s32 @!p0 $0x1B8D  }
0xb7: {  	s5 =	sshll.u32 @!p0 s5, $0x11;
	s7 =	sadd.s32 @!p0 $0x11B8D, s7;
	_ =	swait.eq @!p0 [sflag:s6], $0x1  }
0xb8: {  	s5 =	sor.u32 @!p0 s5, s7;
	[sflag:s6] =	ssyncadd.s32 @!p0 $0xFFFFFFFF  }
0xb9: {  	s25 =	simm.s32 $0x1B8E;
	s24 =	sld [smem:$0x3FFE];
	[sflag:s5] =	ssyncadd.remote.s32 @!p0 $0x1  }
0xba: {  	s26 =	simm.s32 $execute0_lowered;
	[smem:$0x3FD2] =	sst s25  }
0xbb: {  	s6 =	sshll.u32 s26, $0x1;
	_ =	strace $0x80000049;
	[dreg:$0x1] =	wrdreg $0xFFFFFFFF  }
0xbc: {  	s28 =	simm.s32 $_size_execute0_lowered;
	s4 =	sadd.s32 s4, s6;
	[dreg:$0x0] =	wrdreg $0x0  }
0xbd: {  	s6 =	sshll.u32 s28, $0x1;
	[dreg:$0x2] =	wrdreg s4  }
0xbe: {  	[dreg:$0x3] =	wrdreg s6  }
0xbf: {  	[dreg:$0x4] =	wrdreg $0xC0  }
0xc0: {  	_ =	task [dreg:s22], $0x5FFFF  }
0xc1: {  	[dreg:$0x1] =	wrdreg $0xFFFFFFFF  }
0xc2: {  	[dreg:$0x0] =	wrdreg $0x60  }
0xc3: {  	[dreg:$0x2] =	wrdreg s17  }
0xc4: {  	[dreg:$0x3] =	wrdreg s24  }
0xc5: {  	[dreg:$0x4] =	wrdreg $0xA  }
0xc6: {  	_ =	task.clear_ibuf [dreg:s22], $0x5FFFF;
	_ =	strace $0x90000049  }
0xc7: {  	s29 =	simm.s32 $0xA;
	_ =	strace $0x8000004B  }
0xc8: {  	_ =	swait.ge [sflag:s29], $0x1  }
0xc9: {  	[sflag:s29] =	ssyncadd.s32 $0xFFFFFFFF  }
0xca: {  	_ =	strace $0x9000004B  }
0xcb: {  	_ =	sfence  }
0xcc: {  	s30 =	sld [smem:$0x0];
	_ =	sdelay $0x2  }
0xcd: {  	s31 =	sshll.u32 s1, $0xD;
	s1 =	sshrl.u32 s1, $0x2  }
0xce: {  	s4 =	sand.u32 $0x4000, s31;
	s1 =	sadd.s32 s1, s30  }
0xcf: {  	s0 =	sor.u32 s4, s0;
	s1 =	sshll.u32 s1, $0x11  }
0xd0: {  	s0 =	sor.u32 s1, s0  }
0xd1: {  	s0 =	sadd.s32 $0x8F2B, s0  }
0xd2: {  	[sflag:s0] =	ssyncadd.remote.s32 $0x1  }
0xd3: {  	_ =	sfence.sel $0xFFFF  }
0xd4: {  	[dreg:$0x0] =	wrdreg $0xFFFFFFFF;
	(pc) =	sbr.abs _section_cstart, $3  }
0xd5: {  	[dreg:$0x1] =	wrdreg $0xFFFFFFFF  }
0xd6: {  	_ =	task.clear_ibuf [dreg:s22], $0x2FFFF;
	_ =	strace $0x9FFFFFFF  }
0xd7: {  	(tm) =	ssettm $0x7FFFFFFF  }
tec
execute0_lowered:
.L_overlay_start_1:
0x0: {  	(tag) =	ssettag $0x1  }
0x1: {  	s6 =	rddreg [dreg:$0x0]  }
0x2: {  	s3 =	rddreg [dreg:$0x1]  }
0x3: {  	s0 =	rddreg [dreg:$0x2];
	s1 =	stileid.u32  }
0x4: {  	s2 =	simm.s32 $0x0;
	s5 =	srdreg.scid;
	s4 =	smul.u32 $0xA000, s1  }
0x5: {  	[smem:$0x7FF] =	sst s2;
	s5 =	sand.u32 $0x1, s5;
	s7 =	smul.u32 $0xA00, s1  }
0x6: {  	_ =	strace $0x8000004A;
	s8 =	ssub.s32 $0x2, s5;
	s9 =	smul.u32 $0x500, s5  }
0x7: {  	s5 =	smul.u32 $0x5000, s5;
	s10 =	sadd.s32 s4, s3;
	s31 =	sshrl.u32 s8, $0x1  }
0x8: {  	s3 =	sadd.s32 $0x30FE00, s3;
	s4 =	ssub.s32 s8, s31;
	s7 =	sadd.s32 s9, s7  }
0x9: {  	s5 =	sadd.s32 s5, s10;
	s8 =	simm.s32 $0x80;
	s9 =	simm.s32 $0x1  }
0xa: {  	s10 =	simm.s32 $0x0;
	s4 =	smax.u32 s4, $0x1;
	s7 =	sshrl.u32 s7, $0x3  }
0xb: {  	s5 =	sadd.s32 $0xA6600, s5;
	s6 =	sadd.s32 s7, s6;
	s7 =	simm.s32 $0x2  }
.LBB2_1:
0xc: {  	s11 =	sadd.s32 $0x0, s6  }
0xd: {  	[tilespmem:s2], [sflag:$0x2] =	stream.linear.gather [hbm4b:s11+s2], $0x80, $0x38;
	[tilespmem:$0x4080] =	vst v63  }
0xe: {  	_ =	swait.ge [sflag:s7], $0x80  }
0xf: {  	[sflag:s7] =	ssyncset.done $0x0  }
0x10: {  	[sflag:s7] =	ssyncadd.s32 $0xFFFFFF80  }
0x11: {  	[tilespmem:s8], [sflag:$0x1] =	stream.indirect.gather [hbm4b:s3+s8], $0x80, s2, s8, $0xb8;
	[tilespmem:$0x4080] =	vst v63  }
0x12: {  	_ =	swait.ge [sflag:s9], $0x4000  }
0x13: {  	[sflag:s9] =	ssyncset.done $0x0  }
0x14: {  	[sflag:s9] =	ssyncadd.s32 $0xFFFFC000  }
0x15: {  	[hbm4b:s5+s2] =	stream.linear.scatter [tilespmem:s8], [sflag:$0x2], $0x4000, $0x38;
	[tilespmem:$0x4080] =	vst v63  }
0x16: {  	s12 =	simm.s32 $0x10;
	_ =	swait.ge [sflag:s7], $0x4000  }
0x17: {  	s13 =	simm.s32 $0x20;
	s11 =	sadd.s32 $0x800, s5;
	[sflag:s7] =	ssyncset.done $0x0  }
.LBB2_2:
0x18: {  	s14 =	sadd.s32 s12, s6  }
0x19: {  	[sflag:s7] =	ssyncadd.s32 $0xFFFFC000;
	s12 =	smov.u32 s13;
	s15 =	sadd.s32 $0x10, s13  }
0x1a: {  	[tilespmem:s2], [sflag:$0x2] =	stream.linear.gather [hbm4b:s14+s2], $0x80, $0x38;
	[tilespmem:$0x4080] =	vst v63  }
0x1b: {  	p0 =	sne.s32 s13, $0x90;
	_ =	swait.ge [sflag:s7], $0x80  }
0x1c: {  	[sflag:s7] =	ssyncset.done $0x0  }
0x1d: {  	[sflag:s7] =	ssyncadd.s32 $0xFFFFFF80  }
0x1e: {  	[tilespmem:s8], [sflag:$0x1] =	stream.indirect.gather [hbm4b:s3+s8], $0x80, s2, s8, $0xb8;
	[tilespmem:$0x4080] =	vst v63  }
0x1f: {  	_ =	swait.ge [sflag:s9], $0x4000  }
.Ltmp0:
0x20: {  	[sflag:s9] =	ssyncset.done $0x0;
	(pc) =	sbr.rel @p0 .LBB2_2-.Ltmp0, $4  }
0x21: {  	[sflag:s9] =	ssyncadd.s32 $0xFFFFC000  }
0x22: {  	[hbm4b:s11+s2] =	stream.linear.scatter [tilespmem:s8], [sflag:$0x2], $0x4000, $0x38;
	[tilespmem:$0x4080] =	vst v63  }
0x23: {  	_ =	swait.ge [sflag:s7], $0x4000  }
0x24: {  	s13 =	smov.u32 s15;
	s11 =	sadd.s32 $0x800, s11;
	[sflag:s7] =	ssyncset.done $0x0  }
0x25: {  	s12 =	sadd.s32 s12, s6;
	[sflag:s7] =	ssyncadd.s32 $0xFFFFC000  }
0x26: {  	[tilespmem:s2], [sflag:$0x2] =	stream.linear.gather [hbm4b:s12+s2], $0x80, $0x38;
	[tilespmem:$0x4080] =	vst v63  }
0x27: {  	_ =	swait.ge [sflag:s7], $0x80  }
0x28: {  	[sflag:s7] =	ssyncset.done $0x0  }
0x29: {  	[sflag:s7] =	ssyncadd.s32 $0xFFFFFF80  }
0x2a: {  	[tilespmem:s8], [sflag:$0x1] =	stream.indirect.gather [hbm4b:s3+s8], $0x80, s2, s8, $0xb8;
	[tilespmem:$0x4080] =	vst v63  }
0x2b: {  	s10 =	sadd.s32 $0x1, s10;
	_ =	swait.ge [sflag:s9], $0x4000  }
0x2c: {  	p0 =	sne.s32 s10, s4;
	[sflag:s9] =	ssyncset.done $0x0  }
.Ltmp1:
0x2d: {  	[sflag:s9] =	ssyncadd.s32 $0xFFFFC000;
	(pc) =	sbr.rel @p0 .LBB2_1-.Ltmp1, $4  }
0x2e: {  	[hbm4b:s11+s2] =	stream.linear.scatter [tilespmem:s8], [sflag:$0x2], $0x4000, $0x38;
	[tilespmem:$0x4080] =	vst v63  }
0x2f: {  	_ =	swait.ge [sflag:s7], $0x4000  }
0x30: {  	[sflag:s7] =	ssyncset.done $0x0  }
0x31: {  	[sflag:s7] =	ssyncadd.s32 $0xFFFFC000  }
0x32: {  	_ =	sfence.sel $0x180000  }
0x33: {  	[bflag:$0x0] =	sbarrier.arrive $0xFFFF  }
0x34: {  	p0 =	sne.s32 s1, $0x0;
	_ =	strace $0x9000004A  }
0x35: {  	s0 =	sadd.s32 @!p0 $0x100000, s0;
	[bflag:$0x2] =	sbarrier.arrive $0xFFFF  }
0x36: {  	[sflag:s0] =	ssyncadd.tile.s32 @!p0 $0x1;
	_ =	shalt  }
.Lfunc_end2:
_tile_overlayer_lowered:
.L_overlay_start_2:
0x37: {  	(tag) =	ssettag $0x2  }
0x38: {  	s0 =	rddreg [dreg:$0x0];
	s2 =	stileid.u32  }
0x39: {  	s1 =	rddreg [dreg:$0x1];
	p0 =	sne.s32 s2, $0x0  }
0x3a: {  	s3 =	rddreg [dreg:$0x2];
	[bflag:$0x3] =	sbarrier.arrive $0xFFFF;
	s2 =	simm.s32 @!p0 $0x1C02  }
0x3b: {  	[timem:s3], [sflag:s2] =	dma.local @!p0 [hbm:s0], s1  }
0x3c: {  	s0 =	simm.s32 @!p0 $0x2  }
0x3d: {  	_ =	swait.ge @!p0 [sflag:s0], s1  }
0x3e: {  	s1 =	ssub.s32 @!p0 $0x0, s1;
	[sflag:s0] =	ssyncset.done @!p0 $0x0  }
0x3f: {  	[sflag:s0] =	ssyncadd.s32 @!p0 s1  }
0x40: {  	[bflag:$0x3] =	sbarrier.arrive $0xFFFF  }
0x41: {  	_ =	shalt  }

// kernel: kernel.19.cloned.1.call-start
scs
__scs_entry_jumppad:
0x0: {  	(pc) =	sbr.rel $0x88, $3  }
0x1: {  	(tag) =	ssettag $0x0;
	lr =	simm.s32 $0x1  }
0x2: {  	[smem:$0x3F9B] =	sst lr;
	_ =	strace $0xD0000000  }
0x3: {  	_ = 	snop  }
0x4: {  	_ = 	snop  }
0x5: {  	_ = 	snop  }
0x6: {  	_ = 	snop  }
0x7: {  	_ = 	snop  }
__scs_overlays_trampoline_lowered:
0x8: {  	[smem:$0x3FAA] =	sst s0  }
0x9: {  	[smem:$0x3FAB] =	sst s1  }
0xa: {  	[smem:$0x3FAC] =	sst s2  }
0xb: {  	[smem:$0x3FAD] =	sst s3  }
0xc: {  	[smem:$0x3FAE] =	sst s4  }
0xd: {  	[smem:$0x3FAF] =	sst s5  }
0xe: {  	[smem:$0x3FB0] =	sst s6  }
0xf: {  	[smem:$0x3FB1] =	sst s7  }
0x10: {  	[smem:$0x3FB2] =	sst s8  }
0x11: {  	[smem:$0x3FB3] =	sst s9;
	s0 =	simm.s32 @!p0 $0x0  }
0x12: {  	s1 =	sld [smem:$0x3F99];
	s0 =	simm.s32 @p0 $0x1  }
0x13: {  	[smem:$0x3FB4] =	sst s0;
	s0 =	simm.s32 @!p1 $0x0  }
0x14: {  	s2 =	sld [smem:$0x3F98];
	s0 =	simm.s32 @p1 $0x1  }
0x15: {  	[smem:$0x3FB5] =	sst s0;
	s0 =	simm.s32 @!p2 $0x0  }
0x16: {  	s3 =	sld [smem:$0x3FDB];
	s0 =	simm.s32 @p2 $0x1  }
0x17: {  	s4 =	simm.s32 $0x1BF5;
	[smem:$0x3FB7] =	sst s0  }
0x18: {  	s0 =	sld [smem:$0x3F9A];
	_ =	swait.ge [sflag:s4], $0x0  }
0x19: {  	s7 =	sld [smem:$0x3F9B]  }
0x1a: {  	s8 =	sadd.s32 $0xFFFFE003, lr  }
0x1b: {  	s9 =	sadd.s32 $0xFFFFFEF7, lr;
	s5 =	simm.s32 $0xFFFFFFFF;
	p2 =	slt.u32 s8, $0xFFFFF086  }
0x1c: {  	p1 =	slt.u32 s9, $0xF7A;
	s5 =	simm.s32 @!p2 $0x0  }
0x1d: {  	s5 =	simm.s32 @p1 $0x1;
	p0 =	seq.s32 s7, s2  }
0x1e: {  	s7 =	smul.u32 @!p0 $0xF7A, s2;
	p2 =	seq.s32 @!p0 s5, $0x0  }
0x1f: {  	s9 =	smul.u32 $0xF7A, s1;
	s8 =	simm.s32 @!p0 $0x1BF5;
	p2 =	por !p2, p0  }
0x20: {  	[sflag:s8] =	ssyncset.s32 @!p0 $0xFFFFF086;
	s6 =	sadd.s32 @!p0 s3, s7;
	s7 =	simm.s32 @!p0 $0x108  }
0x21: {  	s3 =	sadd.s32 s3, s9;
	s6 =	sadd.s32 @!p0 $0x88, s6;
	s7 =	simm.s32 @p2 $0x1082  }
0x22: {  	[simem:s7], [sflag:s8] =	dma.local @!p0 [hbm:s6], $0xF7A  }
0x23: {  	s9 =	sor.u32 $0xD0000000, s2;
	s6 =	simm.s32 $0x108;
	_ =	swait.ge @!p0 [sflag:s8], $0x0  }
0x24: {  	s3 =	sadd.s32 $0x88, s3;
	s6 =	simm.s32 @!p1 $0x1082;
	[sflag:s4] =	ssyncset.s32 $0xFFFFF086  }
0x25: {  	[simem:s6], [sflag:s4] =	dma.local [hbm:s3], $0xF7A  }
0x26: {  	[smem:$0x3F9B] =	sst s1;
	(tag) =	ssettag s2;
	_ =	strace s9  }
0x27: {  	s1 =	sld [smem:$0x3FAB]  }
0x28: {  	s2 =	sld [smem:$0x3FAC]  }
0x29: {  	s4 =	sld [smem:$0x3FAE]  }
0x2a: {  	p0 =	seq.s32 s5, $0x0;
	s5 =	sld [smem:$0x3FAF]  }
0x2b: {  	s6 =	sld [smem:$0x3FB0]  }
0x2c: {  	s7 =	sld [smem:$0x3FB1]  }
0x2d: {  	s3 =	simm.s32 $0x108;
	s8 =	sld [smem:$0x3FB2]  }
0x2e: {  	s3 =	simm.s32 @!p0 $0x1082;
	s9 =	sld [smem:$0x3FB3]  }
0x2f: {  	lr =	sadd.s32 s0, s3;
	s0 =	sld [smem:$0x3FAA]  }
0x30: {  	s3 =	sld [smem:$0x3FAD]  }
0x31: {  	[smem:$0x3FB6] =	sst s10  }
0x32: {  	s10 =	sld [smem:$0x3FB4];
	_ =	sdelay $0x3  }
0x33: {  	p0 =	seq.s32 s10, $0x1;
	s10 =	sld [smem:$0x3FB6];
	_ =	sdelay $0x3  }
0x34: {  	[smem:$0x3FB6] =	sst s10  }
0x35: {  	s10 =	sld [smem:$0x3FB5];
	_ =	sdelay $0x3  }
0x36: {  	p1 =	seq.s32 s10, $0x1;
	s10 =	sld [smem:$0x3FB6];
	_ =	sdelay $0x3  }
0x37: {  	[smem:$0x3FB6] =	sst s10  }
0x38: {  	s10 =	sld [smem:$0x3FB7]  }
0x39: {  	_ = 	snop;
	(pc) =	sbr.ind lr, $3  }
0x3a: {  	_ = 	snop  }
0x3b: {  	_ = 	snop  }
0x3c: {  	p2 =	seq.s32 s10, $0x1;
	s10 =	sld [smem:$0x3FB6]  }
0x3d: {  	_ =	shalt  }
0x3e: {  	_ =	shalt  }
0x3f: {  	_ =	shalt  }
0x40: {  	_ =	shalt  }
0x41: {  	_ =	shalt  }
0x42: {  	_ =	shalt  }
0x43: {  	_ =	shalt  }
0x44: {  	_ =	shalt  }
0x45: {  	_ =	shalt  }
0x46: {  	_ =	shalt  }
0x47: {  	_ =	shalt  }
0x48: {  	_ =	shalt  }
0x49: {  	_ =	shalt  }
0x4a: {  	_ =	shalt  }
0x4b: {  	_ =	shalt  }
0x4c: {  	_ =	shalt  }
0x4d: {  	_ =	shalt  }
0x4e: {  	_ =	shalt  }
0x4f: {  	_ =	shalt  }
0x50: {  	_ =	shalt  }
0x51: {  	_ =	shalt  }
0x52: {  	_ =	shalt  }
0x53: {  	_ =	shalt  }
0x54: {  	_ =	shalt  }
0x55: {  	_ =	shalt  }
0x56: {  	_ =	shalt  }
0x57: {  	_ =	shalt  }
0x58: {  	_ =	shalt  }
0x59: {  	_ =	shalt  }
0x5a: {  	_ =	shalt  }
0x5b: {  	_ =	shalt  }
0x5c: {  	_ =	shalt  }
0x5d: {  	_ =	shalt  }
0x5e: {  	_ =	shalt  }
0x5f: {  	_ =	shalt  }
0x60: {  	_ =	shalt  }
0x61: {  	_ =	shalt  }
0x62: {  	_ =	shalt  }
0x63: {  	_ =	shalt  }
0x64: {  	_ =	shalt  }
0x65: {  	_ =	shalt  }
0x66: {  	_ =	shalt  }
0x67: {  	_ =	shalt  }
0x68: {  	_ =	shalt  }
0x69: {  	_ =	shalt  }
0x6a: {  	_ =	shalt  }
0x6b: {  	_ =	shalt  }
0x6c: {  	_ =	shalt  }
0x6d: {  	_ =	shalt  }
0x6e: {  	_ =	shalt  }
0x6f: {  	_ =	shalt  }
0x70: {  	_ =	shalt  }
0x71: {  	_ =	shalt  }
0x72: {  	_ =	shalt  }
0x73: {  	_ =	shalt  }
0x74: {  	_ =	shalt  }
0x75: {  	_ =	shalt  }
0x76: {  	_ =	shalt  }
0x77: {  	_ =	shalt  }
0x78: {  	_ =	shalt  }
0x79: {  	_ =	shalt  }
0x7a: {  	_ =	shalt  }
0x7b: {  	_ =	shalt  }
0x7c: {  	_ =	shalt  }
0x7d: {  	_ =	shalt  }
0x7e: {  	_ =	shalt  }
0x7f: {  	_ =	shalt  }
0x80: {  	_ =	shalt  }
0x81: {  	_ =	shalt  }
0x82: {  	_ =	shalt  }
0x83: {  	_ =	shalt  }
0x84: {  	_ =	shalt  }
0x85: {  	_ =	shalt  }
0x86: {  	_ =	shalt  }
0x87: {  	_ =	shalt  }
.Lfunc_end0:
.L_simem_size_0:
called_computation.2_lowered:
.L_overlay_start_0:
0x88: {  	s2 =	sld [smem:$0x3FD9]  }
0x89: {  	s3 =	sld [smem:$0x3FFE];
	_ =	sdelay $0x1  }
0x8a: {  	s1 =	srdreg.scid  }
0x8b: {  	s0 =	sand.u32 $0x1, s1  }
0x8c: {  	s15 =	sshll.u32 s0, $0xA;
	s2 =	sadd.s32 s3, s2  }
0x8d: {  	s2 =	sadd.s32 s2, s15  }
0x8e: {  	[smem:$0x3FC2] =	sst s2  }
0x8f: {  	_ = 	snop  }
0x90: {  	s2 =	sld [smem:$0x3FD0];
	_ =	sdelay $0x2  }
0x91: {  	s16 =	simm.s32 $0xE;
	s4 =	simm.s32 $0x10  }
0x92: {  	[smem:s4], [sflag:s16] =	dma.local [hbm:s2], $0x1  }
0x93: {  	_ =	swait.eq [sflag:s16], $0x1  }
0x94: {  	[sflag:s16] =	ssyncset.done $0x0  }
0x95: {  	[sflag:s16] =	ssyncadd.s32 $0xFFFFFFFF  }
0x96: {  	s17 =	sld [smem:$0x10];
	(tm) =	ssettm $0x1  }
0x97: {  	s18 =	sld [smem:$0x3FFB];
	_ =	sdelay $0x3  }
0x98: {  	_ =	strace s18  }
0x99: {  	s2 =	sld [smem:$0x3FFC];
	_ =	sdelay $0x3  }
0x9a: {  	_ =	strace s2  }
0x9b: {  	s2 =	sld [smem:$0x3FFD];
	_ =	sdelay $0x3  }
0x9c: {  	_ =	strace s2  }
0x9d: {  	_ =	strace $0x8FFFFFFF  }
0x9e: {  	s19 =	sld [smem:$0x3FDB];
	_ =	sdelay $0x1  }
0x9f: {  	s20 =	simm.s32 $_scs_section_size  }
0xa0: {  	s5 =	simm.s32 $_size__tile_overlayer_lowered;
	s6 =	simm.s32 $_tile_overlayer_lowered  }
0xa1: {  	s7 =	simm.s32 $0x1BFF;
	s21 =	sshll.u32 s6, $0x1;
	s4 =	sadd.s32 s20, s19  }
0xa2: {  	s22 =	simm.s32 $0x0;
	s5 =	sshll.u32 s5, $0x1;
	s6 =	sadd.s32 s21, s4  }
0xa3: {  	[timem:s22], [sflag:s7] =	dma.local [hbm:s6], s5  }
0xa4: {  	_ =	swait.ge [sflag:s7], s5  }
0xa5: {  	s5 =	ssub.s32 $0x0, s5;
	[sflag:s7] =	ssyncset.done $0x0  }
0xa6: {  	[sflag:s7] =	ssyncadd.s32 s5;
	_ =	sdelay $0x1  }
0xa7: {  	s23 =	simm.s32 $0x1B8B  }
0xa8: {  	_ =	swait.ge [sflag:s23], $0x1  }
0xa9: {  	[sflag:s23] =	ssyncset.done $0x0  }
0xaa: {  	[sflag:s23] =	ssyncadd.s32 $0xFFFFFFFF  }
0xab: {  	s5 =	sld [smem:$0x0]  }
0xac: {  	s6 =	sand.u32 $0xFFFFFFFE, s1  }
0xad: {  	p0 =	sne.s32 s1, s6  }
0xae: {  	s6 =	sshll.u32 @p0 s6, $0xE  }
0xaf: {  	s6 =	sadd.s32 @p0 $0x11B8D, s6;
	s7 =	sshll.u32 @p0 s5, $0x11  }
0xb0: {  	s6 =	sor.u32 @p0 s7, s6  }
0xb1: {  	[sflag:s6] =	ssyncadd.remote.s32 @p0 $0x1;
	_ =	sdelay $0x1  }
0xb2: {  	s6 =	simm.s32 @p0 $0x1B8D  }
0xb3: {  	_ =	swait.eq @p0 [sflag:s6], $0x1  }
0xb4: {  	[sflag:s6] =	ssyncadd.s32 @p0 $0xFFFFFFFF  }
0xb5: {  	s7 =	sshll.u32 @!p0 s1, $0xE  }
0xb6: {  	s7 =	sor.u32 @!p0 $0x4000, s7;
	s6 =	simm.s32 @!p0 $0x1B8D  }
0xb7: {  	s5 =	sshll.u32 @!p0 s5, $0x11;
	s7 =	sadd.s32 @!p0 $0x11B8D, s7;
	_ =	swait.eq @!p0 [sflag:s6], $0x1  }
0xb8: {  	s5 =	sor.u32 @!p0 s5, s7;
	[sflag:s6] =	ssyncadd.s32 @!p0 $0xFFFFFFFF  }
0xb9: {  	s25 =	simm.s32 $0x1B8E;
	s24 =	sld [smem:$0x3FFE];
	[sflag:s5] =	ssyncadd.remote.s32 @!p0 $0x1  }
0xba: {  	s26 =	simm.s32 $execute0_lowered;
	[smem:$0x3FD2] =	sst s25  }
0xbb: {  	s6 =	sshll.u32 s26, $0x1;
	_ =	strace $0x8000004C;
	[dreg:$0x1] =	wrdreg $0xFFFFFFFF  }
0xbc: {  	s28 =	simm.s32 $_size_execute0_lowered;
	s4 =	sadd.s32 s4, s6;
	[dreg:$0x0] =	wrdreg $0x0  }
0xbd: {  	s6 =	sshll.u32 s28, $0x1;
	[dreg:$0x2] =	wrdreg s4  }
0xbe: {  	[dreg:$0x3] =	wrdreg s6  }
0xbf: {  	[dreg:$0x4] =	wrdreg $0xC0  }
0xc0: {  	_ =	task [dreg:s22], $0x5FFFF  }
0xc1: {  	[dreg:$0x1] =	wrdreg $0xFFFFFFFF  }
0xc2: {  	[dreg:$0x0] =	wrdreg $0x60  }
0xc3: {  	[dreg:$0x2] =	wrdreg s17  }
0xc4: {  	[dreg:$0x3] =	wrdreg s24  }
0xc5: {  	[dreg:$0x4] =	wrdreg $0xB  }
0xc6: {  	_ =	task.clear_ibuf [dreg:s22], $0x5FFFF;
	_ =	strace $0x9000004C  }
0xc7: {  	s29 =	simm.s32 $0xB;
	_ =	strace $0x8000004E  }
0xc8: {  	_ =	swait.ge [sflag:s29], $0x1  }
0xc9: {  	[sflag:s29] =	ssyncadd.s32 $0xFFFFFFFF  }
0xca: {  	_ =	strace $0x9000004E  }
0xcb: {  	_ =	sfence  }
0xcc: {  	s30 =	sld [smem:$0x0];
	_ =	sdelay $0x2  }
0xcd: {  	s31 =	sshll.u32 s1, $0xD;
	s1 =	sshrl.u32 s1, $0x2  }
0xce: {  	s4 =	sand.u32 $0x4000, s31;
	s1 =	sadd.s32 s1, s30  }
0xcf: {  	s0 =	sor.u32 s4, s0;
	s1 =	sshll.u32 s1, $0x11  }
0xd0: {  	s0 =	sor.u32 s1, s0  }
0xd1: {  	s0 =	sadd.s32 $0x8F2B, s0  }
0xd2: {  	[sflag:s0] =	ssyncadd.remote.s32 $0x1  }
0xd3: {  	_ =	sfence.sel $0xFFFF  }
0xd4: {  	[dreg:$0x0] =	wrdreg $0xFFFFFFFF;
	(pc) =	sbr.abs _section_cstart, $3  }
0xd5: {  	[dreg:$0x1] =	wrdreg $0xFFFFFFFF  }
0xd6: {  	_ =	task.clear_ibuf [dreg:s22], $0x2FFFF;
	_ =	strace $0x9FFFFFFF  }
0xd7: {  	(tm) =	ssettm $0x7FFFFFFF  }
tec
execute0_lowered:
.L_overlay_start_1:
0x0: {  	(tag) =	ssettag $0x1  }
0x1: {  	s6 =	rddreg [dreg:$0x0]  }
0x2: {  	s3 =	rddreg [dreg:$0x1]  }
0x3: {  	s0 =	rddreg [dreg:$0x2];
	s1 =	stileid.u32  }
0x4: {  	s2 =	simm.s32 $0x0;
	s5 =	srdreg.scid;
	s4 =	smul.u32 $0xA000, s1  }
0x5: {  	[smem:$0x7FF] =	sst s2;
	s5 =	sand.u32 $0x1, s5;
	s7 =	smul.u32 $0xA00, s1  }
0x6: {  	_ =	strace $0x8000004D;
	s8 =	ssub.s32 $0x2, s5;
	s9 =	smul.u32 $0x500, s5  }
0x7: {  	s5 =	smul.u32 $0x5000, s5;
	s10 =	sadd.s32 s4, s3;
	s31 =	sshrl.u32 s8, $0x1  }
0x8: {  	s3 =	sadd.s32 $0x30FE00, s3;
	s4 =	ssub.s32 s8, s31;
	s7 =	sadd.s32 s9, s7  }
0x9: {  	s5 =	sadd.s32 s5, s10;
	s8 =	simm.s32 $0x80;
	s9 =	simm.s32 $0x1  }
0xa: {  	s10 =	simm.s32 $0x0;
	s4 =	smax.u32 s4, $0x1;
	s7 =	sshrl.u32 s7, $0x3  }
0xb: {  	s5 =	sadd.s32 $0x146600, s5;
	s6 =	sadd.s32 s7, s6;
	s7 =	simm.s32 $0x2  }
.LBB2_1:
0xc: {  	s11 =	sadd.s32 $0x0, s6  }
0xd: {  	[tilespmem:s2], [sflag:$0x2] =	stream.linear.gather [hbm4b:s11+s2], $0x80, $0x38;
	[tilespmem:$0x4080] =	vst v63  }
0xe: {  	_ =	swait.ge [sflag:s7], $0x80  }
0xf: {  	[sflag:s7] =	ssyncset.done $0x0  }
0x10: {  	[sflag:s7] =	ssyncadd.s32 $0xFFFFFF80  }
0x11: {  	[tilespmem:s8], [sflag:$0x1] =	stream.indirect.gather [hbm4b:s3+s8], $0x80, s2, s8, $0xb8;
	[tilespmem:$0x4080] =	vst v63  }
0x12: {  	_ =	swait.ge [sflag:s9], $0x4000  }
0x13: {  	[sflag:s9] =	ssyncset.done $0x0  }
0x14: {  	[sflag:s9] =	ssyncadd.s32 $0xFFFFC000  }
0x15: {  	[hbm4b:s5+s2] =	stream.linear.scatter [tilespmem:s8], [sflag:$0x2], $0x4000, $0x38;
	[tilespmem:$0x4080] =	vst v63  }
0x16: {  	s12 =	simm.s32 $0x10;
	_ =	swait.ge [sflag:s7], $0x4000  }
0x17: {  	s13 =	simm.s32 $0x20;
	s11 =	sadd.s32 $0x800, s5;
	[sflag:s7] =	ssyncset.done $0x0  }
.LBB2_2:
0x18: {  	s14 =	sadd.s32 s12, s6  }
0x19: {  	[sflag:s7] =	ssyncadd.s32 $0xFFFFC000;
	s12 =	smov.u32 s13;
	s15 =	sadd.s32 $0x10, s13  }
0x1a: {  	[tilespmem:s2], [sflag:$0x2] =	stream.linear.gather [hbm4b:s14+s2], $0x80, $0x38;
	[tilespmem:$0x4080] =	vst v63  }
0x1b: {  	p0 =	sne.s32 s13, $0x90;
	_ =	swait.ge [sflag:s7], $0x80  }
0x1c: {  	[sflag:s7] =	ssyncset.done $0x0  }
0x1d: {  	[sflag:s7] =	ssyncadd.s32 $0xFFFFFF80  }
0x1e: {  	[tilespmem:s8], [sflag:$0x1] =	stream.indirect.gather [hbm4b:s3+s8], $0x80, s2, s8, $0xb8;
	[tilespmem:$0x4080] =	vst v63  }
0x1f: {  	_ =	swait.ge [sflag:s9], $0x4000  }
.Ltmp0:
0x20: {  	[sflag:s9] =	ssyncset.done $0x0;
	(pc) =	sbr.rel @p0 .LBB2_2-.Ltmp0, $4  }
0x21: {  	[sflag:s9] =	ssyncadd.s32 $0xFFFFC000  }
0x22: {  	[hbm4b:s11+s2] =	stream.linear.scatter [tilespmem:s8], [sflag:$0x2], $0x4000, $0x38;
	[tilespmem:$0x4080] =	vst v63  }
0x23: {  	_ =	swait.ge [sflag:s7], $0x4000  }
0x24: {  	s13 =	smov.u32 s15;
	s11 =	sadd.s32 $0x800, s11;
	[sflag:s7] =	ssyncset.done $0x0  }
0x25: {  	s12 =	sadd.s32 s12, s6;
	[sflag:s7] =	ssyncadd.s32 $0xFFFFC000  }
0x26: {  	[tilespmem:s2], [sflag:$0x2] =	stream.linear.gather [hbm4b:s12+s2], $0x80, $0x38;
	[tilespmem:$0x4080] =	vst v63  }
0x27: {  	_ =	swait.ge [sflag:s7], $0x80  }
0x28: {  	[sflag:s7] =	ssyncset.done $0x0  }
0x29: {  	[sflag:s7] =	ssyncadd.s32 $0xFFFFFF80  }
0x2a: {  	[tilespmem:s8], [sflag:$0x1] =	stream.indirect.gather [hbm4b:s3+s8], $0x80, s2, s8, $0xb8;
	[tilespmem:$0x4080] =	vst v63  }
0x2b: {  	s10 =	sadd.s32 $0x1, s10;
	_ =	swait.ge [sflag:s9], $0x4000  }
0x2c: {  	p0 =	sne.s32 s10, s4;
	[sflag:s9] =	ssyncset.done $0x0  }
.Ltmp1:
0x2d: {  	[sflag:s9] =	ssyncadd.s32 $0xFFFFC000;
	(pc) =	sbr.rel @p0 .LBB2_1-.Ltmp1, $4  }
0x2e: {  	[hbm4b:s11+s2] =	stream.linear.scatter [tilespmem:s8], [sflag:$0x2], $0x4000, $0x38;
	[tilespmem:$0x4080] =	vst v63  }
0x2f: {  	_ =	swait.ge [sflag:s7], $0x4000  }
0x30: {  	[sflag:s7] =	ssyncset.done $0x0  }
0x31: {  	[sflag:s7] =	ssyncadd.s32 $0xFFFFC000  }
0x32: {  	_ =	sfence.sel $0x180000  }
0x33: {  	[bflag:$0x0] =	sbarrier.arrive $0xFFFF  }
0x34: {  	p0 =	sne.s32 s1, $0x0;
	_ =	strace $0x9000004D  }
0x35: {  	s0 =	sadd.s32 @!p0 $0x100000, s0;
	[bflag:$0x2] =	sbarrier.arrive $0xFFFF  }
0x36: {  	[sflag:s0] =	ssyncadd.tile.s32 @!p0 $0x1;
	_ =	shalt  }
.Lfunc_end2:
_tile_overlayer_lowered:
.L_overlay_start_2:
0x37: {  	(tag) =	ssettag $0x2  }
0x38: {  	s0 =	rddreg [dreg:$0x0];
	s2 =	stileid.u32  }
0x39: {  	s1 =	rddreg [dreg:$0x1];
	p0 =	sne.s32 s2, $0x0  }
0x3a: {  	s3 =	rddreg [dreg:$0x2];
	[bflag:$0x3] =	sbarrier.arrive $0xFFFF;
	s2 =	simm.s32 @!p0 $0x1C02  }
0x3b: {  	[timem:s3], [sflag:s2] =	dma.local @!p0 [hbm:s0], s1  }
0x3c: {  	s0 =	simm.s32 @!p0 $0x2  }
0x3d: {  	_ =	swait.ge @!p0 [sflag:s0], s1  }
0x3e: {  	s1 =	ssub.s32 @!p0 $0x0, s1;
	[sflag:s0] =	ssyncset.done @!p0 $0x0  }
0x3f: {  	[sflag:s0] =	ssyncadd.s32 @!p0 s1  }
0x40: {  	[bflag:$0x3] =	sbarrier.arrive $0xFFFF  }
0x41: {  	_ =	shalt  }

// kernel: kernel.22.cloned.1.call-start
scs
__scs_entry_jumppad:
0x0: {  	(pc) =	sbr.rel $0x88, $3  }
0x1: {  	(tag) =	ssettag $0x0;
	lr =	simm.s32 $0x1  }
0x2: {  	[smem:$0x3F9B] =	sst lr;
	_ =	strace $0xD0000000  }
0x3: {  	_ = 	snop  }
0x4: {  	_ = 	snop  }
0x5: {  	_ = 	snop  }
0x6: {  	_ = 	snop  }
0x7: {  	_ = 	snop  }
__scs_overlays_trampoline_lowered:
0x8: {  	[smem:$0x3FAA] =	sst s0  }
0x9: {  	[smem:$0x3FAB] =	sst s1  }
0xa: {  	[smem:$0x3FAC] =	sst s2  }
0xb: {  	[smem:$0x3FAD] =	sst s3  }
0xc: {  	[smem:$0x3FAE] =	sst s4  }
0xd: {  	[smem:$0x3FAF] =	sst s5  }
0xe: {  	[smem:$0x3FB0] =	sst s6  }
0xf: {  	[smem:$0x3FB1] =	sst s7  }
0x10: {  	[smem:$0x3FB2] =	sst s8  }
0x11: {  	[smem:$0x3FB3] =	sst s9;
	s0 =	simm.s32 @!p0 $0x0  }
0x12: {  	s1 =	sld [smem:$0x3F99];
	s0 =	simm.s32 @p0 $0x1  }
0x13: {  	[smem:$0x3FB4] =	sst s0;
	s0 =	simm.s32 @!p1 $0x0  }
0x14: {  	s2 =	sld [smem:$0x3F98];
	s0 =	simm.s32 @p1 $0x1  }
0x15: {  	[smem:$0x3FB5] =	sst s0;
	s0 =	simm.s32 @!p2 $0x0  }
0x16: {  	s3 =	sld [smem:$0x3FDB];
	s0 =	simm.s32 @p2 $0x1  }
0x17: {  	s4 =	simm.s32 $0x1BF5;
	[smem:$0x3FB7] =	sst s0  }
0x18: {  	s0 =	sld [smem:$0x3F9A];
	_ =	swait.ge [sflag:s4], $0x0  }
0x19: {  	s7 =	sld [smem:$0x3F9B]  }
0x1a: {  	s8 =	sadd.s32 $0xFFFFE003, lr  }
0x1b: {  	s9 =	sadd.s32 $0xFFFFFEF7, lr;
	s5 =	simm.s32 $0xFFFFFFFF;
	p2 =	slt.u32 s8, $0xFFFFF086  }
0x1c: {  	p1 =	slt.u32 s9, $0xF7A;
	s5 =	simm.s32 @!p2 $0x0  }
0x1d: {  	s5 =	simm.s32 @p1 $0x1;
	p0 =	seq.s32 s7, s2  }
0x1e: {  	s7 =	smul.u32 @!p0 $0xF7A, s2;
	p2 =	seq.s32 @!p0 s5, $0x0  }
0x1f: {  	s9 =	smul.u32 $0xF7A, s1;
	s8 =	simm.s32 @!p0 $0x1BF5;
	p2 =	por !p2, p0  }
0x20: {  	[sflag:s8] =	ssyncset.s32 @!p0 $0xFFFFF086;
	s6 =	sadd.s32 @!p0 s3, s7;
	s7 =	simm.s32 @!p0 $0x108  }
0x21: {  	s3 =	sadd.s32 s3, s9;
	s6 =	sadd.s32 @!p0 $0x88, s6;
	s7 =	simm.s32 @p2 $0x1082  }
0x22: {  	[simem:s7], [sflag:s8] =	dma.local @!p0 [hbm:s6], $0xF7A  }
0x23: {  	s9 =	sor.u32 $0xD0000000, s2;
	s6 =	simm.s32 $0x108;
	_ =	swait.ge @!p0 [sflag:s8], $0x0  }
0x24: {  	s3 =	sadd.s32 $0x88, s3;
	s6 =	simm.s32 @!p1 $0x1082;
	[sflag:s4] =	ssyncset.s32 $0xFFFFF086  }
0x25: {  	[simem:s6], [sflag:s4] =	dma.local [hbm:s3], $0xF7A  }
0x26: {  	[smem:$0x3F9B] =	sst s1;
	(tag) =	ssettag s2;
	_ =	strace s9  }
0x27: {  	s1 =	sld [smem:$0x3FAB]  }
0x28: {  	s2 =	sld [smem:$0x3FAC]  }
0x29: {  	s4 =	sld [smem:$0x3FAE]  }
0x2a: {  	p0 =	seq.s32 s5, $0x0;
	s5 =	sld [smem:$0x3FAF]  }
0x2b: {  	s6 =	sld [smem:$0x3FB0]  }
0x2c: {  	s7 =	sld [smem:$0x3FB1]  }
0x2d: {  	s3 =	simm.s32 $0x108;
	s8 =	sld [smem:$0x3FB2]  }
0x2e: {  	s3 =	simm.s32 @!p0 $0x1082;
	s9 =	sld [smem:$0x3FB3]  }
0x2f: {  	lr =	sadd.s32 s0, s3;
	s0 =	sld [smem:$0x3FAA]  }
0x30: {  	s3 =	sld [smem:$0x3FAD]  }
0x31: {  	[smem:$0x3FB6] =	sst s10  }
0x32: {  	s10 =	sld [smem:$0x3FB4];
	_ =	sdelay $0x3  }
0x33: {  	p0 =	seq.s32 s10, $0x1;
	s10 =	sld [smem:$0x3FB6];
	_ =	sdelay $0x3  }
0x34: {  	[smem:$0x3FB6] =	sst s10  }
0x35: {  	s10 =	sld [smem:$0x3FB5];
	_ =	sdelay $0x3  }
0x36: {  	p1 =	seq.s32 s10, $0x1;
	s10 =	sld [smem:$0x3FB6];
	_ =	sdelay $0x3  }
0x37: {  	[smem:$0x3FB6] =	sst s10  }
0x38: {  	s10 =	sld [smem:$0x3FB7]  }
0x39: {  	_ = 	snop;
	(pc) =	sbr.ind lr, $3  }
0x3a: {  	_ = 	snop  }
0x3b: {  	_ = 	snop  }
0x3c: {  	p2 =	seq.s32 s10, $0x1;
	s10 =	sld [smem:$0x3FB6]  }
0x3d: {  	_ =	shalt  }
0x3e: {  	_ =	shalt  }
0x3f: {  	_ =	shalt  }
0x40: {  	_ =	shalt  }
0x41: {  	_ =	shalt  }
0x42: {  	_ =	shalt  }
0x43: {  	_ =	shalt  }
0x44: {  	_ =	shalt  }
0x45: {  	_ =	shalt  }
0x46: {  	_ =	shalt  }
0x47: {  	_ =	shalt  }
0x48: {  	_ =	shalt  }
0x49: {  	_ =	shalt  }
0x4a: {  	_ =	shalt  }
0x4b: {  	_ =	shalt  }
0x4c: {  	_ =	shalt  }
0x4d: {  	_ =	shalt  }
0x4e: {  	_ =	shalt  }
0x4f: {  	_ =	shalt  }
0x50: {  	_ =	shalt  }
0x51: {  	_ =	shalt  }
0x52: {  	_ =	shalt  }
0x53: {  	_ =	shalt  }
0x54: {  	_ =	shalt  }
0x55: {  	_ =	shalt  }
0x56: {  	_ =	shalt  }
0x57: {  	_ =	shalt  }
0x58: {  	_ =	shalt  }
0x59: {  	_ =	shalt  }
0x5a: {  	_ =	shalt  }
0x5b: {  	_ =	shalt  }
0x5c: {  	_ =	shalt  }
0x5d: {  	_ =	shalt  }
0x5e: {  	_ =	shalt  }
0x5f: {  	_ =	shalt  }
0x60: {  	_ =	shalt  }
0x61: {  	_ =	shalt  }
0x62: {  	_ =	shalt  }
0x63: {  	_ =	shalt  }
0x64: {  	_ =	shalt  }
0x65: {  	_ =	shalt  }
0x66: {  	_ =	shalt  }
0x67: {  	_ =	shalt  }
0x68: {  	_ =	shalt  }
0x69: {  	_ =	shalt  }
0x6a: {  	_ =	shalt  }
0x6b: {  	_ =	shalt  }
0x6c: {  	_ =	shalt  }
0x6d: {  	_ =	shalt  }
0x6e: {  	_ =	shalt  }
0x6f: {  	_ =	shalt  }
0x70: {  	_ =	shalt  }
0x71: {  	_ =	shalt  }
0x72: {  	_ =	shalt  }
0x73: {  	_ =	shalt  }
0x74: {  	_ =	shalt  }
0x75: {  	_ =	shalt  }
0x76: {  	_ =	shalt  }
0x77: {  	_ =	shalt  }
0x78: {  	_ =	shalt  }
0x79: {  	_ =	shalt  }
0x7a: {  	_ =	shalt  }
0x7b: {  	_ =	shalt  }
0x7c: {  	_ =	shalt  }
0x7d: {  	_ =	shalt  }
0x7e: {  	_ =	shalt  }
0x7f: {  	_ =	shalt  }
0x80: {  	_ =	shalt  }
0x81: {  	_ =	shalt  }
0x82: {  	_ =	shalt  }
0x83: {  	_ =	shalt  }
0x84: {  	_ =	shalt  }
0x85: {  	_ =	shalt  }
0x86: {  	_ =	shalt  }
0x87: {  	_ =	shalt  }
.Lfunc_end0:
.L_simem_size_0:
called_computation.3_lowered:
.L_overlay_start_0:
0x88: {  	s2 =	sld [smem:$0x3FD9]  }
0x89: {  	s3 =	sld [smem:$0x3FFE];
	_ =	sdelay $0x1  }
0x8a: {  	s1 =	srdreg.scid  }
0x8b: {  	s0 =	sand.u32 $0x1, s1  }
0x8c: {  	s17 =	sshll.u32 s0, $0xA;
	s2 =	sadd.s32 s3, s2  }
0x8d: {  	s2 =	sadd.s32 s2, s17  }
0x8e: {  	[smem:$0x3FC2] =	sst s2  }
0x8f: {  	_ = 	snop  }
0x90: {  	(tm) =	ssettm $0x1  }
0x91: {  	s18 =	sld [smem:$0x3FFB];
	_ =	sdelay $0x3  }
0x92: {  	_ =	strace s18  }
0x93: {  	s2 =	sld [smem:$0x3FFC];
	_ =	sdelay $0x3  }
0x94: {  	_ =	strace s2  }
0x95: {  	s2 =	sld [smem:$0x3FFD];
	_ =	sdelay $0x3  }
0x96: {  	_ =	strace s2  }
0x97: {  	_ =	strace $0x8FFFFFFF  }
0x98: {  	s19 =	sld [smem:$0x3FDB];
	_ =	sdelay $0x1  }
0x99: {  	s20 =	simm.s32 $_scs_section_size  }
0x9a: {  	s4 =	simm.s32 $_size__tile_overlayer_lowered;
	s5 =	simm.s32 $_tile_overlayer_lowered  }
0x9b: {  	s6 =	simm.s32 $0x1BFF;
	s21 =	sshll.u32 s5, $0x1;
	s3 =	sadd.s32 s20, s19  }
0x9c: {  	s22 =	simm.s32 $0x0;
	s4 =	sshll.u32 s4, $0x1;
	s5 =	sadd.s32 s21, s3  }
0x9d: {  	[timem:s22], [sflag:s6] =	dma.local [hbm:s5], s4  }
0x9e: {  	_ =	swait.ge [sflag:s6], s4  }
0x9f: {  	s4 =	ssub.s32 $0x0, s4;
	[sflag:s6] =	ssyncset.done $0x0  }
0xa0: {  	[sflag:s6] =	ssyncadd.s32 s4;
	_ =	sdelay $0x1  }
0xa1: {  	s23 =	simm.s32 $0x1B8B  }
0xa2: {  	_ =	swait.ge [sflag:s23], $0x1  }
0xa3: {  	[sflag:s23] =	ssyncset.done $0x0  }
0xa4: {  	[sflag:s23] =	ssyncadd.s32 $0xFFFFFFFF  }
0xa5: {  	s4 =	sld [smem:$0x0]  }
0xa6: {  	s5 =	sand.u32 $0xFFFFFFFE, s1  }
0xa7: {  	p0 =	sne.s32 s1, s5  }
0xa8: {  	s5 =	sshll.u32 @p0 s5, $0xE  }
0xa9: {  	s5 =	sadd.s32 @p0 $0x11B8D, s5;
	s6 =	sshll.u32 @p0 s4, $0x11  }
0xaa: {  	s5 =	sor.u32 @p0 s6, s5  }
0xab: {  	[sflag:s5] =	ssyncadd.remote.s32 @p0 $0x1;
	_ =	sdelay $0x1  }
0xac: {  	s5 =	simm.s32 @p0 $0x1B8D  }
0xad: {  	_ =	swait.eq @p0 [sflag:s5], $0x1  }
0xae: {  	[sflag:s5] =	ssyncadd.s32 @p0 $0xFFFFFFFF  }
0xaf: {  	s6 =	sshll.u32 @!p0 s1, $0xE  }
0xb0: {  	s6 =	sor.u32 @!p0 $0x4000, s6;
	s5 =	simm.s32 @!p0 $0x1B8D  }
0xb1: {  	s4 =	sshll.u32 @!p0 s4, $0x11;
	s6 =	sadd.s32 @!p0 $0x11B8D, s6;
	_ =	swait.eq @!p0 [sflag:s5], $0x1  }
0xb2: {  	s4 =	sor.u32 @!p0 s4, s6;
	[sflag:s5] =	ssyncadd.s32 @!p0 $0xFFFFFFFF  }
0xb3: {  	s25 =	simm.s32 $0x1B8E;
	s24 =	sld [smem:$0x3FFE];
	[sflag:s4] =	ssyncadd.remote.s32 @!p0 $0x1  }
0xb4: {  	s26 =	simm.s32 $execute0_lowered;
	[smem:$0x3FD2] =	sst s25  }
0xb5: {  	s5 =	sshll.u32 s26, $0x1;
	_ =	strace $0x8000004F;
	[dreg:$0x1] =	wrdreg $0xFFFFFFFF  }
0xb6: {  	s28 =	simm.s32 $_size_execute0_lowered;
	s3 =	sadd.s32 s3, s5;
	[dreg:$0x0] =	wrdreg $0x0  }
0xb7: {  	s5 =	sshll.u32 s28, $0x1;
	[dreg:$0x2] =	wrdreg s3  }
0xb8: {  	[dreg:$0x3] =	wrdreg s5  }
0xb9: {  	[dreg:$0x4] =	wrdreg $0xC0  }
0xba: {  	_ =	task [dreg:s22], $0x5FFFF  }
0xbb: {  	[dreg:$0x1] =	wrdreg $0xFFFFFFFF  }
0xbc: {  	[dreg:$0x0] =	wrdreg $0x60  }
0xbd: {  	[dreg:$0x2] =	wrdreg s24  }
0xbe: {  	[dreg:$0x3] =	wrdreg $0xC  }
0xbf: {  	_ =	task.clear_ibuf [dreg:s22], $0x4FFFF;
	_ =	strace $0x9000004F  }
0xc0: {  	s29 =	simm.s32 $0xC;
	_ =	strace $0x80000051  }
0xc1: {  	_ =	swait.ge [sflag:s29], $0x1  }
0xc2: {  	[sflag:s29] =	ssyncadd.s32 $0xFFFFFFFF  }
0xc3: {  	_ =	strace $0x90000051  }
0xc4: {  	_ =	sfence  }
0xc5: {  	s30 =	sld [smem:$0x0];
	_ =	sdelay $0x2  }
0xc6: {  	s31 =	sshll.u32 s1, $0xD;
	s1 =	sshrl.u32 s1, $0x2  }
0xc7: {  	s4 =	sand.u32 $0x4000, s31;
	s1 =	sadd.s32 s1, s30  }
0xc8: {  	s0 =	sor.u32 s4, s0;
	s1 =	sshll.u32 s1, $0x11  }
0xc9: {  	s0 =	sor.u32 s1, s0  }
0xca: {  	s0 =	sadd.s32 $0x8F2B, s0  }
0xcb: {  	[sflag:s0] =	ssyncadd.remote.s32 $0x1  }
0xcc: {  	_ =	sfence.sel $0xFFFF  }
0xcd: {  	[dreg:$0x0] =	wrdreg $0xFFFFFFFF;
	(pc) =	sbr.abs _section_cstart, $3  }
0xce: {  	[dreg:$0x1] =	wrdreg $0xFFFFFFFF  }
0xcf: {  	_ =	task.clear_ibuf [dreg:s22], $0x2FFFF;
	_ =	strace $0x9FFFFFFF  }
0xd0: {  	(tm) =	ssettm $0x7FFFFFFF  }
0xd1: {  	_ =	shalt  }
tec
execute0_lowered:
.L_overlay_start_1:
0x0: {  	(tag) =	ssettag $0x1  }
0x1: {  	s3 =	rddreg [dreg:$0x0]  }
0x2: {  	s0 =	rddreg [dreg:$0x1];
	s1 =	stileid.u32  }
0x3: {  	s4 =	srdreg.scid;
	s5 =	smul.u32 $0xA00, s1  }
0x4: {  	s2 =	simm.s32 $0x0;
	s4 =	sand.u32 $0x1, s4;
	s29 =	smul.u32 $0xA000, s1  }
0x5: {  	[smem:$0x7FF] =	sst s2;
	s6 =	smul.u32 $0x500, s4  }
0x6: {  	_ =	strace $0x80000050;
	s7 =	ssub.s32 $0x2, s4;
	s9 =	smul.u32 $0x5000, s4  }
0x7: {  	s8 =	sshrl.u32 s7, $0x1;
	s30 =	sadd.s32 s29, s3;
	s5 =	sadd.s32 s6, s5  }
0x8: {  	s31 =	ssub.s32 s7, s8;
	s7 =	simm.s32 $0x2;
	s5 =	sshrl.u32 s5, $0x3  }
0x9: {  	s8 =	simm.s32 $0x80;
	s4 =	smax.u32 s31, $0x1;
	s10 =	sadd.s32 s5, s3  }
0xa: {  	s3 =	sadd.s32 $0x30FE00, s3;
	s5 =	sadd.s32 s9, s30;
	s9 =	simm.s32 $0x1  }
0xb: {  	s5 =	sadd.s32 $0x1E6600, s5;
	s6 =	sadd.s32 $0xA3E00, s10;
	s10 =	simm.s32 $0x0  }
.LBB2_1:
0xc: {  	s11 =	sadd.s32 $0x0, s6  }
0xd: {  	[tilespmem:s2], [sflag:$0x2] =	stream.linear.gather [hbm4b:s11+s2], $0x80, $0x38;
	[tilespmem:$0x4080] =	vst v63  }
0xe: {  	_ =	swait.ge [sflag:s7], $0x80  }
0xf: {  	[sflag:s7] =	ssyncset.done $0x0  }
0x10: {  	[sflag:s7] =	ssyncadd.s32 $0xFFFFFF80  }
0x11: {  	[tilespmem:s8], [sflag:$0x1] =	stream.indirect.gather [hbm4b:s3+s8], $0x80, s2, s8, $0xb8;
	[tilespmem:$0x4080] =	vst v63  }
0x12: {  	_ =	swait.ge [sflag:s9], $0x4000  }
0x13: {  	[sflag:s9] =	ssyncset.done $0x0  }
0x14: {  	[sflag:s9] =	ssyncadd.s32 $0xFFFFC000  }
0x15: {  	[hbm4b:s5+s2] =	stream.linear.scatter [tilespmem:s8], [sflag:$0x2], $0x4000, $0x38;
	[tilespmem:$0x4080] =	vst v63  }
0x16: {  	s12 =	simm.s32 $0x10;
	_ =	swait.ge [sflag:s7], $0x4000  }
0x17: {  	s13 =	simm.s32 $0x20;
	s11 =	sadd.s32 $0x800, s5;
	[sflag:s7] =	ssyncset.done $0x0  }
.LBB2_2:
0x18: {  	s14 =	sadd.s32 s12, s6  }
0x19: {  	[sflag:s7] =	ssyncadd.s32 $0xFFFFC000;
	s12 =	smov.u32 s13;
	s15 =	sadd.s32 $0x10, s13  }
0x1a: {  	[tilespmem:s2], [sflag:$0x2] =	stream.linear.gather [hbm4b:s14+s2], $0x80, $0x38;
	[tilespmem:$0x4080] =	vst v63  }
0x1b: {  	p0 =	sne.s32 s13, $0x90;
	_ =	swait.ge [sflag:s7], $0x80  }
0x1c: {  	[sflag:s7] =	ssyncset.done $0x0  }
0x1d: {  	[sflag:s7] =	ssyncadd.s32 $0xFFFFFF80  }
0x1e: {  	[tilespmem:s8], [sflag:$0x1] =	stream.indirect.gather [hbm4b:s3+s8], $0x80, s2, s8, $0xb8;
	[tilespmem:$0x4080] =	vst v63  }
0x1f: {  	_ =	swait.ge [sflag:s9], $0x4000  }
.Ltmp0:
0x20: {  	[sflag:s9] =	ssyncset.done $0x0;
	(pc) =	sbr.rel @p0 .LBB2_2-.Ltmp0, $4  }
0x21: {  	[sflag:s9] =	ssyncadd.s32 $0xFFFFC000  }
0x22: {  	[hbm4b:s11+s2] =	stream.linear.scatter [tilespmem:s8], [sflag:$0x2], $0x4000, $0x38;
	[tilespmem:$0x4080] =	vst v63  }
0x23: {  	_ =	swait.ge [sflag:s7], $0x4000  }
0x24: {  	s13 =	smov.u32 s15;
	s11 =	sadd.s32 $0x800, s11;
	[sflag:s7] =	ssyncset.done $0x0  }
0x25: {  	s12 =	sadd.s32 s12, s6;
	[sflag:s7] =	ssyncadd.s32 $0xFFFFC000  }
0x26: {  	[tilespmem:s2], [sflag:$0x2] =	stream.linear.gather [hbm4b:s12+s2], $0x80, $0x38;
	[tilespmem:$0x4080] =	vst v63  }
0x27: {  	_ =	swait.ge [sflag:s7], $0x80  }
0x28: {  	[sflag:s7] =	ssyncset.done $0x0  }
0x29: {  	[sflag:s7] =	ssyncadd.s32 $0xFFFFFF80  }
0x2a: {  	[tilespmem:s8], [sflag:$0x1] =	stream.indirect.gather [hbm4b:s3+s8], $0x80, s2, s8, $0xb8;
	[tilespmem:$0x4080] =	vst v63  }
0x2b: {  	s10 =	sadd.s32 $0x1, s10;
	_ =	swait.ge [sflag:s9], $0x4000  }
0x2c: {  	p0 =	sne.s32 s10, s4;
	[sflag:s9] =	ssyncset.done $0x0  }
.Ltmp1:
0x2d: {  	[sflag:s9] =	ssyncadd.s32 $0xFFFFC000;
	(pc) =	sbr.rel @p0 .LBB2_1-.Ltmp1, $4  }
0x2e: {  	[hbm4b:s11+s2] =	stream.linear.scatter [tilespmem:s8], [sflag:$0x2], $0x4000, $0x38;
	[tilespmem:$0x4080] =	vst v63  }
0x2f: {  	_ =	swait.ge [sflag:s7], $0x4000  }
0x30: {  	[sflag:s7] =	ssyncset.done $0x0  }
0x31: {  	[sflag:s7] =	ssyncadd.s32 $0xFFFFC000  }
0x32: {  	_ =	sfence.sel $0x180000  }
0x33: {  	[bflag:$0x0] =	sbarrier.arrive $0xFFFF  }
0x34: {  	p0 =	sne.s32 s1, $0x0;
	_ =	strace $0x90000050  }
0x35: {  	s0 =	sadd.s32 @!p0 $0x100000, s0;
	[bflag:$0x2] =	sbarrier.arrive $0xFFFF  }
0x36: {  	[sflag:s0] =	ssyncadd.tile.s32 @!p0 $0x1;
	_ =	shalt  }
.Lfunc_end2:
_tile_overlayer_lowered:
.L_overlay_start_2:
0x37: {  	(tag) =	ssettag $0x2  }
0x38: {  	s0 =	rddreg [dreg:$0x0];
	s2 =	stileid.u32  }
0x39: {  	s1 =	rddreg [dreg:$0x1];
	p0 =	sne.s32 s2, $0x0  }
0x3a: {  	s3 =	rddreg [dreg:$0x2];
	[bflag:$0x3] =	sbarrier.arrive $0xFFFF;
	s2 =	simm.s32 @!p0 $0x1C02  }
0x3b: {  	[timem:s3], [sflag:s2] =	dma.local @!p0 [hbm:s0], s1  }
0x3c: {  	s0 =	simm.s32 @!p0 $0x2  }
0x3d: {  	_ =	swait.ge @!p0 [sflag:s0], s1  }
0x3e: {  	s1 =	ssub.s32 @!p0 $0x0, s1;
	[sflag:s0] =	ssyncset.done @!p0 $0x0  }
0x3f: {  	[sflag:s0] =	ssyncadd.s32 @!p0 s1  }
0x40: {  	[bflag:$0x3] =	sbarrier.arrive $0xFFFF  }
0x41: {  	_ =	shalt  }

// kernel: kernel.25.cloned.1.call-start
scs
__scs_entry_jumppad:
0x0: {  	(pc) =	sbr.rel $0x88, $3  }
0x1: {  	(tag) =	ssettag $0x0;
	lr =	simm.s32 $0x1  }
0x2: {  	[smem:$0x3F9B] =	sst lr;
	_ =	strace $0xD0000000  }
0x3: {  	_ = 	snop  }
0x4: {  	_ = 	snop  }
0x5: {  	_ = 	snop  }
0x6: {  	_ = 	snop  }
0x7: {  	_ = 	snop  }
__scs_overlays_trampoline_lowered:
0x8: {  	[smem:$0x3FAA] =	sst s0  }
0x9: {  	[smem:$0x3FAB] =	sst s1  }
0xa: {  	[smem:$0x3FAC] =	sst s2  }
0xb: {  	[smem:$0x3FAD] =	sst s3  }
0xc: {  	[smem:$0x3FAE] =	sst s4  }
0xd: {  	[smem:$0x3FAF] =	sst s5  }
0xe: {  	[smem:$0x3FB0] =	sst s6  }
0xf: {  	[smem:$0x3FB1] =	sst s7  }
0x10: {  	[smem:$0x3FB2] =	sst s8  }
0x11: {  	[smem:$0x3FB3] =	sst s9;
	s0 =	simm.s32 @!p0 $0x0  }
0x12: {  	s1 =	sld [smem:$0x3F99];
	s0 =	simm.s32 @p0 $0x1  }
0x13: {  	[smem:$0x3FB4] =	sst s0;
	s0 =	simm.s32 @!p1 $0x0  }
0x14: {  	s2 =	sld [smem:$0x3F98];
	s0 =	simm.s32 @p1 $0x1  }
0x15: {  	[smem:$0x3FB5] =	sst s0;
	s0 =	simm.s32 @!p2 $0x0  }
0x16: {  	s3 =	sld [smem:$0x3FDB];
	s0 =	simm.s32 @p2 $0x1  }
0x17: {  	s4 =	simm.s32 $0x1BF5;
	[smem:$0x3FB7] =	sst s0  }
0x18: {  	s0 =	sld [smem:$0x3F9A];
	_ =	swait.ge [sflag:s4], $0x0  }
0x19: {  	s7 =	sld [smem:$0x3F9B]  }
0x1a: {  	s8 =	sadd.s32 $0xFFFFE003, lr  }
0x1b: {  	s9 =	sadd.s32 $0xFFFFFEF7, lr;
	s5 =	simm.s32 $0xFFFFFFFF;
	p2 =	slt.u32 s8, $0xFFFFF086  }
0x1c: {  	p1 =	slt.u32 s9, $0xF7A;
	s5 =	simm.s32 @!p2 $0x0  }
0x1d: {  	s5 =	simm.s32 @p1 $0x1;
	p0 =	seq.s32 s7, s2  }
0x1e: {  	s7 =	smul.u32 @!p0 $0xF7A, s2;
	p2 =	seq.s32 @!p0 s5, $0x0  }
0x1f: {  	s9 =	smul.u32 $0xF7A, s1;
	s8 =	simm.s32 @!p0 $0x1BF5;
	p2 =	por !p2, p0  }
0x20: {  	[sflag:s8] =	ssyncset.s32 @!p0 $0xFFFFF086;
	s6 =	sadd.s32 @!p0 s3, s7;
	s7 =	simm.s32 @!p0 $0x108  }
0x21: {  	s3 =	sadd.s32 s3, s9;
	s6 =	sadd.s32 @!p0 $0x88, s6;
	s7 =	simm.s32 @p2 $0x1082  }
0x22: {  	[simem:s7], [sflag:s8] =	dma.local @!p0 [hbm:s6], $0xF7A  }
0x23: {  	s9 =	sor.u32 $0xD0000000, s2;
	s6 =	simm.s32 $0x108;
	_ =	swait.ge @!p0 [sflag:s8], $0x0  }
0x24: {  	s3 =	sadd.s32 $0x88, s3;
	s6 =	simm.s32 @!p1 $0x1082;
	[sflag:s4] =	ssyncset.s32 $0xFFFFF086  }
0x25: {  	[simem:s6], [sflag:s4] =	dma.local [hbm:s3], $0xF7A  }
0x26: {  	[smem:$0x3F9B] =	sst s1;
	(tag) =	ssettag s2;
	_ =	strace s9  }
0x27: {  	s1 =	sld [smem:$0x3FAB]  }
0x28: {  	s2 =	sld [smem:$0x3FAC]  }
0x29: {  	s4 =	sld [smem:$0x3FAE]  }
0x2a: {  	p0 =	seq.s32 s5, $0x0;
	s5 =	sld [smem:$0x3FAF]  }
0x2b: {  	s6 =	sld [smem:$0x3FB0]  }
0x2c: {  	s7 =	sld [smem:$0x3FB1]  }
0x2d: {  	s3 =	simm.s32 $0x108;
	s8 =	sld [smem:$0x3FB2]  }
0x2e: {  	s3 =	simm.s32 @!p0 $0x1082;
	s9 =	sld [smem:$0x3FB3]  }
0x2f: {  	lr =	sadd.s32 s0, s3;
	s0 =	sld [smem:$0x3FAA]  }
0x30: {  	s3 =	sld [smem:$0x3FAD]  }
0x31: {  	[smem:$0x3FB6] =	sst s10  }
0x32: {  	s10 =	sld [smem:$0x3FB4];
	_ =	sdelay $0x3  }
0x33: {  	p0 =	seq.s32 s10, $0x1;
	s10 =	sld [smem:$0x3FB6];
	_ =	sdelay $0x3  }
0x34: {  	[smem:$0x3FB6] =	sst s10  }
0x35: {  	s10 =	sld [smem:$0x3FB5];
	_ =	sdelay $0x3  }
0x36: {  	p1 =	seq.s32 s10, $0x1;
	s10 =	sld [smem:$0x3FB6];
	_ =	sdelay $0x3  }
0x37: {  	[smem:$0x3FB6] =	sst s10  }
0x38: {  	s10 =	sld [smem:$0x3FB7]  }
0x39: {  	_ = 	snop;
	(pc) =	sbr.ind lr, $3  }
0x3a: {  	_ = 	snop  }
0x3b: {  	_ = 	snop  }
0x3c: {  	p2 =	seq.s32 s10, $0x1;
	s10 =	sld [smem:$0x3FB6]  }
0x3d: {  	_ =	shalt  }
0x3e: {  	_ =	shalt  }
0x3f: {  	_ =	shalt  }
0x40: {  	_ =	shalt  }
0x41: {  	_ =	shalt  }
0x42: {  	_ =	shalt  }
0x43: {  	_ =	shalt  }
0x44: {  	_ =	shalt  }
0x45: {  	_ =	shalt  }
0x46: {  	_ =	shalt  }
0x47: {  	_ =	shalt  }
0x48: {  	_ =	shalt  }
0x49: {  	_ =	shalt  }
0x4a: {  	_ =	shalt  }
0x4b: {  	_ =	shalt  }
0x4c: {  	_ =	shalt  }
0x4d: {  	_ =	shalt  }
0x4e: {  	_ =	shalt  }
0x4f: {  	_ =	shalt  }
0x50: {  	_ =	shalt  }
0x51: {  	_ =	shalt  }
0x52: {  	_ =	shalt  }
0x53: {  	_ =	shalt  }
0x54: {  	_ =	shalt  }
0x55: {  	_ =	shalt  }
0x56: {  	_ =	shalt  }
0x57: {  	_ =	shalt  }
0x58: {  	_ =	shalt  }
0x59: {  	_ =	shalt  }
0x5a: {  	_ =	shalt  }
0x5b: {  	_ =	shalt  }
0x5c: {  	_ =	shalt  }
0x5d: {  	_ =	shalt  }
0x5e: {  	_ =	shalt  }
0x5f: {  	_ =	shalt  }
0x60: {  	_ =	shalt  }
0x61: {  	_ =	shalt  }
0x62: {  	_ =	shalt  }
0x63: {  	_ =	shalt  }
0x64: {  	_ =	shalt  }
0x65: {  	_ =	shalt  }
0x66: {  	_ =	shalt  }
0x67: {  	_ =	shalt  }
0x68: {  	_ =	shalt  }
0x69: {  	_ =	shalt  }
0x6a: {  	_ =	shalt  }
0x6b: {  	_ =	shalt  }
0x6c: {  	_ =	shalt  }
0x6d: {  	_ =	shalt  }
0x6e: {  	_ =	shalt  }
0x6f: {  	_ =	shalt  }
0x70: {  	_ =	shalt  }
0x71: {  	_ =	shalt  }
0x72: {  	_ =	shalt  }
0x73: {  	_ =	shalt  }
0x74: {  	_ =	shalt  }
0x75: {  	_ =	shalt  }
0x76: {  	_ =	shalt  }
0x77: {  	_ =	shalt  }
0x78: {  	_ =	shalt  }
0x79: {  	_ =	shalt  }
0x7a: {  	_ =	shalt  }
0x7b: {  	_ =	shalt  }
0x7c: {  	_ =	shalt  }
0x7d: {  	_ =	shalt  }
0x7e: {  	_ =	shalt  }
0x7f: {  	_ =	shalt  }
0x80: {  	_ =	shalt  }
0x81: {  	_ =	shalt  }
0x82: {  	_ =	shalt  }
0x83: {  	_ =	shalt  }
0x84: {  	_ =	shalt  }
0x85: {  	_ =	shalt  }
0x86: {  	_ =	shalt  }
0x87: {  	_ =	shalt  }
.Lfunc_end0:
.L_simem_size_0:
called_computation.4_lowered:
.L_overlay_start_0:
0x88: {  	s2 =	sld [smem:$0x3FD9]  }
0x89: {  	s3 =	sld [smem:$0x3FFE];
	_ =	sdelay $0x1  }
0x8a: {  	s1 =	srdreg.scid  }
0x8b: {  	s0 =	sand.u32 $0x1, s1  }
0x8c: {  	s17 =	sshll.u32 s0, $0xA;
	s2 =	sadd.s32 s3, s2  }
0x8d: {  	s2 =	sadd.s32 s2, s17  }
0x8e: {  	[smem:$0x3FC2] =	sst s2  }
0x8f: {  	_ = 	snop  }
0x90: {  	(tm) =	ssettm $0x1  }
0x91: {  	s18 =	sld [smem:$0x3FFB];
	_ =	sdelay $0x3  }
0x92: {  	_ =	strace s18  }
0x93: {  	s2 =	sld [smem:$0x3FFC];
	_ =	sdelay $0x3  }
0x94: {  	_ =	strace s2  }
0x95: {  	s2 =	sld [smem:$0x3FFD];
	_ =	sdelay $0x3  }
0x96: {  	_ =	strace s2  }
0x97: {  	_ =	strace $0x8FFFFFFF  }
0x98: {  	s19 =	sld [smem:$0x3FDB];
	_ =	sdelay $0x1  }
0x99: {  	s20 =	simm.s32 $_scs_section_size  }
0x9a: {  	s4 =	simm.s32 $_size__tile_overlayer_lowered;
	s5 =	simm.s32 $_tile_overlayer_lowered  }
0x9b: {  	s6 =	simm.s32 $0x1BFF;
	s21 =	sshll.u32 s5, $0x1;
	s3 =	sadd.s32 s20, s19  }
0x9c: {  	s22 =	simm.s32 $0x0;
	s4 =	sshll.u32 s4, $0x1;
	s5 =	sadd.s32 s21, s3  }
0x9d: {  	[timem:s22], [sflag:s6] =	dma.local [hbm:s5], s4  }
0x9e: {  	_ =	swait.ge [sflag:s6], s4  }
0x9f: {  	s4 =	ssub.s32 $0x0, s4;
	[sflag:s6] =	ssyncset.done $0x0  }
0xa0: {  	[sflag:s6] =	ssyncadd.s32 s4;
	_ =	sdelay $0x1  }
0xa1: {  	s23 =	simm.s32 $0x1B8B  }
0xa2: {  	_ =	swait.ge [sflag:s23], $0x1  }
0xa3: {  	[sflag:s23] =	ssyncset.done $0x0  }
0xa4: {  	[sflag:s23] =	ssyncadd.s32 $0xFFFFFFFF  }
0xa5: {  	s4 =	sld [smem:$0x0]  }
0xa6: {  	s5 =	sand.u32 $0xFFFFFFFE, s1  }
0xa7: {  	p0 =	sne.s32 s1, s5  }
0xa8: {  	s5 =	sshll.u32 @p0 s5, $0xE  }
0xa9: {  	s5 =	sadd.s32 @p0 $0x11B8D, s5;
	s6 =	sshll.u32 @p0 s4, $0x11  }
0xaa: {  	s5 =	sor.u32 @p0 s6, s5  }
0xab: {  	[sflag:s5] =	ssyncadd.remote.s32 @p0 $0x1;
	_ =	sdelay $0x1  }
0xac: {  	s5 =	simm.s32 @p0 $0x1B8D  }
0xad: {  	_ =	swait.eq @p0 [sflag:s5], $0x1  }
0xae: {  	[sflag:s5] =	ssyncadd.s32 @p0 $0xFFFFFFFF  }
0xaf: {  	s6 =	sshll.u32 @!p0 s1, $0xE  }
0xb0: {  	s6 =	sor.u32 @!p0 $0x4000, s6;
	s5 =	simm.s32 @!p0 $0x1B8D  }
0xb1: {  	s4 =	sshll.u32 @!p0 s4, $0x11;
	s6 =	sadd.s32 @!p0 $0x11B8D, s6;
	_ =	swait.eq @!p0 [sflag:s5], $0x1  }
0xb2: {  	s4 =	sor.u32 @!p0 s4, s6;
	[sflag:s5] =	ssyncadd.s32 @!p0 $0xFFFFFFFF  }
0xb3: {  	s25 =	simm.s32 $0x1B8E;
	s24 =	sld [smem:$0x3FFE];
	[sflag:s4] =	ssyncadd.remote.s32 @!p0 $0x1  }
0xb4: {  	s26 =	simm.s32 $execute0_lowered;
	[smem:$0x3FD2] =	sst s25  }
0xb5: {  	s5 =	sshll.u32 s26, $0x1;
	_ =	strace $0x80000052;
	[dreg:$0x1] =	wrdreg $0xFFFFFFFF  }
0xb6: {  	s28 =	simm.s32 $_size_execute0_lowered;
	s3 =	sadd.s32 s3, s5;
	[dreg:$0x0] =	wrdreg $0x0  }
0xb7: {  	s5 =	sshll.u32 s28, $0x1;
	[dreg:$0x2] =	wrdreg s3  }
0xb8: {  	[dreg:$0x3] =	wrdreg s5  }
0xb9: {  	[dreg:$0x4] =	wrdreg $0xC0  }
0xba: {  	_ =	task [dreg:s22], $0x5FFFF  }
0xbb: {  	[dreg:$0x1] =	wrdreg $0xFFFFFFFF  }
0xbc: {  	[dreg:$0x0] =	wrdreg $0x60  }
0xbd: {  	[dreg:$0x2] =	wrdreg s24  }
0xbe: {  	[dreg:$0x3] =	wrdreg $0xD  }
0xbf: {  	_ =	task.clear_ibuf [dreg:s22], $0x4FFFF;
	_ =	strace $0x90000052  }
0xc0: {  	s29 =	simm.s32 $0xD;
	_ =	strace $0x80000054  }
0xc1: {  	_ =	swait.ge [sflag:s29], $0x1  }
0xc2: {  	[sflag:s29] =	ssyncadd.s32 $0xFFFFFFFF  }
0xc3: {  	_ =	strace $0x90000054  }
0xc4: {  	_ =	sfence  }
0xc5: {  	s30 =	sld [smem:$0x0];
	_ =	sdelay $0x2  }
0xc6: {  	s31 =	sshll.u32 s1, $0xD;
	s1 =	sshrl.u32 s1, $0x2  }
0xc7: {  	s4 =	sand.u32 $0x4000, s31;
	s1 =	sadd.s32 s1, s30  }
0xc8: {  	s0 =	sor.u32 s4, s0;
	s1 =	sshll.u32 s1, $0x11  }
0xc9: {  	s0 =	sor.u32 s1, s0  }
0xca: {  	s0 =	sadd.s32 $0x8F2B, s0  }
0xcb: {  	[sflag:s0] =	ssyncadd.remote.s32 $0x1  }
0xcc: {  	_ =	sfence.sel $0xFFFF  }
0xcd: {  	[dreg:$0x0] =	wrdreg $0xFFFFFFFF;
	(pc) =	sbr.abs _section_cstart, $3  }
0xce: {  	[dreg:$0x1] =	wrdreg $0xFFFFFFFF  }
0xcf: {  	_ =	task.clear_ibuf [dreg:s22], $0x2FFFF;
	_ =	strace $0x9FFFFFFF  }
0xd0: {  	(tm) =	ssettm $0x7FFFFFFF  }
0xd1: {  	_ =	shalt  }
tec
execute0_lowered:
.L_overlay_start_1:
0x0: {  	(tag) =	ssettag $0x1  }
0x1: {  	s3 =	rddreg [dreg:$0x0]  }
0x2: {  	s0 =	rddreg [dreg:$0x1];
	s1 =	stileid.u32  }
0x3: {  	s4 =	srdreg.scid;
	s5 =	smul.u32 $0xA00, s1  }
0x4: {  	s2 =	simm.s32 $0x0;
	s4 =	sand.u32 $0x1, s4;
	s29 =	smul.u32 $0xA000, s1  }
0x5: {  	[smem:$0x7FF] =	sst s2;
	s6 =	smul.u32 $0x500, s4  }
0x6: {  	_ =	strace $0x80000053;
	s7 =	ssub.s32 $0x2, s4;
	s9 =	smul.u32 $0x5000, s4  }
0x7: {  	s8 =	sshrl.u32 s7, $0x1;
	s30 =	sadd.s32 s29, s3;
	s5 =	sadd.s32 s6, s5  }
0x8: {  	s31 =	ssub.s32 s7, s8;
	s7 =	simm.s32 $0x2;
	s5 =	sshrl.u32 s5, $0x3  }
0x9: {  	s8 =	simm.s32 $0x80;
	s4 =	smax.u32 s31, $0x1;
	s10 =	sadd.s32 s5, s3  }
0xa: {  	s3 =	sadd.s32 $0x30FE00, s3;
	s5 =	sadd.s32 s9, s30;
	s9 =	simm.s32 $0x1  }
0xb: {  	s5 =	sadd.s32 $0x496800, s5;
	s6 =	sadd.s32 $0xA5200, s10;
	s10 =	simm.s32 $0x0  }
.LBB2_1:
0xc: {  	s11 =	sadd.s32 $0x0, s6  }
0xd: {  	[tilespmem:s2], [sflag:$0x2] =	stream.linear.gather [hbm4b:s11+s2], $0x80, $0x38;
	[tilespmem:$0x4080] =	vst v63  }
0xe: {  	_ =	swait.ge [sflag:s7], $0x80  }
0xf: {  	[sflag:s7] =	ssyncset.done $0x0  }
0x10: {  	[sflag:s7] =	ssyncadd.s32 $0xFFFFFF80  }
0x11: {  	[tilespmem:s8], [sflag:$0x1] =	stream.indirect.gather [hbm4b:s3+s8], $0x80, s2, s8, $0xb8;
	[tilespmem:$0x4080] =	vst v63  }
0x12: {  	_ =	swait.ge [sflag:s9], $0x4000  }
0x13: {  	[sflag:s9] =	ssyncset.done $0x0  }
0x14: {  	[sflag:s9] =	ssyncadd.s32 $0xFFFFC000  }
0x15: {  	[hbm4b:s5+s2] =	stream.linear.scatter [tilespmem:s8], [sflag:$0x2], $0x4000, $0x38;
	[tilespmem:$0x4080] =	vst v63  }
0x16: {  	s12 =	simm.s32 $0x10;
	_ =	swait.ge [sflag:s7], $0x4000  }
0x17: {  	s13 =	simm.s32 $0x20;
	s11 =	sadd.s32 $0x800, s5;
	[sflag:s7] =	ssyncset.done $0x0  }
.LBB2_2:
0x18: {  	s14 =	sadd.s32 s12, s6  }
0x19: {  	[sflag:s7] =	ssyncadd.s32 $0xFFFFC000;
	s12 =	smov.u32 s13;
	s15 =	sadd.s32 $0x10, s13  }
0x1a: {  	[tilespmem:s2], [sflag:$0x2] =	stream.linear.gather [hbm4b:s14+s2], $0x80, $0x38;
	[tilespmem:$0x4080] =	vst v63  }
0x1b: {  	p0 =	sne.s32 s13, $0x90;
	_ =	swait.ge [sflag:s7], $0x80  }
0x1c: {  	[sflag:s7] =	ssyncset.done $0x0  }
0x1d: {  	[sflag:s7] =	ssyncadd.s32 $0xFFFFFF80  }
0x1e: {  	[tilespmem:s8], [sflag:$0x1] =	stream.indirect.gather [hbm4b:s3+s8], $0x80, s2, s8, $0xb8;
	[tilespmem:$0x4080] =	vst v63  }
0x1f: {  	_ =	swait.ge [sflag:s9], $0x4000  }
.Ltmp0:
0x20: {  	[sflag:s9] =	ssyncset.done $0x0;
	(pc) =	sbr.rel @p0 .LBB2_2-.Ltmp0, $4  }
0x21: {  	[sflag:s9] =	ssyncadd.s32 $0xFFFFC000  }
0x22: {  	[hbm4b:s11+s2] =	stream.linear.scatter [tilespmem:s8], [sflag:$0x2], $0x4000, $0x38;
	[tilespmem:$0x4080] =	vst v63  }
0x23: {  	_ =	swait.ge [sflag:s7], $0x4000  }
0x24: {  	s13 =	smov.u32 s15;
	s11 =	sadd.s32 $0x800, s11;
	[sflag:s7] =	ssyncset.done $0x0  }
0x25: {  	s12 =	sadd.s32 s12, s6;
	[sflag:s7] =	ssyncadd.s32 $0xFFFFC000  }
0x26: {  	[tilespmem:s2], [sflag:$0x2] =	stream.linear.gather [hbm4b:s12+s2], $0x80, $0x38;
	[tilespmem:$0x4080] =	vst v63  }
0x27: {  	_ =	swait.ge [sflag:s7], $0x80  }
0x28: {  	[sflag:s7] =	ssyncset.done $0x0  }
0x29: {  	[sflag:s7] =	ssyncadd.s32 $0xFFFFFF80  }
0x2a: {  	[tilespmem:s8], [sflag:$0x1] =	stream.indirect.gather [hbm4b:s3+s8], $0x80, s2, s8, $0xb8;
	[tilespmem:$0x4080] =	vst v63  }
0x2b: {  	s10 =	sadd.s32 $0x1, s10;
	_ =	swait.ge [sflag:s9], $0x4000  }
0x2c: {  	p0 =	sne.s32 s10, s4;
	[sflag:s9] =	ssyncset.done $0x0  }
.Ltmp1:
0x2d: {  	[sflag:s9] =	ssyncadd.s32 $0xFFFFC000;
	(pc) =	sbr.rel @p0 .LBB2_1-.Ltmp1, $4  }
0x2e: {  	[hbm4b:s11+s2] =	stream.linear.scatter [tilespmem:s8], [sflag:$0x2], $0x4000, $0x38;
	[tilespmem:$0x4080] =	vst v63  }
0x2f: {  	_ =	swait.ge [sflag:s7], $0x4000  }
0x30: {  	[sflag:s7] =	ssyncset.done $0x0  }
0x31: {  	[sflag:s7] =	ssyncadd.s32 $0xFFFFC000  }
0x32: {  	_ =	sfence.sel $0x180000  }
0x33: {  	[bflag:$0x0] =	sbarrier.arrive $0xFFFF  }
0x34: {  	p0 =	sne.s32 s1, $0x0;
	_ =	strace $0x90000053  }
0x35: {  	s0 =	sadd.s32 @!p0 $0x100000, s0;
	[bflag:$0x2] =	sbarrier.arrive $0xFFFF  }
0x36: {  	[sflag:s0] =	ssyncadd.tile.s32 @!p0 $0x1;
	_ =	shalt  }
.Lfunc_end2:
_tile_overlayer_lowered:
.L_overlay_start_2:
0x37: {  	(tag) =	ssettag $0x2  }
0x38: {  	s0 =	rddreg [dreg:$0x0];
	s2 =	stileid.u32  }
0x39: {  	s1 =	rddreg [dreg:$0x1];
	p0 =	sne.s32 s2, $0x0  }
0x3a: {  	s3 =	rddreg [dreg:$0x2];
	[bflag:$0x3] =	sbarrier.arrive $0xFFFF;
	s2 =	simm.s32 @!p0 $0x1C02  }
0x3b: {  	[timem:s3], [sflag:s2] =	dma.local @!p0 [hbm:s0], s1  }
0x3c: {  	s0 =	simm.s32 @!p0 $0x2  }
0x3d: {  	_ =	swait.ge @!p0 [sflag:s0], s1  }
0x3e: {  	s1 =	ssub.s32 @!p0 $0x0, s1;
	[sflag:s0] =	ssyncset.done @!p0 $0x0  }
0x3f: {  	[sflag:s0] =	ssyncadd.s32 @!p0 s1  }
0x40: {  	[bflag:$0x3] =	sbarrier.arrive $0xFFFF  }
0x41: {  	_ =	shalt  }

</sc_bundles>
